<compile_context>
chip_gen: v7x
topology: tpu7x:2x2x1
jax: 0.10.2.dev20260603
libtpu: 0.0.44.dev20260713+nightly
codegen_flags: <defaults>
</compile_context>

<pallas_src>
import functools
import math

import jax
import jax.numpy as jnp
from jax import lax
from jax.experimental import pallas as pl
from jax.experimental.pallas import tpu as pltpu
from jax.experimental.pallas import tpu_sc as plsc

VOCAB = 100000
EMB = 64
HID = 128
BATCH = 1024

TV = 1024
NT = math.ceil(VOCAB / TV)

_NC, _NS = 2, 16
_NW = _NC * _NS
_BPW = BATCH // _NW


_FPW = EMB // _NW
_NCK = BATCH // 128


@functools.cache
def _get_sc_gather():
    mesh = plsc.VectorSubcoreMesh(core_axis_name="c", subcore_axis_name="s")

    @functools.partial(
        pl.kernel,
        mesh=mesh,
        out_type=jax.ShapeDtypeStruct((EMB, BATCH), jnp.float32),
        scratch_types=[
            pltpu.VMEM((BATCH,), jnp.int32),
            pltpu.VMEM((_FPW * _NCK, 128), jnp.int32),
            pltpu.VMEM((_FPW, BATCH), jnp.float32),
            pltpu.SemaphoreType.DMA,
        ],
        compiler_params=pltpu.CompilerParams(use_tc_tiling_on_sc=False),
    )
    def sc_gather(flat_hbm, idx_hbm, out_hbm, iv, ixs, gat, sem):
        wid = lax.axis_index("s") * _NC + lax.axis_index("c")
        f0 = wid * _FPW
        pltpu.sync_copy(idx_hbm, iv)
        for f in range(_FPW):
            base = (f0 + f) * VOCAB
            for j in range(_NCK):
                for k in range(8):
                    ixs[f * _NCK + j, pl.ds(k * 16, 16)] = (
                        iv[pl.ds(j * 128 + k * 16, 16)] + base)
        cps = [
            pltpu.async_copy(flat_hbm.at[ixs.at[f * _NCK + j]],
                             gat.at[f, pl.ds(j * 128, 128)], sem)
            for f in range(_FPW) for j in range(_NCK)
        ]
        for cp in cps:
            cp.wait()
        pltpu.sync_copy(gat, out_hbm.at[pl.ds(f0, _FPW)])

    return sc_gather


_LOG2E = 1.4426950408889634
_LN2 = 0.6931471805599453
_NEG = -1e30


def _stats_body(emb_ref, w1_ref, b1_ref, w2t_ref, b2_ref,
                ht_ref, lse_ref, ht2_ref, m_ref, s_ref):
    t = pl.program_id(0)

    @pl.when(t == 0)
    def _init():
        ht = jnp.maximum(
            jnp.dot(w1_ref[...], emb_ref[...],
                    preferred_element_type=jnp.float32) + b1_ref[...], 0.0)
        ht_ref[...] = ht
        ht2_ref[...] = ht * _LOG2E
        m_ref[...] = jnp.full((1, BATCH), _NEG, jnp.float32)
        s_ref[...] = jnp.zeros((1, BATCH), jnp.float32)

    def fold(lg2):
        m_old = m_ref[...]
        m_new = jnp.maximum(m_old, jnp.max(lg2, axis=0, keepdims=True))
        s_ref[...] = (s_ref[...] * jnp.exp2(m_old - m_new)
                      + jnp.sum(jnp.exp2(lg2 - m_new), axis=0,
                                keepdims=True))
        m_ref[...] = m_new

    HTV = TV // 2

    def half_logits(i):
        ht2 = ht2_ref[...].astype(jnp.bfloat16)
        b2t = b2_ref[...].T * _LOG2E
        return jnp.dot(w2t_ref[pl.ds(i * HTV, HTV), :].astype(jnp.bfloat16),
                       ht2, preferred_element_type=jnp.float32) \
            + b2t[i * HTV:(i + 1) * HTV, :]

    @pl.when(t < NT - 1)
    def _hot():
        lgs = [half_logits(0), half_logits(1)]
        fold(lgs[0])
        fold(lgs[1])

    @pl.when(t == NT - 1)
    def _last():
        row = t * TV + lax.broadcasted_iota(jnp.int32, (TV, 1), 0)
        lgs = [half_logits(0), half_logits(1)]
        for i in range(2):
            fold(jnp.where(row[i * HTV:(i + 1) * HTV, :] < VOCAB,
                           lgs[i], _NEG))
        lse_ref[...] = m_ref[...] * _LN2 + jnp.log(s_ref[...])


def _write_body(ht_ref, lse_ref, w2t_ref, b2_ref, out_ref):
    logits = jnp.dot(w2t_ref[...].astype(jnp.bfloat16),
                     ht_ref[...].astype(jnp.bfloat16),
                     preferred_element_type=jnp.float32) + b2_ref[...].T
    out_ref[...] = logits - lse_ref[...]


def kernel(inputs, emb_table, W1, b1, W2, b2):
    b1c = b1.reshape(HID, 1)
    b2r = b2.reshape(1, VOCAB)
    W1T = W1.T
    W2T = W2.T
    emb_flat = emb_table.T.reshape(-1)

    embt = _get_sc_gather()(emb_flat, inputs)

    ht, lse = pl.pallas_call(
        _stats_body,
        grid=(NT,),
        in_specs=[
            pl.BlockSpec((EMB, BATCH), lambda t: (0, 0)),
            pl.BlockSpec((HID, EMB), lambda t: (0, 0)),
            pl.BlockSpec((HID, 1), lambda t: (0, 0)),
            pl.BlockSpec((TV, HID), lambda t: (t, 0)),
            pl.BlockSpec((1, TV), lambda t: (0, t)),
        ],
        out_specs=[
            pl.BlockSpec((HID, BATCH), lambda t: (0, 0)),
            pl.BlockSpec((1, BATCH), lambda t: (0, 0)),
        ],
        out_shape=[
            jax.ShapeDtypeStruct((HID, BATCH), jnp.float32),
            jax.ShapeDtypeStruct((1, BATCH), jnp.float32),
        ],
        scratch_shapes=[
            pltpu.VMEM((HID, BATCH), jnp.float32),
            pltpu.VMEM((1, BATCH), jnp.float32),
            pltpu.VMEM((1, BATCH), jnp.float32),
        ],
    )(embt, W1T, b1c, W2T, b2r)

    log_probs_t = pl.pallas_call(
        _write_body,
        grid=(NT,),
        in_specs=[
            pl.BlockSpec((HID, BATCH), lambda t: (0, 0)),
            pl.BlockSpec((1, BATCH), lambda t: (0, 0)),
            pl.BlockSpec((TV, HID), lambda t: (t, 0)),
            pl.BlockSpec((1, TV), lambda t: (0, t)),
        ],
        out_specs=pl.BlockSpec((TV, BATCH), lambda t: (t, 0)),
        out_shape=jax.ShapeDtypeStruct((VOCAB, BATCH), jnp.float32),
        compiler_params=pltpu.CompilerParams(
            dimension_semantics=("arbitrary",),
        ),
    )(ht, lse, W2T, b2r)

    return log_probs_t.T

# --- scband reference (transcript-rebuilt; emitter-appended) ---
"""Pipeline reference for scband-bigram-language-model-36721970381057 (READ-ONLY COPY).

The authoritative reference and input builder live on the scoring server;
editing this copy changes nothing except your own understanding.
"""

import jax, jax.numpy as jnp
import numpy as np

VOCAB = 100000
EMB = 64
HID = 128
B = 1024


def setup_inputs(seed: int = 0) -> dict:
    key = jax.random.key(seed)
    k_idx, k_emb, k_w1, k_b1, k_w2, k_b2 = jax.random.split(key, 6)
    inputs = jax.random.randint(k_idx, (B,), 0, VOCAB, dtype=jnp.int32)
    emb_table = jax.random.normal(k_emb, (VOCAB, EMB), dtype=jnp.float32)
    bound1 = 1.0 / np.sqrt(EMB)
    W1 = jax.random.uniform(k_w1, (EMB, HID), dtype=jnp.float32, minval=-bound1, maxval=bound1)
    b1 = jax.random.uniform(k_b1, (HID,), dtype=jnp.float32, minval=-bound1, maxval=bound1)
    bound2 = 1.0 / np.sqrt(HID)
    W2 = jax.random.uniform(k_w2, (HID, VOCAB), dtype=jnp.float32, minval=-bound2, maxval=bound2)
    b2 = jax.random.uniform(k_b2, (VOCAB,), dtype=jnp.float32, minval=-bound2, maxval=bound2)
    return {"inputs": inputs, "emb_table": emb_table, "W1": W1, "b1": b1, "W2": W2, "b2": b2}


def reference(inputs, emb_table, W1, b1, W2, b2):
    # nn.Embedding lookup -> gather
    embeds = jnp.take(emb_table, inputs, axis=0)          # [B, EMB]
    # linear1 + relu
    h = jnp.maximum(embeds @ W1 + b1, 0.0)                 # [B, HID]
    # linear2
    logits = h @ W2 + b2                                   # [B, VOCAB]
    # log_softmax over dim=1
    log_probs = jax.nn.log_softmax(logits, axis=1)
    return log_probs

if __name__ == "__main__":
    import jax
    _d = setup_inputs()
    print(jax.jit(kernel)(*tuple(_d.values())))

</pallas_src>

<mosaic_0001>
#map = affine_map<(d0, d1) -> (0)>
#map1 = affine_map<(d0, d1) -> (0, 0)>
module attributes {stable_mosaic.version = 14 : i64} {
  func.func @sc_gather(%arg0: i32, %arg1: i32, %arg2: memref<6400000xf32, #tpu.memory_space<hbm>>, %arg3: memref<1024xi32, #tpu.memory_space<hbm>>, %arg4: memref<64x1024xf32, #tpu.memory_space<hbm>>, %arg5: memref<1024xi32, #tpu.memory_space<vmem>>, %arg6: memref<16x128xi32, #tpu.memory_space<vmem>>, %arg7: memref<2x1024xf32, #tpu.memory_space<vmem>>, %arg8: memref<!tpu.dma_semaphore, #tpu.memory_space<semaphore_mem>>) attributes {dimension_semantics = [#tpu.dimension_semantics<core_parallel>, #tpu.dimension_semantics<subcore_parallel>], iteration_bounds = array<i64: 2, 16>, scalar_prefetch = 0 : i64, scratch_operands = 4 : i64, tpu.core_type = #tpu.core_type<sc_vector_subcore>, window_params = [{transform_indices = #map}, {transform_indices = #map}, {transform_indices = #map1}]} {
    %mul3A = arith.constant 2 : i32
    %mul3A_0 = arith.muli %arg1, %mul3A : i32
    %add3A = arith.addi %mul3A_0, %arg0 : i32
    %mul3A_1 = arith.constant 2 : i32
    %mul3A_2 = arith.muli %add3A, %mul3A_1 : i32
    "tpu.region"() ({
      %run_scoped3A = tpu.sem_alloc : memref<!tpu.dma_semaphore, #tpu.memory_space<semaphore_mem>>
      tpu.enqueue_dma source(%arg3 : memref<1024xi32, #tpu.memory_space<hbm>>) target(%arg5 : memref<1024xi32, #tpu.memory_space<vmem>>) target_semaphore(%run_scoped3A : memref<!tpu.dma_semaphore, #tpu.memory_space<semaphore_mem>>)
      tpu.wait_dma2 semaphore(%run_scoped3A : memref<!tpu.dma_semaphore, #tpu.memory_space<semaphore_mem>>) src(%arg3 : memref<1024xi32, #tpu.memory_space<hbm>>) dst(%arg5 : memref<1024xi32, #tpu.memory_space<vmem>>)
      tpu.yield
    }) : () -> ()
    %add3A_3 = arith.constant 0 : i32
    %add3A_4 = arith.addi %mul3A_2, %add3A_3 : i32
    %mul3A_5 = arith.constant 100000 : i32
    %mul3A_6 = arith.muli %add3A_4, %mul3A_5 : i32
    %get3A = arith.constant 0 : index
    %get3A_7 = tpu.vector_load %arg5[%get3A] {strides = array<i32>} : memref<1024xi32, #tpu.memory_space<vmem>>, vector<16xi32>,
    %get3A_8 = vector.shape_cast %get3A_7 : vector<16xi32> to vector<16xi32>
    %add3A_9 = vector.broadcast %mul3A_6 : i32 to vector<16xi32>
    %add3A_10 = arith.addi %get3A_8, %add3A_9 : vector<16xi32>
    %swap3A = arith.constant 0 : i32
    %swap3A_11 = arith.index_cast %swap3A : i32 to index
    %swap3A_12 = arith.constant 0 : index
    %swap3A_13 = tpu.vector_load %arg6[%swap3A_11, %swap3A_12] {strides = array<i32>} : memref<16x128xi32, #tpu.memory_space<vmem>>, vector<1x16xi32>,
    %swap3A_14 = vector.shape_cast %swap3A_13 : vector<1x16xi32> to vector<16xi32>
    %swap3A_15 = vector.shape_cast %add3A_10 : vector<16xi32> to vector<1x16xi32>
    tpu.vector_store %arg6[%swap3A_11, %swap3A_12], %swap3A_15 {strides = array<i32>} : memref<16x128xi32, #tpu.memory_space<vmem>>, vector<1x16xi32>,
    %get3A_16 = arith.constant 16 : index
    %get3A_17 = tpu.vector_load %arg5[%get3A_16] {strides = array<i32>} : memref<1024xi32, #tpu.memory_space<vmem>>, vector<16xi32>,
    %get3A_18 = vector.shape_cast %get3A_17 : vector<16xi32> to vector<16xi32>
    %add3A_19 = vector.broadcast %mul3A_6 : i32 to vector<16xi32>
    %add3A_20 = arith.addi %get3A_18, %add3A_19 : vector<16xi32>
    %swap3A_21 = arith.constant 0 : i32
    %swap3A_22 = arith.index_cast %swap3A_21 : i32 to index
    %swap3A_23 = arith.constant 16 : index
    %swap3A_24 = tpu.vector_load %arg6[%swap3A_22, %swap3A_23] {strides = array<i32>} : memref<16x128xi32, #tpu.memory_space<vmem>>, vector<1x16xi32>,
    %swap3A_25 = vector.shape_cast %swap3A_24 : vector<1x16xi32> to vector<16xi32>
    %swap3A_26 = vector.shape_cast %add3A_20 : vector<16xi32> to vector<1x16xi32>
    tpu.vector_store %arg6[%swap3A_22, %swap3A_23], %swap3A_26 {strides = array<i32>} : memref<16x128xi32, #tpu.memory_space<vmem>>, vector<1x16xi32>,
    %get3A_27 = arith.constant 32 : index
    %get3A_28 = tpu.vector_load %arg5[%get3A_27] {strides = array<i32>} : memref<1024xi32, #tpu.memory_space<vmem>>, vector<16xi32>,
    %get3A_29 = vector.shape_cast %get3A_28 : vector<16xi32> to vector<16xi32>
    %add3A_30 = vector.broadcast %mul3A_6 : i32 to vector<16xi32>
    %add3A_31 = arith.addi %get3A_29, %add3A_30 : vector<16xi32>
    %swap3A_32 = arith.constant 0 : i32
    %swap3A_33 = arith.index_cast %swap3A_32 : i32 to index
    %swap3A_34 = arith.constant 32 : index
    %swap3A_35 = tpu.vector_load %arg6[%swap3A_33, %swap3A_34] {strides = array<i32>} : memref<16x128xi32, #tpu.memory_space<vmem>>, vector<1x16xi32>,
    %swap3A_36 = vector.shape_cast %swap3A_35 : vector<1x16xi32> to vector<16xi32>
    %swap3A_37 = vector.shape_cast %add3A_31 : vector<16xi32> to vector<1x16xi32>
    tpu.vector_store %arg6[%swap3A_33, %swap3A_34], %swap3A_37 {strides = array<i32>} : memref<16x128xi32, #tpu.memory_space<vmem>>, vector<1x16xi32>,
    %get3A_38 = arith.constant 48 : index
    %get3A_39 = tpu.vector_load %arg5[%get3A_38] {strides = array<i32>} : memref<1024xi32, #tpu.memory_space<vmem>>, vector<16xi32>,
    %get3A_40 = vector.shape_cast %get3A_39 : vector<16xi32> to vector<16xi32>
    %add3A_41 = vector.broadcast %mul3A_6 : i32 to vector<16xi32>
    %add3A_42 = arith.addi %get3A_40, %add3A_41 : vector<16xi32>
    %swap3A_43 = arith.constant 0 : i32
    %swap3A_44 = arith.index_cast %swap3A_43 : i32 to index
    %swap3A_45 = arith.constant 48 : index
    %swap3A_46 = tpu.vector_load %arg6[%swap3A_44, %swap3A_45] {strides = array<i32>} : memref<16x128xi32, #tpu.memory_space<vmem>>, vector<1x16xi32>,
    %swap3A_47 = vector.shape_cast %swap3A_46 : vector<1x16xi32> to vector<16xi32>
    %swap3A_48 = vector.shape_cast %add3A_42 : vector<16xi32> to vector<1x16xi32>
    tpu.vector_store %arg6[%swap3A_44, %swap3A_45], %swap3A_48 {strides = array<i32>} : memref<16x128xi32, #tpu.memory_space<vmem>>, vector<1x16xi32>,
    %get3A_49 = arith.constant 64 : index
    %get3A_50 = tpu.vector_load %arg5[%get3A_49] {strides = array<i32>} : memref<1024xi32, #tpu.memory_space<vmem>>, vector<16xi32>,
    %get3A_51 = vector.shape_cast %get3A_50 : vector<16xi32> to vector<16xi32>
    %add3A_52 = vector.broadcast %mul3A_6 : i32 to vector<16xi32>
    %add3A_53 = arith.addi %get3A_51, %add3A_52 : vector<16xi32>
    %swap3A_54 = arith.constant 0 : i32
    %swap3A_55 = arith.index_cast %swap3A_54 : i32 to index
    %swap3A_56 = arith.constant 64 : index
    %swap3A_57 = tpu.vector_load %arg6[%swap3A_55, %swap3A_56] {strides = array<i32>} : memref<16x128xi32, #tpu.memory_space<vmem>>, vector<1x16xi32>,
    %swap3A_58 = vector.shape_cast %swap3A_57 : vector<1x16xi32> to vector<16xi32>
    %swap3A_59 = vector.shape_cast %add3A_53 : vector<16xi32> to vector<1x16xi32>
    tpu.vector_store %arg6[%swap3A_55, %swap3A_56], %swap3A_59 {strides = array<i32>} : memref<16x128xi32, #tpu.memory_space<vmem>>, vector<1x16xi32>,
    %get3A_60 = arith.constant 80 : index
    %get3A_61 = tpu.vector_load %arg5[%get3A_60] {strides = array<i32>} : memref<1024xi32, #tpu.memory_space<vmem>>, vector<16xi32>,
    %get3A_62 = vector.shape_cast %get3A_61 : vector<16xi32> to vector<16xi32>
    %add3A_63 = vector.broadcast %mul3A_6 : i32 to vector<16xi32>
    %add3A_64 = arith.addi %get3A_62, %add3A_63 : vector<16xi32>
    %swap3A_65 = arith.constant 0 : i32
    %swap3A_66 = arith.index_cast %swap3A_65 : i32 to index
    %swap3A_67 = arith.constant 80 : index
    %swap3A_68 = tpu.vector_load %arg6[%swap3A_66, %swap3A_67] {strides = array<i32>} : memref<16x128xi32, #tpu.memory_space<vmem>>, vector<1x16xi32>,
    %swap3A_69 = vector.shape_cast %swap3A_68 : vector<1x16xi32> to vector<16xi32>
    %swap3A_70 = vector.shape_cast %add3A_64 : vector<16xi32> to vector<1x16xi32>
    tpu.vector_store %arg6[%swap3A_66, %swap3A_67], %swap3A_70 {strides = array<i32>} : memref<16x128xi32, #tpu.memory_space<vmem>>, vector<1x16xi32>,
    %get3A_71 = arith.constant 96 : index
    %get3A_72 = tpu.vector_load %arg5[%get3A_71] {strides = array<i32>} : memref<1024xi32, #tpu.memory_space<vmem>>, vector<16xi32>,
    %get3A_73 = vector.shape_cast %get3A_72 : vector<16xi32> to vector<16xi32>
    %add3A_74 = vector.broadcast %mul3A_6 : i32 to vector<16xi32>
    %add3A_75 = arith.addi %get3A_73, %add3A_74 : vector<16xi32>
    %swap3A_76 = arith.constant 0 : i32
    %swap3A_77 = arith.index_cast %swap3A_76 : i32 to index
    %swap3A_78 = arith.constant 96 : index
    %swap3A_79 = tpu.vector_load %arg6[%swap3A_77, %swap3A_78] {strides = array<i32>} : memref<16x128xi32, #tpu.memory_space<vmem>>, vector<1x16xi32>,
    %swap3A_80 = vector.shape_cast %swap3A_79 : vector<1x16xi32> to vector<16xi32>
    %swap3A_81 = vector.shape_cast %add3A_75 : vector<16xi32> to vector<1x16xi32>
    tpu.vector_store %arg6[%swap3A_77, %swap3A_78], %swap3A_81 {strides = array<i32>} : memref<16x128xi32, #tpu.memory_space<vmem>>, vector<1x16xi32>,
    %get3A_82 = arith.constant 112 : index
    %get3A_83 = tpu.vector_load %arg5[%get3A_82] {strides = array<i32>} : memref<1024xi32, #tpu.memory_space<vmem>>, vector<16xi32>,
    %get3A_84 = vector.shape_cast %get3A_83 : vector<16xi32> to vector<16xi32>
    %add3A_85 = vector.broadcast %mul3A_6 : i32 to vector<16xi32>
    %add3A_86 = arith.addi %get3A_84, %add3A_85 : vector<16xi32>
    %swap3A_87 = arith.constant 0 : i32
    %swap3A_88 = arith.index_cast %swap3A_87 : i32 to index
    %swap3A_89 = arith.constant 112 : index
    %swap3A_90 = tpu.vector_load %arg6[%swap3A_88, %swap3A_89] {strides = array<i32>} : memref<16x128xi32, #tpu.memory_space<vmem>>, vector<1x16xi32>,
    %swap3A_91 = vector.shape_cast %swap3A_90 : vector<1x16xi32> to vector<16xi32>
    %swap3A_92 = vector.shape_cast %add3A_86 : vector<16xi32> to vector<1x16xi32>
    tpu.vector_store %arg6[%swap3A_88, %swap3A_89], %swap3A_92 {strides = array<i32>} : memref<16x128xi32, #tpu.memory_space<vmem>>, vector<1x16xi32>,
    %get3A_93 = arith.constant 128 : index
    %get3A_94 = tpu.vector_load %arg5[%get3A_93] {strides = array<i32>} : memref<1024xi32, #tpu.memory_space<vmem>>, vector<16xi32>,
    %get3A_95 = vector.shape_cast %get3A_94 : vector<16xi32> to vector<16xi32>
    %add3A_96 = vector.broadcast %mul3A_6 : i32 to vector<16xi32>
    %add3A_97 = arith.addi %get3A_95, %add3A_96 : vector<16xi32>
    %swap3A_98 = arith.constant 1 : i32
    %swap3A_99 = arith.index_cast %swap3A_98 : i32 to index
    %swap3A_100 = arith.constant 0 : index
    %swap3A_101 = tpu.vector_load %arg6[%swap3A_99, %swap3A_100] {strides = array<i32>} : memref<16x128xi32, #tpu.memory_space<vmem>>, vector<1x16xi32>,
    %swap3A_102 = vector.shape_cast %swap3A_101 : vector<1x16xi32> to vector<16xi32>
    %swap3A_103 = vector.shape_cast %add3A_97 : vector<16xi32> to vector<1x16xi32>
    tpu.vector_store %arg6[%swap3A_99, %swap3A_100], %swap3A_103 {strides = array<i32>} : memref<16x128xi32, #tpu.memory_space<vmem>>, vector<1x16xi32>,
    %get3A_104 = arith.constant 144 : index
    %get3A_105 = tpu.vector_load %arg5[%get3A_104] {strides = array<i32>} : memref<1024xi32, #tpu.memory_space<vmem>>, vector<16xi32>,
    %get3A_106 = vector.shape_cast %get3A_105 : vector<16xi32> to vector<16xi32>
    %add3A_107 = vector.broadcast %mul3A_6 : i32 to vector<16xi32>
    %add3A_108 = arith.addi %get3A_106, %add3A_107 : vector<16xi32>
    %swap3A_109 = arith.constant 1 : i32
    %swap3A_110 = arith.index_cast %swap3A_109 : i32 to index
    %swap3A_111 = arith.constant 16 : index
    %swap3A_112 = tpu.vector_load %arg6[%swap3A_110, %swap3A_111] {strides = array<i32>} : memref<16x128xi32, #tpu.memory_space<vmem>>, vector<1x16xi32>,
    %swap3A_113 = vector.shape_cast %swap3A_112 : vector<1x16xi32> to vector<16xi32>
    %swap3A_114 = vector.shape_cast %add3A_108 : vector<16xi32> to vector<1x16xi32>
    tpu.vector_store %arg6[%swap3A_110, %swap3A_111], %swap3A_114 {strides = array<i32>} : memref<16x128xi32, #tpu.memory_space<vmem>>, vector<1x16xi32>,
    %get3A_115 = arith.constant 160 : index
    %get3A_116 = tpu.vector_load %arg5[%get3A_115] {strides = array<i32>} : memref<1024xi32, #tpu.memory_space<vmem>>, vector<16xi32>,
    %get3A_117 = vector.shape_cast %get3A_116 : vector<16xi32> to vector<16xi32>
    %add3A_118 = vector.broadcast %mul3A_6 : i32 to vector<16xi32>
    %add3A_119 = arith.addi %get3A_117, %add3A_118 : vector<16xi32>
    %swap3A_120 = arith.constant 1 : i32
    %swap3A_121 = arith.index_cast %swap3A_120 : i32 to index
    %swap3A_122 = arith.constant 32 : index
    %swap3A_123 = tpu.vector_load %arg6[%swap3A_121, %swap3A_122] {strides = array<i32>} : memref<16x128xi32, #tpu.memory_space<vmem>>, vector<1x16xi32>,
    %swap3A_124 = vector.shape_cast %swap3A_123 : vector<1x16xi32> to vector<16xi32>
    %swap3A_125 = vector.shape_cast %add3A_119 : vector<16xi32> to vector<1x16xi32>
    tpu.vector_store %arg6[%swap3A_121, %swap3A_122], %swap3A_125 {strides = array<i32>} : memref<16x128xi32, #tpu.memory_space<vmem>>, vector<1x16xi32>,
    %get3A_126 = arith.constant 176 : index
    %get3A_127 = tpu.vector_load %arg5[%get3A_126] {strides = array<i32>} : memref<1024xi32, #tpu.memory_space<vmem>>, vector<16xi32>,
    %get3A_128 = vector.shape_cast %get3A_127 : vector<16xi32> to vector<16xi32>
    %add3A_129 = vector.broadcast %mul3A_6 : i32 to vector<16xi32>
    %add3A_130 = arith.addi %get3A_128, %add3A_129 : vector<16xi32>
    %swap3A_131 = arith.constant 1 : i32
    %swap3A_132 = arith.index_cast %swap3A_131 : i32 to index
    %swap3A_133 = arith.constant 48 : index
    %swap3A_134 = tpu.vector_load %arg6[%swap3A_132, %swap3A_133] {strides = array<i32>} : memref<16x128xi32, #tpu.memory_space<vmem>>, vector<1x16xi32>,
    %swap3A_135 = vector.shape_cast %swap3A_134 : vector<1x16xi32> to vector<16xi32>
    %swap3A_136 = vector.shape_cast %add3A_130 : vector<16xi32> to vector<1x16xi32>
    tpu.vector_store %arg6[%swap3A_132, %swap3A_133], %swap3A_136 {strides = array<i32>} : memref<16x128xi32, #tpu.memory_space<vmem>>, vector<1x16xi32>,
    %get3A_137 = arith.constant 192 : index
    %get3A_138 = tpu.vector_load %arg5[%get3A_137] {strides = array<i32>} : memref<1024xi32, #tpu.memory_space<vmem>>, vector<16xi32>,
    %get3A_139 = vector.shape_cast %get3A_138 : vector<16xi32> to vector<16xi32>
    %add3A_140 = vector.broadcast %mul3A_6 : i32 to vector<16xi32>
    %add3A_141 = arith.addi %get3A_139, %add3A_140 : vector<16xi32>
    %swap3A_142 = arith.constant 1 : i32
    %swap3A_143 = arith.index_cast %swap3A_142 : i32 to index
    %swap3A_144 = arith.constant 64 : index
    %swap3A_145 = tpu.vector_load %arg6[%swap3A_143, %swap3A_144] {strides = array<i32>} : memref<16x128xi32, #tpu.memory_space<vmem>>, vector<1x16xi32>,
    %swap3A_146 = vector.shape_cast %swap3A_145 : vector<1x16xi32> to vector<16xi32>
    %swap3A_147 = vector.shape_cast %add3A_141 : vector<16xi32> to vector<1x16xi32>
    tpu.vector_store %arg6[%swap3A_143, %swap3A_144], %swap3A_147 {strides = array<i32>} : memref<16x128xi32, #tpu.memory_space<vmem>>, vector<1x16xi32>,
    %get3A_148 = arith.constant 208 : index
    %get3A_149 = tpu.vector_load %arg5[%get3A_148] {strides = array<i32>} : memref<1024xi32, #tpu.memory_space<vmem>>, vector<16xi32>,
    %get3A_150 = vector.shape_cast %get3A_149 : vector<16xi32> to vector<16xi32>
    %add3A_151 = vector.broadcast %mul3A_6 : i32 to vector<16xi32>
    %add3A_152 = arith.addi %get3A_150, %add3A_151 : vector<16xi32>
    %swap3A_153 = arith.constant 1 : i32
    %swap3A_154 = arith.index_cast %swap3A_153 : i32 to index
    %swap3A_155 = arith.constant 80 : index
    %swap3A_156 = tpu.vector_load %arg6[%swap3A_154, %swap3A_155] {strides = array<i32>} : memref<16x128xi32, #tpu.memory_space<vmem>>, vector<1x16xi32>,
    %swap3A_157 = vector.shape_cast %swap3A_156 : vector<1x16xi32> to vector<16xi32>
    %swap3A_158 = vector.shape_cast %add3A_152 : vector<16xi32> to vector<1x16xi32>
    tpu.vector_store %arg6[%swap3A_154, %swap3A_155], %swap3A_158 {strides = array<i32>} : memref<16x128xi32, #tpu.memory_space<vmem>>, vector<1x16xi32>,
    %get3A_159 = arith.constant 224 : index
    %get3A_160 = tpu.vector_load %arg5[%get3A_159] {strides = array<i32>} : memref<1024xi32, #tpu.memory_space<vmem>>, vector<16xi32>,
    %get3A_161 = vector.shape_cast %get3A_160 : vector<16xi32> to vector<16xi32>
    %add3A_162 = vector.broadcast %mul3A_6 : i32 to vector<16xi32>
    %add3A_163 = arith.addi %get3A_161, %add3A_162 : vector<16xi32>
    %swap3A_164 = arith.constant 1 : i32
    %swap3A_165 = arith.index_cast %swap3A_164 : i32 to index
    %swap3A_166 = arith.constant 96 : index
    %swap3A_167 = tpu.vector_load %arg6[%swap3A_165, %swap3A_166] {strides = array<i32>} : memref<16x128xi32, #tpu.memory_space<vmem>>, vector<1x16xi32>,
    %swap3A_168 = vector.shape_cast %swap3A_167 : vector<1x16xi32> to vector<16xi32>
    %swap3A_169 = vector.shape_cast %add3A_163 : vector<16xi32> to vector<1x16xi32>
    tpu.vector_store %arg6[%swap3A_165, %swap3A_166], %swap3A_169 {strides = array<i32>} : memref<16x128xi32, #tpu.memory_space<vmem>>, vector<1x16xi32>,
    %get3A_170 = arith.constant 240 : index
    %get3A_171 = tpu.vector_load %arg5[%get3A_170] {strides = array<i32>} : memref<1024xi32, #tpu.memory_space<vmem>>, vector<16xi32>,
    %get3A_172 = vector.shape_cast %get3A_171 : vector<16xi32> to vector<16xi32>
    %add3A_173 = vector.broadcast %mul3A_6 : i32 to vector<16xi32>
    %add3A_174 = arith.addi %get3A_172, %add3A_173 : vector<16xi32>
    %swap3A_175 = arith.constant 1 : i32
    %swap3A_176 = arith.index_cast %swap3A_175 : i32 to index
    %swap3A_177 = arith.constant 112 : index
    %swap3A_178 = tpu.vector_load %arg6[%swap3A_176, %swap3A_177] {strides = array<i32>} : memref<16x128xi32, #tpu.memory_space<vmem>>, vector<1x16xi32>,
    %swap3A_179 = vector.shape_cast %swap3A_178 : vector<1x16xi32> to vector<16xi32>
    %swap3A_180 = vector.shape_cast %add3A_174 : vector<16xi32> to vector<1x16xi32>
    tpu.vector_store %arg6[%swap3A_176, %swap3A_177], %swap3A_180 {strides = array<i32>} : memref<16x128xi32, #tpu.memory_space<vmem>>, vector<1x16xi32>,
    %get3A_181 = arith.constant 256 : index
    %get3A_182 = tpu.vector_load %arg5[%get3A_181] {strides = array<i32>} : memref<1024xi32, #tpu.memory_space<vmem>>, vector<16xi32>,
    %get3A_183 = vector.shape_cast %get3A_182 : vector<16xi32> to vector<16xi32>
    %add3A_184 = vector.broadcast %mul3A_6 : i32 to vector<16xi32>
    %add3A_185 = arith.addi %get3A_183, %add3A_184 : vector<16xi32>
    %swap3A_186 = arith.constant 2 : i32
    %swap3A_187 = arith.index_cast %swap3A_186 : i32 to index
    %swap3A_188 = arith.constant 0 : index
    %swap3A_189 = tpu.vector_load %arg6[%swap3A_187, %swap3A_188] {strides = array<i32>} : memref<16x128xi32, #tpu.memory_space<vmem>>, vector<1x16xi32>,
    %swap3A_190 = vector.shape_cast %swap3A_189 : vector<1x16xi32> to vector<16xi32>
    %swap3A_191 = vector.shape_cast %add3A_185 : vector<16xi32> to vector<1x16xi32>
    tpu.vector_store %arg6[%swap3A_187, %swap3A_188], %swap3A_191 {strides = array<i32>} : memref<16x128xi32, #tpu.memory_space<vmem>>, vector<1x16xi32>,
    %get3A_192 = arith.constant 272 : index
    %get3A_193 = tpu.vector_load %arg5[%get3A_192] {strides = array<i32>} : memref<1024xi32, #tpu.memory_space<vmem>>, vector<16xi32>,
    %get3A_194 = vector.shape_cast %get3A_193 : vector<16xi32> to vector<16xi32>
    %add3A_195 = vector.broadcast %mul3A_6 : i32 to vector<16xi32>
    %add3A_196 = arith.addi %get3A_194, %add3A_195 : vector<16xi32>
    %swap3A_197 = arith.constant 2 : i32
    %swap3A_198 = arith.index_cast %swap3A_197 : i32 to index
    %swap3A_199 = arith.constant 16 : index
    %swap3A_200 = tpu.vector_load %arg6[%swap3A_198, %swap3A_199] {strides = array<i32>} : memref<16x128xi32, #tpu.memory_space<vmem>>, vector<1x16xi32>,
    %swap3A_201 = vector.shape_cast %swap3A_200 : vector<1x16xi32> to vector<16xi32>
    %swap3A_202 = vector.shape_cast %add3A_196 : vector<16xi32> to vector<1x16xi32>
    tpu.vector_store %arg6[%swap3A_198, %swap3A_199], %swap3A_202 {strides = array<i32>} : memref<16x128xi32, #tpu.memory_space<vmem>>, vector<1x16xi32>,
    %get3A_203 = arith.constant 288 : index
    %get3A_204 = tpu.vector_load %arg5[%get3A_203] {strides = array<i32>} : memref<1024xi32, #tpu.memory_space<vmem>>, vector<16xi32>,
    %get3A_205 = vector.shape_cast %get3A_204 : vector<16xi32> to vector<16xi32>
    %add3A_206 = vector.broadcast %mul3A_6 : i32 to vector<16xi32>
    %add3A_207 = arith.addi %get3A_205, %add3A_206 : vector<16xi32>
    %swap3A_208 = arith.constant 2 : i32
    %swap3A_209 = arith.index_cast %swap3A_208 : i32 to index
    %swap3A_210 = arith.constant 32 : index
    %swap3A_211 = tpu.vector_load %arg6[%swap3A_209, %swap3A_210] {strides = array<i32>} : memref<16x128xi32, #tpu.memory_space<vmem>>, vector<1x16xi32>,
    %swap3A_212 = vector.shape_cast %swap3A_211 : vector<1x16xi32> to vector<16xi32>
    %swap3A_213 = vector.shape_cast %add3A_207 : vector<16xi32> to vector<1x16xi32>
    tpu.vector_store %arg6[%swap3A_209, %swap3A_210], %swap3A_213 {strides = array<i32>} : memref<16x128xi32, #tpu.memory_space<vmem>>, vector<1x16xi32>,
    %get3A_214 = arith.constant 304 : index
    %get3A_215 = tpu.vector_load %arg5[%get3A_214] {strides = array<i32>} : memref<1024xi32, #tpu.memory_space<vmem>>, vector<16xi32>,
    %get3A_216 = vector.shape_cast %get3A_215 : vector<16xi32> to vector<16xi32>
    %add3A_217 = vector.broadcast %mul3A_6 : i32 to vector<16xi32>
    %add3A_218 = arith.addi %get3A_216, %add3A_217 : vector<16xi32>
    %swap3A_219 = arith.constant 2 : i32
    %swap3A_220 = arith.index_cast %swap3A_219 : i32 to index
    %swap3A_221 = arith.constant 48 : index
    %swap3A_222 = tpu.vector_load %arg6[%swap3A_220, %swap3A_221] {strides = array<i32>} : memref<16x128xi32, #tpu.memory_space<vmem>>, vector<1x16xi32>,
    %swap3A_223 = vector.shape_cast %swap3A_222 : vector<1x16xi32> to vector<16xi32>
    %swap3A_224 = vector.shape_cast %add3A_218 : vector<16xi32> to vector<1x16xi32>
    tpu.vector_store %arg6[%swap3A_220, %swap3A_221], %swap3A_224 {strides = array<i32>} : memref<16x128xi32, #tpu.memory_space<vmem>>, vector<1x16xi32>,
    %get3A_225 = arith.constant 320 : index
    %get3A_226 = tpu.vector_load %arg5[%get3A_225] {strides = array<i32>} : memref<1024xi32, #tpu.memory_space<vmem>>, vector<16xi32>,
    %get3A_227 = vector.shape_cast %get3A_226 : vector<16xi32> to vector<16xi32>
    %add3A_228 = vector.broadcast %mul3A_6 : i32 to vector<16xi32>
    %add3A_229 = arith.addi %get3A_227, %add3A_228 : vector<16xi32>
    %swap3A_230 = arith.constant 2 : i32
    %swap3A_231 = arith.index_cast %swap3A_230 : i32 to index
    %swap3A_232 = arith.constant 64 : index
    %swap3A_233 = tpu.vector_load %arg6[%swap3A_231, %swap3A_232] {strides = array<i32>} : memref<16x128xi32, #tpu.memory_space<vmem>>, vector<1x16xi32>,
    %swap3A_234 = vector.shape_cast %swap3A_233 : vector<1x16xi32> to vector<16xi32>
    %swap3A_235 = vector.shape_cast %add3A_229 : vector<16xi32> to vector<1x16xi32>
    tpu.vector_store %arg6[%swap3A_231, %swap3A_232], %swap3A_235 {strides = array<i32>} : memref<16x128xi32, #tpu.memory_space<vmem>>, vector<1x16xi32>,
    %get3A_236 = arith.constant 336 : index
    %get3A_237 = tpu.vector_load %arg5[%get3A_236] {strides = array<i32>} : memref<1024xi32, #tpu.memory_space<vmem>>, vector<16xi32>,
    %get3A_238 = vector.shape_cast %get3A_237 : vector<16xi32> to vector<16xi32>
    %add3A_239 = vector.broadcast %mul3A_6 : i32 to vector<16xi32>
    %add3A_240 = arith.addi %get3A_238, %add3A_239 : vector<16xi32>
    %swap3A_241 = arith.constant 2 : i32
    %swap3A_242 = arith.index_cast %swap3A_241 : i32 to index
    %swap3A_243 = arith.constant 80 : index
    %swap3A_244 = tpu.vector_load %arg6[%swap3A_242, %swap3A_243] {strides = array<i32>} : memref<16x128xi32, #tpu.memory_space<vmem>>, vector<1x16xi32>,
    %swap3A_245 = vector.shape_cast %swap3A_244 : vector<1x16xi32> to vector<16xi32>
    %swap3A_246 = vector.shape_cast %add3A_240 : vector<16xi32> to vector<1x16xi32>
    tpu.vector_store %arg6[%swap3A_242, %swap3A_243], %swap3A_246 {strides = array<i32>} : memref<16x128xi32, #tpu.memory_space<vmem>>, vector<1x16xi32>,
    %get3A_247 = arith.constant 352 : index
    %get3A_248 = tpu.vector_load %arg5[%get3A_247] {strides = array<i32>} : memref<1024xi32, #tpu.memory_space<vmem>>, vector<16xi32>,
    %get3A_249 = vector.shape_cast %get3A_248 : vector<16xi32> to vector<16xi32>
    %add3A_250 = vector.broadcast %mul3A_6 : i32 to vector<16xi32>
    %add3A_251 = arith.addi %get3A_249, %add3A_250 : vector<16xi32>
    %swap3A_252 = arith.constant 2 : i32
    %swap3A_253 = arith.index_cast %swap3A_252 : i32 to index
    %swap3A_254 = arith.constant 96 : index
    %swap3A_255 = tpu.vector_load %arg6[%swap3A_253, %swap3A_254] {strides = array<i32>} : memref<16x128xi32, #tpu.memory_space<vmem>>, vector<1x16xi32>,
    %swap3A_256 = vector.shape_cast %swap3A_255 : vector<1x16xi32> to vector<16xi32>
    %swap3A_257 = vector.shape_cast %add3A_251 : vector<16xi32> to vector<1x16xi32>
    tpu.vector_store %arg6[%swap3A_253, %swap3A_254], %swap3A_257 {strides = array<i32>} : memref<16x128xi32, #tpu.memory_space<vmem>>, vector<1x16xi32>,
    %get3A_258 = arith.constant 368 : index
    %get3A_259 = tpu.vector_load %arg5[%get3A_258] {strides = array<i32>} : memref<1024xi32, #tpu.memory_space<vmem>>, vector<16xi32>,
    %get3A_260 = vector.shape_cast %get3A_259 : vector<16xi32> to vector<16xi32>
    %add3A_261 = vector.broadcast %mul3A_6 : i32 to vector<16xi32>
    %add3A_262 = arith.addi %get3A_260, %add3A_261 : vector<16xi32>
    %swap3A_263 = arith.constant 2 : i32
    %swap3A_264 = arith.index_cast %swap3A_263 : i32 to index
    %swap3A_265 = arith.constant 112 : index
    %swap3A_266 = tpu.vector_load %arg6[%swap3A_264, %swap3A_265] {strides = array<i32>} : memref<16x128xi32, #tpu.memory_space<vmem>>, vector<1x16xi32>,
    %swap3A_267 = vector.shape_cast %swap3A_266 : vector<1x16xi32> to vector<16xi32>
    %swap3A_268 = vector.shape_cast %add3A_262 : vector<16xi32> to vector<1x16xi32>
    tpu.vector_store %arg6[%swap3A_264, %swap3A_265], %swap3A_268 {strides = array<i32>} : memref<16x128xi32, #tpu.memory_space<vmem>>, vector<1x16xi32>,
    %get3A_269 = arith.constant 384 : index
    %get3A_270 = tpu.vector_load %arg5[%get3A_269] {strides = array<i32>} : memref<1024xi32, #tpu.memory_space<vmem>>, vector<16xi32>,
    %get3A_271 = vector.shape_cast %get3A_270 : vector<16xi32> to vector<16xi32>
    %add3A_272 = vector.broadcast %mul3A_6 : i32 to vector<16xi32>
    %add3A_273 = arith.addi %get3A_271, %add3A_272 : vector<16xi32>
    %swap3A_274 = arith.constant 3 : i32
    %swap3A_275 = arith.index_cast %swap3A_274 : i32 to index
    %swap3A_276 = arith.constant 0 : index
    %swap3A_277 = tpu.vector_load %arg6[%swap3A_275, %swap3A_276] {strides = array<i32>} : memref<16x128xi32, #tpu.memory_space<vmem>>, vector<1x16xi32>,
    %swap3A_278 = vector.shape_cast %swap3A_277 : vector<1x16xi32> to vector<16xi32>
    %swap3A_279 = vector.shape_cast %add3A_273 : vector<16xi32> to vector<1x16xi32>
    tpu.vector_store %arg6[%swap3A_275, %swap3A_276], %swap3A_279 {strides = array<i32>} : memref<16x128xi32, #tpu.memory_space<vmem>>, vector<1x16xi32>,
    %get3A_280 = arith.constant 400 : index
    %get3A_281 = tpu.vector_load %arg5[%get3A_280] {strides = array<i32>} : memref<1024xi32, #tpu.memory_space<vmem>>, vector<16xi32>,
    %get3A_282 = vector.shape_cast %get3A_281 : vector<16xi32> to vector<16xi32>
    %add3A_283 = vector.broadcast %mul3A_6 : i32 to vector<16xi32>
    %add3A_284 = arith.addi %get3A_282, %add3A_283 : vector<16xi32>
    %swap3A_285 = arith.constant 3 : i32
    %swap3A_286 = arith.index_cast %swap3A_285 : i32 to index
    %swap3A_287 = arith.constant 16 : index
    %swap3A_288 = tpu.vector_load %arg6[%swap3A_286, %swap3A_287] {strides = array<i32>} : memref<16x128xi32, #tpu.memory_space<vmem>>, vector<1x16xi32>,
    %swap3A_289 = vector.shape_cast %swap3A_288 : vector<1x16xi32> to vector<16xi32>
    %swap3A_290 = vector.shape_cast %add3A_284 : vector<16xi32> to vector<1x16xi32>
    tpu.vector_store %arg6[%swap3A_286, %swap3A_287], %swap3A_290 {strides = array<i32>} : memref<16x128xi32, #tpu.memory_space<vmem>>, vector<1x16xi32>,
    %get3A_291 = arith.constant 416 : index
    %get3A_292 = tpu.vector_load %arg5[%get3A_291] {strides = array<i32>} : memref<1024xi32, #tpu.memory_space<vmem>>, vector<16xi32>,
    %get3A_293 = vector.shape_cast %get3A_292 : vector<16xi32> to vector<16xi32>
    %add3A_294 = vector.broadcast %mul3A_6 : i32 to vector<16xi32>
    %add3A_295 = arith.addi %get3A_293, %add3A_294 : vector<16xi32>
    %swap3A_296 = arith.constant 3 : i32
    %swap3A_297 = arith.index_cast %swap3A_296 : i32 to index
    %swap3A_298 = arith.constant 32 : index
    %swap3A_299 = tpu.vector_load %arg6[%swap3A_297, %swap3A_298] {strides = array<i32>} : memref<16x128xi32, #tpu.memory_space<vmem>>, vector<1x16xi32>,
    %swap3A_300 = vector.shape_cast %swap3A_299 : vector<1x16xi32> to vector<16xi32>
    %swap3A_301 = vector.shape_cast %add3A_295 : vector<16xi32> to vector<1x16xi32>
    tpu.vector_store %arg6[%swap3A_297, %swap3A_298], %swap3A_301 {strides = array<i32>} : memref<16x128xi32, #tpu.memory_space<vmem>>, vector<1x16xi32>,
    %get3A_302 = arith.constant 432 : index
    %get3A_303 = tpu.vector_load %arg5[%get3A_302] {strides = array<i32>} : memref<1024xi32, #tpu.memory_space<vmem>>, vector<16xi32>,
    %get3A_304 = vector.shape_cast %get3A_303 : vector<16xi32> to vector<16xi32>
    %add3A_305 = vector.broadcast %mul3A_6 : i32 to vector<16xi32>
    %add3A_306 = arith.addi %get3A_304, %add3A_305 : vector<16xi32>
    %swap3A_307 = arith.constant 3 : i32
    %swap3A_308 = arith.index_cast %swap3A_307 : i32 to index
    %swap3A_309 = arith.constant 48 : index
    %swap3A_310 = tpu.vector_load %arg6[%swap3A_308, %swap3A_309] {strides = array<i32>} : memref<16x128xi32, #tpu.memory_space<vmem>>, vector<1x16xi32>,
    %swap3A_311 = vector.shape_cast %swap3A_310 : vector<1x16xi32> to vector<16xi32>
    %swap3A_312 = vector.shape_cast %add3A_306 : vector<16xi32> to vector<1x16xi32>
    tpu.vector_store %arg6[%swap3A_308, %swap3A_309], %swap3A_312 {strides = array<i32>} : memref<16x128xi32, #tpu.memory_space<vmem>>, vector<1x16xi32>,
    %get3A_313 = arith.constant 448 : index
    %get3A_314 = tpu.vector_load %arg5[%get3A_313] {strides = array<i32>} : memref<1024xi32, #tpu.memory_space<vmem>>, vector<16xi32>,
    %get3A_315 = vector.shape_cast %get3A_314 : vector<16xi32> to vector<16xi32>
    %add3A_316 = vector.broadcast %mul3A_6 : i32 to vector<16xi32>
    %add3A_317 = arith.addi %get3A_315, %add3A_316 : vector<16xi32>
    %swap3A_318 = arith.constant 3 : i32
    %swap3A_319 = arith.index_cast %swap3A_318 : i32 to index
    %swap3A_320 = arith.constant 64 : index
    %swap3A_321 = tpu.vector_load %arg6[%swap3A_319, %swap3A_320] {strides = array<i32>} : memref<16x128xi32, #tpu.memory_space<vmem>>, vector<1x16xi32>,
    %swap3A_322 = vector.shape_cast %swap3A_321 : vector<1x16xi32> to vector<16xi32>
    %swap3A_323 = vector.shape_cast %add3A_317 : vector<16xi32> to vector<1x16xi32>
    tpu.vector_store %arg6[%swap3A_319, %swap3A_320], %swap3A_323 {strides = array<i32>} : memref<16x128xi32, #tpu.memory_space<vmem>>, vector<1x16xi32>,
    %get3A_324 = arith.constant 464 : index
    %get3A_325 = tpu.vector_load %arg5[%get3A_324] {strides = array<i32>} : memref<1024xi32, #tpu.memory_space<vmem>>, vector<16xi32>,
    %get3A_326 = vector.shape_cast %get3A_325 : vector<16xi32> to vector<16xi32>
    %add3A_327 = vector.broadcast %mul3A_6 : i32 to vector<16xi32>
    %add3A_328 = arith.addi %get3A_326, %add3A_327 : vector<16xi32>
    %swap3A_329 = arith.constant 3 : i32
    %swap3A_330 = arith.index_cast %swap3A_329 : i32 to index
    %swap3A_331 = arith.constant 80 : index
    %swap3A_332 = tpu.vector_load %arg6[%swap3A_330, %swap3A_331] {strides = array<i32>} : memref<16x128xi32, #tpu.memory_space<vmem>>, vector<1x16xi32>,
    %swap3A_333 = vector.shape_cast %swap3A_332 : vector<1x16xi32> to vector<16xi32>
    %swap3A_334 = vector.shape_cast %add3A_328 : vector<16xi32> to vector<1x16xi32>
    tpu.vector_store %arg6[%swap3A_330, %swap3A_331], %swap3A_334 {strides = array<i32>} : memref<16x128xi32, #tpu.memory_space<vmem>>, vector<1x16xi32>,
    %get3A_335 = arith.constant 480 : index
    %get3A_336 = tpu.vector_load %arg5[%get3A_335] {strides = array<i32>} : memref<1024xi32, #tpu.memory_space<vmem>>, vector<16xi32>,
    %get3A_337 = vector.shape_cast %get3A_336 : vector<16xi32> to vector<16xi32>
    %add3A_338 = vector.broadcast %mul3A_6 : i32 to vector<16xi32>
    %add3A_339 = arith.addi %get3A_337, %add3A_338 : vector<16xi32>
    %swap3A_340 = arith.constant 3 : i32
    %swap3A_341 = arith.index_cast %swap3A_340 : i32 to index
    %swap3A_342 = arith.constant 96 : index
    %swap3A_343 = tpu.vector_load %arg6[%swap3A_341, %swap3A_342] {strides = array<i32>} : memref<16x128xi32, #tpu.memory_space<vmem>>, vector<1x16xi32>,
    %swap3A_344 = vector.shape_cast %swap3A_343 : vector<1x16xi32> to vector<16xi32>
    %swap3A_345 = vector.shape_cast %add3A_339 : vector<16xi32> to vector<1x16xi32>
    tpu.vector_store %arg6[%swap3A_341, %swap3A_342], %swap3A_345 {strides = array<i32>} : memref<16x128xi32, #tpu.memory_space<vmem>>, vector<1x16xi32>,
    %get3A_346 = arith.constant 496 : index
    %get3A_347 = tpu.vector_load %arg5[%get3A_346] {strides = array<i32>} : memref<1024xi32, #tpu.memory_space<vmem>>, vector<16xi32>,
    %get3A_348 = vector.shape_cast %get3A_347 : vector<16xi32> to vector<16xi32>
    %add3A_349 = vector.broadcast %mul3A_6 : i32 to vector<16xi32>
    %add3A_350 = arith.addi %get3A_348, %add3A_349 : vector<16xi32>
    %swap3A_351 = arith.constant 3 : i32
    %swap3A_352 = arith.index_cast %swap3A_351 : i32 to index
    %swap3A_353 = arith.constant 112 : index
    %swap3A_354 = tpu.vector_load %arg6[%swap3A_352, %swap3A_353] {strides = array<i32>} : memref<16x128xi32, #tpu.memory_space<vmem>>, vector<1x16xi32>,
    %swap3A_355 = vector.shape_cast %swap3A_354 : vector<1x16xi32> to vector<16xi32>
    %swap3A_356 = vector.shape_cast %add3A_350 : vector<16xi32> to vector<1x16xi32>
    tpu.vector_store %arg6[%swap3A_352, %swap3A_353], %swap3A_356 {strides = array<i32>} : memref<16x128xi32, #tpu.memory_space<vmem>>, vector<1x16xi32>,
    %get3A_357 = arith.constant 512 : index
    %get3A_358 = tpu.vector_load %arg5[%get3A_357] {strides = array<i32>} : memref<1024xi32, #tpu.memory_space<vmem>>, vector<16xi32>,
    %get3A_359 = vector.shape_cast %get3A_358 : vector<16xi32> to vector<16xi32>
    %add3A_360 = vector.broadcast %mul3A_6 : i32 to vector<16xi32>
    %add3A_361 = arith.addi %get3A_359, %add3A_360 : vector<16xi32>
    %swap3A_362 = arith.constant 4 : i32
    %swap3A_363 = arith.index_cast %swap3A_362 : i32 to index
    %swap3A_364 = arith.constant 0 : index
    %swap3A_365 = tpu.vector_load %arg6[%swap3A_363, %swap3A_364] {strides = array<i32>} : memref<16x128xi32, #tpu.memory_space<vmem>>, vector<1x16xi32>,
    %swap3A_366 = vector.shape_cast %swap3A_365 : vector<1x16xi32> to vector<16xi32>
    %swap3A_367 = vector.shape_cast %add3A_361 : vector<16xi32> to vector<1x16xi32>
    tpu.vector_store %arg6[%swap3A_363, %swap3A_364], %swap3A_367 {strides = array<i32>} : memref<16x128xi32, #tpu.memory_space<vmem>>, vector<1x16xi32>,
    %get3A_368 = arith.constant 528 : index
    %get3A_369 = tpu.vector_load %arg5[%get3A_368] {strides = array<i32>} : memref<1024xi32, #tpu.memory_space<vmem>>, vector<16xi32>,
    %get3A_370 = vector.shape_cast %get3A_369 : vector<16xi32> to vector<16xi32>
    %add3A_371 = vector.broadcast %mul3A_6 : i32 to vector<16xi32>
    %add3A_372 = arith.addi %get3A_370, %add3A_371 : vector<16xi32>
    %swap3A_373 = arith.constant 4 : i32
    %swap3A_374 = arith.index_cast %swap3A_373 : i32 to index
    %swap3A_375 = arith.constant 16 : index
    %swap3A_376 = tpu.vector_load %arg6[%swap3A_374, %swap3A_375] {strides = array<i32>} : memref<16x128xi32, #tpu.memory_space<vmem>>, vector<1x16xi32>,
    %swap3A_377 = vector.shape_cast %swap3A_376 : vector<1x16xi32> to vector<16xi32>
    %swap3A_378 = vector.shape_cast %add3A_372 : vector<16xi32> to vector<1x16xi32>
    tpu.vector_store %arg6[%swap3A_374, %swap3A_375], %swap3A_378 {strides = array<i32>} : memref<16x128xi32, #tpu.memory_space<vmem>>, vector<1x16xi32>,
    %get3A_379 = arith.constant 544 : index
    %get3A_380 = tpu.vector_load %arg5[%get3A_379] {strides = array<i32>} : memref<1024xi32, #tpu.memory_space<vmem>>, vector<16xi32>,
    %get3A_381 = vector.shape_cast %get3A_380 : vector<16xi32> to vector<16xi32>
    %add3A_382 = vector.broadcast %mul3A_6 : i32 to vector<16xi32>
    %add3A_383 = arith.addi %get3A_381, %add3A_382 : vector<16xi32>
    %swap3A_384 = arith.constant 4 : i32
    %swap3A_385 = arith.index_cast %swap3A_384 : i32 to index
    %swap3A_386 = arith.constant 32 : index
    %swap3A_387 = tpu.vector_load %arg6[%swap3A_385, %swap3A_386] {strides = array<i32>} : memref<16x128xi32, #tpu.memory_space<vmem>>, vector<1x16xi32>,
    %swap3A_388 = vector.shape_cast %swap3A_387 : vector<1x16xi32> to vector<16xi32>
    %swap3A_389 = vector.shape_cast %add3A_383 : vector<16xi32> to vector<1x16xi32>
    tpu.vector_store %arg6[%swap3A_385, %swap3A_386], %swap3A_389 {strides = array<i32>} : memref<16x128xi32, #tpu.memory_space<vmem>>, vector<1x16xi32>,
    %get3A_390 = arith.constant 560 : index
    %get3A_391 = tpu.vector_load %arg5[%get3A_390] {strides = array<i32>} : memref<1024xi32, #tpu.memory_space<vmem>>, vector<16xi32>,
    %get3A_392 = vector.shape_cast %get3A_391 : vector<16xi32> to vector<16xi32>
    %add3A_393 = vector.broadcast %mul3A_6 : i32 to vector<16xi32>
    %add3A_394 = arith.addi %get3A_392, %add3A_393 : vector<16xi32>
    %swap3A_395 = arith.constant 4 : i32
    %swap3A_396 = arith.index_cast %swap3A_395 : i32 to index
    %swap3A_397 = arith.constant 48 : index
    %swap3A_398 = tpu.vector_load %arg6[%swap3A_396, %swap3A_397] {strides = array<i32>} : memref<16x128xi32, #tpu.memory_space<vmem>>, vector<1x16xi32>,
    %swap3A_399 = vector.shape_cast %swap3A_398 : vector<1x16xi32> to vector<16xi32>
    %swap3A_400 = vector.shape_cast %add3A_394 : vector<16xi32> to vector<1x16xi32>
    tpu.vector_store %arg6[%swap3A_396, %swap3A_397], %swap3A_400 {strides = array<i32>} : memref<16x128xi32, #tpu.memory_space<vmem>>, vector<1x16xi32>,
    %get3A_401 = arith.constant 576 : index
    %get3A_402 = tpu.vector_load %arg5[%get3A_401] {strides = array<i32>} : memref<1024xi32, #tpu.memory_space<vmem>>, vector<16xi32>,
    %get3A_403 = vector.shape_cast %get3A_402 : vector<16xi32> to vector<16xi32>
    %add3A_404 = vector.broadcast %mul3A_6 : i32 to vector<16xi32>
    %add3A_405 = arith.addi %get3A_403, %add3A_404 : vector<16xi32>
    %swap3A_406 = arith.constant 4 : i32
    %swap3A_407 = arith.index_cast %swap3A_406 : i32 to index
    %swap3A_408 = arith.constant 64 : index
    %swap3A_409 = tpu.vector_load %arg6[%swap3A_407, %swap3A_408] {strides = array<i32>} : memref<16x128xi32, #tpu.memory_space<vmem>>, vector<1x16xi32>,
    %swap3A_410 = vector.shape_cast %swap3A_409 : vector<1x16xi32> to vector<16xi32>
    %swap3A_411 = vector.shape_cast %add3A_405 : vector<16xi32> to vector<1x16xi32>
    tpu.vector_store %arg6[%swap3A_407, %swap3A_408], %swap3A_411 {strides = array<i32>} : memref<16x128xi32, #tpu.memory_space<vmem>>, vector<1x16xi32>,
    %get3A_412 = arith.constant 592 : index
    %get3A_413 = tpu.vector_load %arg5[%get3A_412] {strides = array<i32>} : memref<1024xi32, #tpu.memory_space<vmem>>, vector<16xi32>,
    %get3A_414 = vector.shape_cast %get3A_413 : vector<16xi32> to vector<16xi32>
    %add3A_415 = vector.broadcast %mul3A_6 : i32 to vector<16xi32>
    %add3A_416 = arith.addi %get3A_414, %add3A_415 : vector<16xi32>
    %swap3A_417 = arith.constant 4 : i32
    %swap3A_418 = arith.index_cast %swap3A_417 : i32 to index
    %swap3A_419 = arith.constant 80 : index
    %swap3A_420 = tpu.vector_load %arg6[%swap3A_418, %swap3A_419] {strides = array<i32>} : memref<16x128xi32, #tpu.memory_space<vmem>>, vector<1x16xi32>,
    %swap3A_421 = vector.shape_cast %swap3A_420 : vector<1x16xi32> to vector<16xi32>
    %swap3A_422 = vector.shape_cast %add3A_416 : vector<16xi32> to vector<1x16xi32>
    tpu.vector_store %arg6[%swap3A_418, %swap3A_419], %swap3A_422 {strides = array<i32>} : memref<16x128xi32, #tpu.memory_space<vmem>>, vector<1x16xi32>,
    %get3A_423 = arith.constant 608 : index
    %get3A_424 = tpu.vector_load %arg5[%get3A_423] {strides = array<i32>} : memref<1024xi32, #tpu.memory_space<vmem>>, vector<16xi32>,
    %get3A_425 = vector.shape_cast %get3A_424 : vector<16xi32> to vector<16xi32>
    %add3A_426 = vector.broadcast %mul3A_6 : i32 to vector<16xi32>
    %add3A_427 = arith.addi %get3A_425, %add3A_426 : vector<16xi32>
    %swap3A_428 = arith.constant 4 : i32
    %swap3A_429 = arith.index_cast %swap3A_428 : i32 to index
    %swap3A_430 = arith.constant 96 : index
    %swap3A_431 = tpu.vector_load %arg6[%swap3A_429, %swap3A_430] {strides = array<i32>} : memref<16x128xi32, #tpu.memory_space<vmem>>, vector<1x16xi32>,
    %swap3A_432 = vector.shape_cast %swap3A_431 : vector<1x16xi32> to vector<16xi32>
    %swap3A_433 = vector.shape_cast %add3A_427 : vector<16xi32> to vector<1x16xi32>
    tpu.vector_store %arg6[%swap3A_429, %swap3A_430], %swap3A_433 {strides = array<i32>} : memref<16x128xi32, #tpu.memory_space<vmem>>, vector<1x16xi32>,
    %get3A_434 = arith.constant 624 : index
    %get3A_435 = tpu.vector_load %arg5[%get3A_434] {strides = array<i32>} : memref<1024xi32, #tpu.memory_space<vmem>>, vector<16xi32>,
    %get3A_436 = vector.shape_cast %get3A_435 : vector<16xi32> to vector<16xi32>
    %add3A_437 = vector.broadcast %mul3A_6 : i32 to vector<16xi32>
    %add3A_438 = arith.addi %get3A_436, %add3A_437 : vector<16xi32>
    %swap3A_439 = arith.constant 4 : i32
    %swap3A_440 = arith.index_cast %swap3A_439 : i32 to index
    %swap3A_441 = arith.constant 112 : index
    %swap3A_442 = tpu.vector_load %arg6[%swap3A_440, %swap3A_441] {strides = array<i32>} : memref<16x128xi32, #tpu.memory_space<vmem>>, vector<1x16xi32>,
    %swap3A_443 = vector.shape_cast %swap3A_442 : vector<1x16xi32> to vector<16xi32>
    %swap3A_444 = vector.shape_cast %add3A_438 : vector<16xi32> to vector<1x16xi32>
    tpu.vector_store %arg6[%swap3A_440, %swap3A_441], %swap3A_444 {strides = array<i32>} : memref<16x128xi32, #tpu.memory_space<vmem>>, vector<1x16xi32>,
    %get3A_445 = arith.constant 640 : index
    %get3A_446 = tpu.vector_load %arg5[%get3A_445] {strides = array<i32>} : memref<1024xi32, #tpu.memory_space<vmem>>, vector<16xi32>,
    %get3A_447 = vector.shape_cast %get3A_446 : vector<16xi32> to vector<16xi32>
    %add3A_448 = vector.broadcast %mul3A_6 : i32 to vector<16xi32>
    %add3A_449 = arith.addi %get3A_447, %add3A_448 : vector<16xi32>
    %swap3A_450 = arith.constant 5 : i32
    %swap3A_451 = arith.index_cast %swap3A_450 : i32 to index
    %swap3A_452 = arith.constant 0 : index
    %swap3A_453 = tpu.vector_load %arg6[%swap3A_451, %swap3A_452] {strides = array<i32>} : memref<16x128xi32, #tpu.memory_space<vmem>>, vector<1x16xi32>,
    %swap3A_454 = vector.shape_cast %swap3A_453 : vector<1x16xi32> to vector<16xi32>
    %swap3A_455 = vector.shape_cast %add3A_449 : vector<16xi32> to vector<1x16xi32>
    tpu.vector_store %arg6[%swap3A_451, %swap3A_452], %swap3A_455 {strides = array<i32>} : memref<16x128xi32, #tpu.memory_space<vmem>>, vector<1x16xi32>,
    %get3A_456 = arith.constant 656 : index
    %get3A_457 = tpu.vector_load %arg5[%get3A_456] {strides = array<i32>} : memref<1024xi32, #tpu.memory_space<vmem>>, vector<16xi32>,
    %get3A_458 = vector.shape_cast %get3A_457 : vector<16xi32> to vector<16xi32>
    %add3A_459 = vector.broadcast %mul3A_6 : i32 to vector<16xi32>
    %add3A_460 = arith.addi %get3A_458, %add3A_459 : vector<16xi32>
    %swap3A_461 = arith.constant 5 : i32
    %swap3A_462 = arith.index_cast %swap3A_461 : i32 to index
    %swap3A_463 = arith.constant 16 : index
    %swap3A_464 = tpu.vector_load %arg6[%swap3A_462, %swap3A_463] {strides = array<i32>} : memref<16x128xi32, #tpu.memory_space<vmem>>, vector<1x16xi32>,
    %swap3A_465 = vector.shape_cast %swap3A_464 : vector<1x16xi32> to vector<16xi32>
    %swap3A_466 = vector.shape_cast %add3A_460 : vector<16xi32> to vector<1x16xi32>
    tpu.vector_store %arg6[%swap3A_462, %swap3A_463], %swap3A_466 {strides = array<i32>} : memref<16x128xi32, #tpu.memory_space<vmem>>, vector<1x16xi32>,
    %get3A_467 = arith.constant 672 : index
    %get3A_468 = tpu.vector_load %arg5[%get3A_467] {strides = array<i32>} : memref<1024xi32, #tpu.memory_space<vmem>>, vector<16xi32>,
    %get3A_469 = vector.shape_cast %get3A_468 : vector<16xi32> to vector<16xi32>
    %add3A_470 = vector.broadcast %mul3A_6 : i32 to vector<16xi32>
    %add3A_471 = arith.addi %get3A_469, %add3A_470 : vector<16xi32>
    %swap3A_472 = arith.constant 5 : i32
    %swap3A_473 = arith.index_cast %swap3A_472 : i32 to index
    %swap3A_474 = arith.constant 32 : index
    %swap3A_475 = tpu.vector_load %arg6[%swap3A_473, %swap3A_474] {strides = array<i32>} : memref<16x128xi32, #tpu.memory_space<vmem>>, vector<1x16xi32>,
    %swap3A_476 = vector.shape_cast %swap3A_475 : vector<1x16xi32> to vector<16xi32>
    %swap3A_477 = vector.shape_cast %add3A_471 : vector<16xi32> to vector<1x16xi32>
    tpu.vector_store %arg6[%swap3A_473, %swap3A_474], %swap3A_477 {strides = array<i32>} : memref<16x128xi32, #tpu.memory_space<vmem>>, vector<1x16xi32>,
    %get3A_478 = arith.constant 688 : index
    %get3A_479 = tpu.vector_load %arg5[%get3A_478] {strides = array<i32>} : memref<1024xi32, #tpu.memory_space<vmem>>, vector<16xi32>,
    %get3A_480 = vector.shape_cast %get3A_479 : vector<16xi32> to vector<16xi32>
    %add3A_481 = vector.broadcast %mul3A_6 : i32 to vector<16xi32>
    %add3A_482 = arith.addi %get3A_480, %add3A_481 : vector<16xi32>
    %swap3A_483 = arith.constant 5 : i32
    %swap3A_484 = arith.index_cast %swap3A_483 : i32 to index
    %swap3A_485 = arith.constant 48 : index
    %swap3A_486 = tpu.vector_load %arg6[%swap3A_484, %swap3A_485] {strides = array<i32>} : memref<16x128xi32, #tpu.memory_space<vmem>>, vector<1x16xi32>,
    %swap3A_487 = vector.shape_cast %swap3A_486 : vector<1x16xi32> to vector<16xi32>
    %swap3A_488 = vector.shape_cast %add3A_482 : vector<16xi32> to vector<1x16xi32>
    tpu.vector_store %arg6[%swap3A_484, %swap3A_485], %swap3A_488 {strides = array<i32>} : memref<16x128xi32, #tpu.memory_space<vmem>>, vector<1x16xi32>,
    %get3A_489 = arith.constant 704 : index
    %get3A_490 = tpu.vector_load %arg5[%get3A_489] {strides = array<i32>} : memref<1024xi32, #tpu.memory_space<vmem>>, vector<16xi32>,
    %get3A_491 = vector.shape_cast %get3A_490 : vector<16xi32> to vector<16xi32>
    %add3A_492 = vector.broadcast %mul3A_6 : i32 to vector<16xi32>
    %add3A_493 = arith.addi %get3A_491, %add3A_492 : vector<16xi32>
    %swap3A_494 = arith.constant 5 : i32
    %swap3A_495 = arith.index_cast %swap3A_494 : i32 to index
    %swap3A_496 = arith.constant 64 : index
    %swap3A_497 = tpu.vector_load %arg6[%swap3A_495, %swap3A_496] {strides = array<i32>} : memref<16x128xi32, #tpu.memory_space<vmem>>, vector<1x16xi32>,
    %swap3A_498 = vector.shape_cast %swap3A_497 : vector<1x16xi32> to vector<16xi32>
    %swap3A_499 = vector.shape_cast %add3A_493 : vector<16xi32> to vector<1x16xi32>
    tpu.vector_store %arg6[%swap3A_495, %swap3A_496], %swap3A_499 {strides = array<i32>} : memref<16x128xi32, #tpu.memory_space<vmem>>, vector<1x16xi32>,
    %get3A_500 = arith.constant 720 : index
    %get3A_501 = tpu.vector_load %arg5[%get3A_500] {strides = array<i32>} : memref<1024xi32, #tpu.memory_space<vmem>>, vector<16xi32>,
    %get3A_502 = vector.shape_cast %get3A_501 : vector<16xi32> to vector<16xi32>
    %add3A_503 = vector.broadcast %mul3A_6 : i32 to vector<16xi32>
    %add3A_504 = arith.addi %get3A_502, %add3A_503 : vector<16xi32>
    %swap3A_505 = arith.constant 5 : i32
    %swap3A_506 = arith.index_cast %swap3A_505 : i32 to index
    %swap3A_507 = arith.constant 80 : index
    %swap3A_508 = tpu.vector_load %arg6[%swap3A_506, %swap3A_507] {strides = array<i32>} : memref<16x128xi32, #tpu.memory_space<vmem>>, vector<1x16xi32>,
    %swap3A_509 = vector.shape_cast %swap3A_508 : vector<1x16xi32> to vector<16xi32>
    %swap3A_510 = vector.shape_cast %add3A_504 : vector<16xi32> to vector<1x16xi32>
    tpu.vector_store %arg6[%swap3A_506, %swap3A_507], %swap3A_510 {strides = array<i32>} : memref<16x128xi32, #tpu.memory_space<vmem>>, vector<1x16xi32>,
    %get3A_511 = arith.constant 736 : index
    %get3A_512 = tpu.vector_load %arg5[%get3A_511] {strides = array<i32>} : memref<1024xi32, #tpu.memory_space<vmem>>, vector<16xi32>,
    %get3A_513 = vector.shape_cast %get3A_512 : vector<16xi32> to vector<16xi32>
    %add3A_514 = vector.broadcast %mul3A_6 : i32 to vector<16xi32>
    %add3A_515 = arith.addi %get3A_513, %add3A_514 : vector<16xi32>
    %swap3A_516 = arith.constant 5 : i32
    %swap3A_517 = arith.index_cast %swap3A_516 : i32 to index
    %swap3A_518 = arith.constant 96 : index
    %swap3A_519 = tpu.vector_load %arg6[%swap3A_517, %swap3A_518] {strides = array<i32>} : memref<16x128xi32, #tpu.memory_space<vmem>>, vector<1x16xi32>,
    %swap3A_520 = vector.shape_cast %swap3A_519 : vector<1x16xi32> to vector<16xi32>
    %swap3A_521 = vector.shape_cast %add3A_515 : vector<16xi32> to vector<1x16xi32>
    tpu.vector_store %arg6[%swap3A_517, %swap3A_518], %swap3A_521 {strides = array<i32>} : memref<16x128xi32, #tpu.memory_space<vmem>>, vector<1x16xi32>,
    %get3A_522 = arith.constant 752 : index
    %get3A_523 = tpu.vector_load %arg5[%get3A_522] {strides = array<i32>} : memref<1024xi32, #tpu.memory_space<vmem>>, vector<16xi32>,
    %get3A_524 = vector.shape_cast %get3A_523 : vector<16xi32> to vector<16xi32>
    %add3A_525 = vector.broadcast %mul3A_6 : i32 to vector<16xi32>
    %add3A_526 = arith.addi %get3A_524, %add3A_525 : vector<16xi32>
    %swap3A_527 = arith.constant 5 : i32
    %swap3A_528 = arith.index_cast %swap3A_527 : i32 to index
    %swap3A_529 = arith.constant 112 : index
    %swap3A_530 = tpu.vector_load %arg6[%swap3A_528, %swap3A_529] {strides = array<i32>} : memref<16x128xi32, #tpu.memory_space<vmem>>, vector<1x16xi32>,
    %swap3A_531 = vector.shape_cast %swap3A_530 : vector<1x16xi32> to vector<16xi32>
    %swap3A_532 = vector.shape_cast %add3A_526 : vector<16xi32> to vector<1x16xi32>
    tpu.vector_store %arg6[%swap3A_528, %swap3A_529], %swap3A_532 {strides = array<i32>} : memref<16x128xi32, #tpu.memory_space<vmem>>, vector<1x16xi32>,
    %get3A_533 = arith.constant 768 : index
    %get3A_534 = tpu.vector_load %arg5[%get3A_533] {strides = array<i32>} : memref<1024xi32, #tpu.memory_space<vmem>>, vector<16xi32>,
    %get3A_535 = vector.shape_cast %get3A_534 : vector<16xi32> to vector<16xi32>
    %add3A_536 = vector.broadcast %mul3A_6 : i32 to vector<16xi32>
    %add3A_537 = arith.addi %get3A_535, %add3A_536 : vector<16xi32>
    %swap3A_538 = arith.constant 6 : i32
    %swap3A_539 = arith.index_cast %swap3A_538 : i32 to index
    %swap3A_540 = arith.constant 0 : index
    %swap3A_541 = tpu.vector_load %arg6[%swap3A_539, %swap3A_540] {strides = array<i32>} : memref<16x128xi32, #tpu.memory_space<vmem>>, vector<1x16xi32>,
    %swap3A_542 = vector.shape_cast %swap3A_541 : vector<1x16xi32> to vector<16xi32>
    %swap3A_543 = vector.shape_cast %add3A_537 : vector<16xi32> to vector<1x16xi32>
    tpu.vector_store %arg6[%swap3A_539, %swap3A_540], %swap3A_543 {strides = array<i32>} : memref<16x128xi32, #tpu.memory_space<vmem>>, vector<1x16xi32>,
    %get3A_544 = arith.constant 784 : index
    %get3A_545 = tpu.vector_load %arg5[%get3A_544] {strides = array<i32>} : memref<1024xi32, #tpu.memory_space<vmem>>, vector<16xi32>,
    %get3A_546 = vector.shape_cast %get3A_545 : vector<16xi32> to vector<16xi32>
    %add3A_547 = vector.broadcast %mul3A_6 : i32 to vector<16xi32>
    %add3A_548 = arith.addi %get3A_546, %add3A_547 : vector<16xi32>
    %swap3A_549 = arith.constant 6 : i32
    %swap3A_550 = arith.index_cast %swap3A_549 : i32 to index
    %swap3A_551 = arith.constant 16 : index
    %swap3A_552 = tpu.vector_load %arg6[%swap3A_550, %swap3A_551] {strides = array<i32>} : memref<16x128xi32, #tpu.memory_space<vmem>>, vector<1x16xi32>,
    %swap3A_553 = vector.shape_cast %swap3A_552 : vector<1x16xi32> to vector<16xi32>
    %swap3A_554 = vector.shape_cast %add3A_548 : vector<16xi32> to vector<1x16xi32>
    tpu.vector_store %arg6[%swap3A_550, %swap3A_551], %swap3A_554 {strides = array<i32>} : memref<16x128xi32, #tpu.memory_space<vmem>>, vector<1x16xi32>,
    %get3A_555 = arith.constant 800 : index
    %get3A_556 = tpu.vector_load %arg5[%get3A_555] {strides = array<i32>} : memref<1024xi32, #tpu.memory_space<vmem>>, vector<16xi32>,
    %get3A_557 = vector.shape_cast %get3A_556 : vector<16xi32> to vector<16xi32>
    %add3A_558 = vector.broadcast %mul3A_6 : i32 to vector<16xi32>
    %add3A_559 = arith.addi %get3A_557, %add3A_558 : vector<16xi32>
    %swap3A_560 = arith.constant 6 : i32
    %swap3A_561 = arith.index_cast %swap3A_560 : i32 to index
    %swap3A_562 = arith.constant 32 : index
    %swap3A_563 = tpu.vector_load %arg6[%swap3A_561, %swap3A_562] {strides = array<i32>} : memref<16x128xi32, #tpu.memory_space<vmem>>, vector<1x16xi32>,
    %swap3A_564 = vector.shape_cast %swap3A_563 : vector<1x16xi32> to vector<16xi32>
    %swap3A_565 = vector.shape_cast %add3A_559 : vector<16xi32> to vector<1x16xi32>
    tpu.vector_store %arg6[%swap3A_561, %swap3A_562], %swap3A_565 {strides = array<i32>} : memref<16x128xi32, #tpu.memory_space<vmem>>, vector<1x16xi32>,
    %get3A_566 = arith.constant 816 : index
    %get3A_567 = tpu.vector_load %arg5[%get3A_566] {strides = array<i32>} : memref<1024xi32, #tpu.memory_space<vmem>>, vector<16xi32>,
    %get3A_568 = vector.shape_cast %get3A_567 : vector<16xi32> to vector<16xi32>
    %add3A_569 = vector.broadcast %mul3A_6 : i32 to vector<16xi32>
    %add3A_570 = arith.addi %get3A_568, %add3A_569 : vector<16xi32>
    %swap3A_571 = arith.constant 6 : i32
    %swap3A_572 = arith.index_cast %swap3A_571 : i32 to index
    %swap3A_573 = arith.constant 48 : index
    %swap3A_574 = tpu.vector_load %arg6[%swap3A_572, %swap3A_573] {strides = array<i32>} : memref<16x128xi32, #tpu.memory_space<vmem>>, vector<1x16xi32>,
    %swap3A_575 = vector.shape_cast %swap3A_574 : vector<1x16xi32> to vector<16xi32>
    %swap3A_576 = vector.shape_cast %add3A_570 : vector<16xi32> to vector<1x16xi32>
    tpu.vector_store %arg6[%swap3A_572, %swap3A_573], %swap3A_576 {strides = array<i32>} : memref<16x128xi32, #tpu.memory_space<vmem>>, vector<1x16xi32>,
    %get3A_577 = arith.constant 832 : index
    %get3A_578 = tpu.vector_load %arg5[%get3A_577] {strides = array<i32>} : memref<1024xi32, #tpu.memory_space<vmem>>, vector<16xi32>,
    %get3A_579 = vector.shape_cast %get3A_578 : vector<16xi32> to vector<16xi32>
    %add3A_580 = vector.broadcast %mul3A_6 : i32 to vector<16xi32>
    %add3A_581 = arith.addi %get3A_579, %add3A_580 : vector<16xi32>
    %swap3A_582 = arith.constant 6 : i32
    %swap3A_583 = arith.index_cast %swap3A_582 : i32 to index
    %swap3A_584 = arith.constant 64 : index
    %swap3A_585 = tpu.vector_load %arg6[%swap3A_583, %swap3A_584] {strides = array<i32>} : memref<16x128xi32, #tpu.memory_space<vmem>>, vector<1x16xi32>,
    %swap3A_586 = vector.shape_cast %swap3A_585 : vector<1x16xi32> to vector<16xi32>
    %swap3A_587 = vector.shape_cast %add3A_581 : vector<16xi32> to vector<1x16xi32>
    tpu.vector_store %arg6[%swap3A_583, %swap3A_584], %swap3A_587 {strides = array<i32>} : memref<16x128xi32, #tpu.memory_space<vmem>>, vector<1x16xi32>,
    %get3A_588 = arith.constant 848 : index
    %get3A_589 = tpu.vector_load %arg5[%get3A_588] {strides = array<i32>} : memref<1024xi32, #tpu.memory_space<vmem>>, vector<16xi32>,
    %get3A_590 = vector.shape_cast %get3A_589 : vector<16xi32> to vector<16xi32>
    %add3A_591 = vector.broadcast %mul3A_6 : i32 to vector<16xi32>
    %add3A_592 = arith.addi %get3A_590, %add3A_591 : vector<16xi32>
    %swap3A_593 = arith.constant 6 : i32
    %swap3A_594 = arith.index_cast %swap3A_593 : i32 to index
    %swap3A_595 = arith.constant 80 : index
    %swap3A_596 = tpu.vector_load %arg6[%swap3A_594, %swap3A_595] {strides = array<i32>} : memref<16x128xi32, #tpu.memory_space<vmem>>, vector<1x16xi32>,
    %swap3A_597 = vector.shape_cast %swap3A_596 : vector<1x16xi32> to vector<16xi32>
    %swap3A_598 = vector.shape_cast %add3A_592 : vector<16xi32> to vector<1x16xi32>
    tpu.vector_store %arg6[%swap3A_594, %swap3A_595], %swap3A_598 {strides = array<i32>} : memref<16x128xi32, #tpu.memory_space<vmem>>, vector<1x16xi32>,
    %get3A_599 = arith.constant 864 : index
    %get3A_600 = tpu.vector_load %arg5[%get3A_599] {strides = array<i32>} : memref<1024xi32, #tpu.memory_space<vmem>>, vector<16xi32>,
    %get3A_601 = vector.shape_cast %get3A_600 : vector<16xi32> to vector<16xi32>
    %add3A_602 = vector.broadcast %mul3A_6 : i32 to vector<16xi32>
    %add3A_603 = arith.addi %get3A_601, %add3A_602 : vector<16xi32>
    %swap3A_604 = arith.constant 6 : i32
    %swap3A_605 = arith.index_cast %swap3A_604 : i32 to index
    %swap3A_606 = arith.constant 96 : index
    %swap3A_607 = tpu.vector_load %arg6[%swap3A_605, %swap3A_606] {strides = array<i32>} : memref<16x128xi32, #tpu.memory_space<vmem>>, vector<1x16xi32>,
    %swap3A_608 = vector.shape_cast %swap3A_607 : vector<1x16xi32> to vector<16xi32>
    %swap3A_609 = vector.shape_cast %add3A_603 : vector<16xi32> to vector<1x16xi32>
    tpu.vector_store %arg6[%swap3A_605, %swap3A_606], %swap3A_609 {strides = array<i32>} : memref<16x128xi32, #tpu.memory_space<vmem>>, vector<1x16xi32>,
    %get3A_610 = arith.constant 880 : index
    %get3A_611 = tpu.vector_load %arg5[%get3A_610] {strides = array<i32>} : memref<1024xi32, #tpu.memory_space<vmem>>, vector<16xi32>,
    %get3A_612 = vector.shape_cast %get3A_611 : vector<16xi32> to vector<16xi32>
    %add3A_613 = vector.broadcast %mul3A_6 : i32 to vector<16xi32>
    %add3A_614 = arith.addi %get3A_612, %add3A_613 : vector<16xi32>
    %swap3A_615 = arith.constant 6 : i32
    %swap3A_616 = arith.index_cast %swap3A_615 : i32 to index
    %swap3A_617 = arith.constant 112 : index
    %swap3A_618 = tpu.vector_load %arg6[%swap3A_616, %swap3A_617] {strides = array<i32>} : memref<16x128xi32, #tpu.memory_space<vmem>>, vector<1x16xi32>,
    %swap3A_619 = vector.shape_cast %swap3A_618 : vector<1x16xi32> to vector<16xi32>
    %swap3A_620 = vector.shape_cast %add3A_614 : vector<16xi32> to vector<1x16xi32>
    tpu.vector_store %arg6[%swap3A_616, %swap3A_617], %swap3A_620 {strides = array<i32>} : memref<16x128xi32, #tpu.memory_space<vmem>>, vector<1x16xi32>,
    %get3A_621 = arith.constant 896 : index
    %get3A_622 = tpu.vector_load %arg5[%get3A_621] {strides = array<i32>} : memref<1024xi32, #tpu.memory_space<vmem>>, vector<16xi32>,
    %get3A_623 = vector.shape_cast %get3A_622 : vector<16xi32> to vector<16xi32>
    %add3A_624 = vector.broadcast %mul3A_6 : i32 to vector<16xi32>
    %add3A_625 = arith.addi %get3A_623, %add3A_624 : vector<16xi32>
    %swap3A_626 = arith.constant 7 : i32
    %swap3A_627 = arith.index_cast %swap3A_626 : i32 to index
    %swap3A_628 = arith.constant 0 : index
    %swap3A_629 = tpu.vector_load %arg6[%swap3A_627, %swap3A_628] {strides = array<i32>} : memref<16x128xi32, #tpu.memory_space<vmem>>, vector<1x16xi32>,
    %swap3A_630 = vector.shape_cast %swap3A_629 : vector<1x16xi32> to vector<16xi32>
    %swap3A_631 = vector.shape_cast %add3A_625 : vector<16xi32> to vector<1x16xi32>
    tpu.vector_store %arg6[%swap3A_627, %swap3A_628], %swap3A_631 {strides = array<i32>} : memref<16x128xi32, #tpu.memory_space<vmem>>, vector<1x16xi32>,
    %get3A_632 = arith.constant 912 : index
    %get3A_633 = tpu.vector_load %arg5[%get3A_632] {strides = array<i32>} : memref<1024xi32, #tpu.memory_space<vmem>>, vector<16xi32>,
    %get3A_634 = vector.shape_cast %get3A_633 : vector<16xi32> to vector<16xi32>
    %add3A_635 = vector.broadcast %mul3A_6 : i32 to vector<16xi32>
    %add3A_636 = arith.addi %get3A_634, %add3A_635 : vector<16xi32>
    %swap3A_637 = arith.constant 7 : i32
    %swap3A_638 = arith.index_cast %swap3A_637 : i32 to index
    %swap3A_639 = arith.constant 16 : index
    %swap3A_640 = tpu.vector_load %arg6[%swap3A_638, %swap3A_639] {strides = array<i32>} : memref<16x128xi32, #tpu.memory_space<vmem>>, vector<1x16xi32>,
    %swap3A_641 = vector.shape_cast %swap3A_640 : vector<1x16xi32> to vector<16xi32>
    %swap3A_642 = vector.shape_cast %add3A_636 : vector<16xi32> to vector<1x16xi32>
    tpu.vector_store %arg6[%swap3A_638, %swap3A_639], %swap3A_642 {strides = array<i32>} : memref<16x128xi32, #tpu.memory_space<vmem>>, vector<1x16xi32>,
    %get3A_643 = arith.constant 928 : index
    %get3A_644 = tpu.vector_load %arg5[%get3A_643] {strides = array<i32>} : memref<1024xi32, #tpu.memory_space<vmem>>, vector<16xi32>,
    %get3A_645 = vector.shape_cast %get3A_644 : vector<16xi32> to vector<16xi32>
    %add3A_646 = vector.broadcast %mul3A_6 : i32 to vector<16xi32>
    %add3A_647 = arith.addi %get3A_645, %add3A_646 : vector<16xi32>
    %swap3A_648 = arith.constant 7 : i32
    %swap3A_649 = arith.index_cast %swap3A_648 : i32 to index
    %swap3A_650 = arith.constant 32 : index
    %swap3A_651 = tpu.vector_load %arg6[%swap3A_649, %swap3A_650] {strides = array<i32>} : memref<16x128xi32, #tpu.memory_space<vmem>>, vector<1x16xi32>,
    %swap3A_652 = vector.shape_cast %swap3A_651 : vector<1x16xi32> to vector<16xi32>
    %swap3A_653 = vector.shape_cast %add3A_647 : vector<16xi32> to vector<1x16xi32>
    tpu.vector_store %arg6[%swap3A_649, %swap3A_650], %swap3A_653 {strides = array<i32>} : memref<16x128xi32, #tpu.memory_space<vmem>>, vector<1x16xi32>,
    %get3A_654 = arith.constant 944 : index
    %get3A_655 = tpu.vector_load %arg5[%get3A_654] {strides = array<i32>} : memref<1024xi32, #tpu.memory_space<vmem>>, vector<16xi32>,
    %get3A_656 = vector.shape_cast %get3A_655 : vector<16xi32> to vector<16xi32>
    %add3A_657 = vector.broadcast %mul3A_6 : i32 to vector<16xi32>
    %add3A_658 = arith.addi %get3A_656, %add3A_657 : vector<16xi32>
    %swap3A_659 = arith.constant 7 : i32
    %swap3A_660 = arith.index_cast %swap3A_659 : i32 to index
    %swap3A_661 = arith.constant 48 : index
    %swap3A_662 = tpu.vector_load %arg6[%swap3A_660, %swap3A_661] {strides = array<i32>} : memref<16x128xi32, #tpu.memory_space<vmem>>, vector<1x16xi32>,
    %swap3A_663 = vector.shape_cast %swap3A_662 : vector<1x16xi32> to vector<16xi32>
    %swap3A_664 = vector.shape_cast %add3A_658 : vector<16xi32> to vector<1x16xi32>
    tpu.vector_store %arg6[%swap3A_660, %swap3A_661], %swap3A_664 {strides = array<i32>} : memref<16x128xi32, #tpu.memory_space<vmem>>, vector<1x16xi32>,
    %get3A_665 = arith.constant 960 : index
    %get3A_666 = tpu.vector_load %arg5[%get3A_665] {strides = array<i32>} : memref<1024xi32, #tpu.memory_space<vmem>>, vector<16xi32>,
    %get3A_667 = vector.shape_cast %get3A_666 : vector<16xi32> to vector<16xi32>
    %add3A_668 = vector.broadcast %mul3A_6 : i32 to vector<16xi32>
    %add3A_669 = arith.addi %get3A_667, %add3A_668 : vector<16xi32>
    %swap3A_670 = arith.constant 7 : i32
    %swap3A_671 = arith.index_cast %swap3A_670 : i32 to index
    %swap3A_672 = arith.constant 64 : index
    %swap3A_673 = tpu.vector_load %arg6[%swap3A_671, %swap3A_672] {strides = array<i32>} : memref<16x128xi32, #tpu.memory_space<vmem>>, vector<1x16xi32>,
    %swap3A_674 = vector.shape_cast %swap3A_673 : vector<1x16xi32> to vector<16xi32>
    %swap3A_675 = vector.shape_cast %add3A_669 : vector<16xi32> to vector<1x16xi32>
    tpu.vector_store %arg6[%swap3A_671, %swap3A_672], %swap3A_675 {strides = array<i32>} : memref<16x128xi32, #tpu.memory_space<vmem>>, vector<1x16xi32>,
    %get3A_676 = arith.constant 976 : index
    %get3A_677 = tpu.vector_load %arg5[%get3A_676] {strides = array<i32>} : memref<1024xi32, #tpu.memory_space<vmem>>, vector<16xi32>,
    %get3A_678 = vector.shape_cast %get3A_677 : vector<16xi32> to vector<16xi32>
    %add3A_679 = vector.broadcast %mul3A_6 : i32 to vector<16xi32>
    %add3A_680 = arith.addi %get3A_678, %add3A_679 : vector<16xi32>
    %swap3A_681 = arith.constant 7 : i32
    %swap3A_682 = arith.index_cast %swap3A_681 : i32 to index
    %swap3A_683 = arith.constant 80 : index
    %swap3A_684 = tpu.vector_load %arg6[%swap3A_682, %swap3A_683] {strides = array<i32>} : memref<16x128xi32, #tpu.memory_space<vmem>>, vector<1x16xi32>,
    %swap3A_685 = vector.shape_cast %swap3A_684 : vector<1x16xi32> to vector<16xi32>
    %swap3A_686 = vector.shape_cast %add3A_680 : vector<16xi32> to vector<1x16xi32>
    tpu.vector_store %arg6[%swap3A_682, %swap3A_683], %swap3A_686 {strides = array<i32>} : memref<16x128xi32, #tpu.memory_space<vmem>>, vector<1x16xi32>,
    %get3A_687 = arith.constant 992 : index
    %get3A_688 = tpu.vector_load %arg5[%get3A_687] {strides = array<i32>} : memref<1024xi32, #tpu.memory_space<vmem>>, vector<16xi32>,
    %get3A_689 = vector.shape_cast %get3A_688 : vector<16xi32> to vector<16xi32>
    %add3A_690 = vector.broadcast %mul3A_6 : i32 to vector<16xi32>
    %add3A_691 = arith.addi %get3A_689, %add3A_690 : vector<16xi32>
    %swap3A_692 = arith.constant 7 : i32
    %swap3A_693 = arith.index_cast %swap3A_692 : i32 to index
    %swap3A_694 = arith.constant 96 : index
    %swap3A_695 = tpu.vector_load %arg6[%swap3A_693, %swap3A_694] {strides = array<i32>} : memref<16x128xi32, #tpu.memory_space<vmem>>, vector<1x16xi32>,
    %swap3A_696 = vector.shape_cast %swap3A_695 : vector<1x16xi32> to vector<16xi32>
    %swap3A_697 = vector.shape_cast %add3A_691 : vector<16xi32> to vector<1x16xi32>
    tpu.vector_store %arg6[%swap3A_693, %swap3A_694], %swap3A_697 {strides = array<i32>} : memref<16x128xi32, #tpu.memory_space<vmem>>, vector<1x16xi32>,
    %get3A_698 = arith.constant 1008 : index
    %get3A_699 = tpu.vector_load %arg5[%get3A_698] {strides = array<i32>} : memref<1024xi32, #tpu.memory_space<vmem>>, vector<16xi32>,
    %get3A_700 = vector.shape_cast %get3A_699 : vector<16xi32> to vector<16xi32>
    %add3A_701 = vector.broadcast %mul3A_6 : i32 to vector<16xi32>
    %add3A_702 = arith.addi %get3A_700, %add3A_701 : vector<16xi32>
    %swap3A_703 = arith.constant 7 : i32
    %swap3A_704 = arith.index_cast %swap3A_703 : i32 to index
    %swap3A_705 = arith.constant 112 : index
    %swap3A_706 = tpu.vector_load %arg6[%swap3A_704, %swap3A_705] {strides = array<i32>} : memref<16x128xi32, #tpu.memory_space<vmem>>, vector<1x16xi32>,
    %swap3A_707 = vector.shape_cast %swap3A_706 : vector<1x16xi32> to vector<16xi32>
    %swap3A_708 = vector.shape_cast %add3A_702 : vector<16xi32> to vector<1x16xi32>
    tpu.vector_store %arg6[%swap3A_704, %swap3A_705], %swap3A_708 {strides = array<i32>} : memref<16x128xi32, #tpu.memory_space<vmem>>, vector<1x16xi32>,
    %add3A_709 = arith.constant 1 : i32
    %add3A_710 = arith.addi %mul3A_2, %add3A_709 : i32
    %mul3A_711 = arith.constant 100000 : i32
    %mul3A_712 = arith.muli %add3A_710, %mul3A_711 : i32
    %get3A_713 = arith.constant 0 : index
    %get3A_714 = tpu.vector_load %arg5[%get3A_713] {strides = array<i32>} : memref<1024xi32, #tpu.memory_space<vmem>>, vector<16xi32>,
    %get3A_715 = vector.shape_cast %get3A_714 : vector<16xi32> to vector<16xi32>
    %add3A_716 = vector.broadcast %mul3A_712 : i32 to vector<16xi32>
    %add3A_717 = arith.addi %get3A_715, %add3A_716 : vector<16xi32>
    %swap3A_718 = arith.constant 8 : i32
    %swap3A_719 = arith.index_cast %swap3A_718 : i32 to index
    %swap3A_720 = arith.constant 0 : index
    %swap3A_721 = tpu.vector_load %arg6[%swap3A_719, %swap3A_720] {strides = array<i32>} : memref<16x128xi32, #tpu.memory_space<vmem>>, vector<1x16xi32>,
    %swap3A_722 = vector.shape_cast %swap3A_721 : vector<1x16xi32> to vector<16xi32>
    %swap3A_723 = vector.shape_cast %add3A_717 : vector<16xi32> to vector<1x16xi32>
    tpu.vector_store %arg6[%swap3A_719, %swap3A_720], %swap3A_723 {strides = array<i32>} : memref<16x128xi32, #tpu.memory_space<vmem>>, vector<1x16xi32>,
    %get3A_724 = arith.constant 16 : index
    %get3A_725 = tpu.vector_load %arg5[%get3A_724] {strides = array<i32>} : memref<1024xi32, #tpu.memory_space<vmem>>, vector<16xi32>,
    %get3A_726 = vector.shape_cast %get3A_725 : vector<16xi32> to vector<16xi32>
    %add3A_727 = vector.broadcast %mul3A_712 : i32 to vector<16xi32>
    %add3A_728 = arith.addi %get3A_726, %add3A_727 : vector<16xi32>
    %swap3A_729 = arith.constant 8 : i32
    %swap3A_730 = arith.index_cast %swap3A_729 : i32 to index
    %swap3A_731 = arith.constant 16 : index
    %swap3A_732 = tpu.vector_load %arg6[%swap3A_730, %swap3A_731] {strides = array<i32>} : memref<16x128xi32, #tpu.memory_space<vmem>>, vector<1x16xi32>,
    %swap3A_733 = vector.shape_cast %swap3A_732 : vector<1x16xi32> to vector<16xi32>
    %swap3A_734 = vector.shape_cast %add3A_728 : vector<16xi32> to vector<1x16xi32>
    tpu.vector_store %arg6[%swap3A_730, %swap3A_731], %swap3A_734 {strides = array<i32>} : memref<16x128xi32, #tpu.memory_space<vmem>>, vector<1x16xi32>,
    %get3A_735 = arith.constant 32 : index
    %get3A_736 = tpu.vector_load %arg5[%get3A_735] {strides = array<i32>} : memref<1024xi32, #tpu.memory_space<vmem>>, vector<16xi32>,
    %get3A_737 = vector.shape_cast %get3A_736 : vector<16xi32> to vector<16xi32>
    %add3A_738 = vector.broadcast %mul3A_712 : i32 to vector<16xi32>
    %add3A_739 = arith.addi %get3A_737, %add3A_738 : vector<16xi32>
    %swap3A_740 = arith.constant 8 : i32
    %swap3A_741 = arith.index_cast %swap3A_740 : i32 to index
    %swap3A_742 = arith.constant 32 : index
    %swap3A_743 = tpu.vector_load %arg6[%swap3A_741, %swap3A_742] {strides = array<i32>} : memref<16x128xi32, #tpu.memory_space<vmem>>, vector<1x16xi32>,
    %swap3A_744 = vector.shape_cast %swap3A_743 : vector<1x16xi32> to vector<16xi32>
    %swap3A_745 = vector.shape_cast %add3A_739 : vector<16xi32> to vector<1x16xi32>
    tpu.vector_store %arg6[%swap3A_741, %swap3A_742], %swap3A_745 {strides = array<i32>} : memref<16x128xi32, #tpu.memory_space<vmem>>, vector<1x16xi32>,
    %get3A_746 = arith.constant 48 : index
    %get3A_747 = tpu.vector_load %arg5[%get3A_746] {strides = array<i32>} : memref<1024xi32, #tpu.memory_space<vmem>>, vector<16xi32>,
    %get3A_748 = vector.shape_cast %get3A_747 : vector<16xi32> to vector<16xi32>
    %add3A_749 = vector.broadcast %mul3A_712 : i32 to vector<16xi32>
    %add3A_750 = arith.addi %get3A_748, %add3A_749 : vector<16xi32>
    %swap3A_751 = arith.constant 8 : i32
    %swap3A_752 = arith.index_cast %swap3A_751 : i32 to index
    %swap3A_753 = arith.constant 48 : index
    %swap3A_754 = tpu.vector_load %arg6[%swap3A_752, %swap3A_753] {strides = array<i32>} : memref<16x128xi32, #tpu.memory_space<vmem>>, vector<1x16xi32>,
    %swap3A_755 = vector.shape_cast %swap3A_754 : vector<1x16xi32> to vector<16xi32>
    %swap3A_756 = vector.shape_cast %add3A_750 : vector<16xi32> to vector<1x16xi32>
    tpu.vector_store %arg6[%swap3A_752, %swap3A_753], %swap3A_756 {strides = array<i32>} : memref<16x128xi32, #tpu.memory_space<vmem>>, vector<1x16xi32>,
    %get3A_757 = arith.constant 64 : index
    %get3A_758 = tpu.vector_load %arg5[%get3A_757] {strides = array<i32>} : memref<1024xi32, #tpu.memory_space<vmem>>, vector<16xi32>,
    %get3A_759 = vector.shape_cast %get3A_758 : vector<16xi32> to vector<16xi32>
    %add3A_760 = vector.broadcast %mul3A_712 : i32 to vector<16xi32>
    %add3A_761 = arith.addi %get3A_759, %add3A_760 : vector<16xi32>
    %swap3A_762 = arith.constant 8 : i32
    %swap3A_763 = arith.index_cast %swap3A_762 : i32 to index
    %swap3A_764 = arith.constant 64 : index
    %swap3A_765 = tpu.vector_load %arg6[%swap3A_763, %swap3A_764] {strides = array<i32>} : memref<16x128xi32, #tpu.memory_space<vmem>>, vector<1x16xi32>,
    %swap3A_766 = vector.shape_cast %swap3A_765 : vector<1x16xi32> to vector<16xi32>
    %swap3A_767 = vector.shape_cast %add3A_761 : vector<16xi32> to vector<1x16xi32>
    tpu.vector_store %arg6[%swap3A_763, %swap3A_764], %swap3A_767 {strides = array<i32>} : memref<16x128xi32, #tpu.memory_space<vmem>>, vector<1x16xi32>,
    %get3A_768 = arith.constant 80 : index
    %get3A_769 = tpu.vector_load %arg5[%get3A_768] {strides = array<i32>} : memref<1024xi32, #tpu.memory_space<vmem>>, vector<16xi32>,
    %get3A_770 = vector.shape_cast %get3A_769 : vector<16xi32> to vector<16xi32>
    %add3A_771 = vector.broadcast %mul3A_712 : i32 to vector<16xi32>
    %add3A_772 = arith.addi %get3A_770, %add3A_771 : vector<16xi32>
    %swap3A_773 = arith.constant 8 : i32
    %swap3A_774 = arith.index_cast %swap3A_773 : i32 to index
    %swap3A_775 = arith.constant 80 : index
    %swap3A_776 = tpu.vector_load %arg6[%swap3A_774, %swap3A_775] {strides = array<i32>} : memref<16x128xi32, #tpu.memory_space<vmem>>, vector<1x16xi32>,
    %swap3A_777 = vector.shape_cast %swap3A_776 : vector<1x16xi32> to vector<16xi32>
    %swap3A_778 = vector.shape_cast %add3A_772 : vector<16xi32> to vector<1x16xi32>
    tpu.vector_store %arg6[%swap3A_774, %swap3A_775], %swap3A_778 {strides = array<i32>} : memref<16x128xi32, #tpu.memory_space<vmem>>, vector<1x16xi32>,
    %get3A_779 = arith.constant 96 : index
    %get3A_780 = tpu.vector_load %arg5[%get3A_779] {strides = array<i32>} : memref<1024xi32, #tpu.memory_space<vmem>>, vector<16xi32>,
    %get3A_781 = vector.shape_cast %get3A_780 : vector<16xi32> to vector<16xi32>
    %add3A_782 = vector.broadcast %mul3A_712 : i32 to vector<16xi32>
    %add3A_783 = arith.addi %get3A_781, %add3A_782 : vector<16xi32>
    %swap3A_784 = arith.constant 8 : i32
    %swap3A_785 = arith.index_cast %swap3A_784 : i32 to index
    %swap3A_786 = arith.constant 96 : index
    %swap3A_787 = tpu.vector_load %arg6[%swap3A_785, %swap3A_786] {strides = array<i32>} : memref<16x128xi32, #tpu.memory_space<vmem>>, vector<1x16xi32>,
    %swap3A_788 = vector.shape_cast %swap3A_787 : vector<1x16xi32> to vector<16xi32>
    %swap3A_789 = vector.shape_cast %add3A_783 : vector<16xi32> to vector<1x16xi32>
    tpu.vector_store %arg6[%swap3A_785, %swap3A_786], %swap3A_789 {strides = array<i32>} : memref<16x128xi32, #tpu.memory_space<vmem>>, vector<1x16xi32>,
    %get3A_790 = arith.constant 112 : index
    %get3A_791 = tpu.vector_load %arg5[%get3A_790] {strides = array<i32>} : memref<1024xi32, #tpu.memory_space<vmem>>, vector<16xi32>,
    %get3A_792 = vector.shape_cast %get3A_791 : vector<16xi32> to vector<16xi32>
    %add3A_793 = vector.broadcast %mul3A_712 : i32 to vector<16xi32>
    %add3A_794 = arith.addi %get3A_792, %add3A_793 : vector<16xi32>
    %swap3A_795 = arith.constant 8 : i32
    %swap3A_796 = arith.index_cast %swap3A_795 : i32 to index
    %swap3A_797 = arith.constant 112 : index
    %swap3A_798 = tpu.vector_load %arg6[%swap3A_796, %swap3A_797] {strides = array<i32>} : memref<16x128xi32, #tpu.memory_space<vmem>>, vector<1x16xi32>,
    %swap3A_799 = vector.shape_cast %swap3A_798 : vector<1x16xi32> to vector<16xi32>
    %swap3A_800 = vector.shape_cast %add3A_794 : vector<16xi32> to vector<1x16xi32>
    tpu.vector_store %arg6[%swap3A_796, %swap3A_797], %swap3A_800 {strides = array<i32>} : memref<16x128xi32, #tpu.memory_space<vmem>>, vector<1x16xi32>,
    %get3A_801 = arith.constant 128 : index
    %get3A_802 = tpu.vector_load %arg5[%get3A_801] {strides = array<i32>} : memref<1024xi32, #tpu.memory_space<vmem>>, vector<16xi32>,
    %get3A_803 = vector.shape_cast %get3A_802 : vector<16xi32> to vector<16xi32>
    %add3A_804 = vector.broadcast %mul3A_712 : i32 to vector<16xi32>
    %add3A_805 = arith.addi %get3A_803, %add3A_804 : vector<16xi32>
    %swap3A_806 = arith.constant 9 : i32
    %swap3A_807 = arith.index_cast %swap3A_806 : i32 to index
    %swap3A_808 = arith.constant 0 : index
    %swap3A_809 = tpu.vector_load %arg6[%swap3A_807, %swap3A_808] {strides = array<i32>} : memref<16x128xi32, #tpu.memory_space<vmem>>, vector<1x16xi32>,
    %swap3A_810 = vector.shape_cast %swap3A_809 : vector<1x16xi32> to vector<16xi32>
    %swap3A_811 = vector.shape_cast %add3A_805 : vector<16xi32> to vector<1x16xi32>
    tpu.vector_store %arg6[%swap3A_807, %swap3A_808], %swap3A_811 {strides = array<i32>} : memref<16x128xi32, #tpu.memory_space<vmem>>, vector<1x16xi32>,
    %get3A_812 = arith.constant 144 : index
    %get3A_813 = tpu.vector_load %arg5[%get3A_812] {strides = array<i32>} : memref<1024xi32, #tpu.memory_space<vmem>>, vector<16xi32>,
    %get3A_814 = vector.shape_cast %get3A_813 : vector<16xi32> to vector<16xi32>
    %add3A_815 = vector.broadcast %mul3A_712 : i32 to vector<16xi32>
    %add3A_816 = arith.addi %get3A_814, %add3A_815 : vector<16xi32>
    %swap3A_817 = arith.constant 9 : i32
    %swap3A_818 = arith.index_cast %swap3A_817 : i32 to index
    %swap3A_819 = arith.constant 16 : index
    %swap3A_820 = tpu.vector_load %arg6[%swap3A_818, %swap3A_819] {strides = array<i32>} : memref<16x128xi32, #tpu.memory_space<vmem>>, vector<1x16xi32>,
    %swap3A_821 = vector.shape_cast %swap3A_820 : vector<1x16xi32> to vector<16xi32>
    %swap3A_822 = vector.shape_cast %add3A_816 : vector<16xi32> to vector<1x16xi32>
    tpu.vector_store %arg6[%swap3A_818, %swap3A_819], %swap3A_822 {strides = array<i32>} : memref<16x128xi32, #tpu.memory_space<vmem>>, vector<1x16xi32>,
    %get3A_823 = arith.constant 160 : index
    %get3A_824 = tpu.vector_load %arg5[%get3A_823] {strides = array<i32>} : memref<1024xi32, #tpu.memory_space<vmem>>, vector<16xi32>,
    %get3A_825 = vector.shape_cast %get3A_824 : vector<16xi32> to vector<16xi32>
    %add3A_826 = vector.broadcast %mul3A_712 : i32 to vector<16xi32>
    %add3A_827 = arith.addi %get3A_825, %add3A_826 : vector<16xi32>
    %swap3A_828 = arith.constant 9 : i32
    %swap3A_829 = arith.index_cast %swap3A_828 : i32 to index
    %swap3A_830 = arith.constant 32 : index
    %swap3A_831 = tpu.vector_load %arg6[%swap3A_829, %swap3A_830] {strides = array<i32>} : memref<16x128xi32, #tpu.memory_space<vmem>>, vector<1x16xi32>,
    %swap3A_832 = vector.shape_cast %swap3A_831 : vector<1x16xi32> to vector<16xi32>
    %swap3A_833 = vector.shape_cast %add3A_827 : vector<16xi32> to vector<1x16xi32>
    tpu.vector_store %arg6[%swap3A_829, %swap3A_830], %swap3A_833 {strides = array<i32>} : memref<16x128xi32, #tpu.memory_space<vmem>>, vector<1x16xi32>,
    %get3A_834 = arith.constant 176 : index
    %get3A_835 = tpu.vector_load %arg5[%get3A_834] {strides = array<i32>} : memref<1024xi32, #tpu.memory_space<vmem>>, vector<16xi32>,
    %get3A_836 = vector.shape_cast %get3A_835 : vector<16xi32> to vector<16xi32>
    %add3A_837 = vector.broadcast %mul3A_712 : i32 to vector<16xi32>
    %add3A_838 = arith.addi %get3A_836, %add3A_837 : vector<16xi32>
    %swap3A_839 = arith.constant 9 : i32
    %swap3A_840 = arith.index_cast %swap3A_839 : i32 to index
    %swap3A_841 = arith.constant 48 : index
    %swap3A_842 = tpu.vector_load %arg6[%swap3A_840, %swap3A_841] {strides = array<i32>} : memref<16x128xi32, #tpu.memory_space<vmem>>, vector<1x16xi32>,
    %swap3A_843 = vector.shape_cast %swap3A_842 : vector<1x16xi32> to vector<16xi32>
    %swap3A_844 = vector.shape_cast %add3A_838 : vector<16xi32> to vector<1x16xi32>
    tpu.vector_store %arg6[%swap3A_840, %swap3A_841], %swap3A_844 {strides = array<i32>} : memref<16x128xi32, #tpu.memory_space<vmem>>, vector<1x16xi32>,
    %get3A_845 = arith.constant 192 : index
    %get3A_846 = tpu.vector_load %arg5[%get3A_845] {strides = array<i32>} : memref<1024xi32, #tpu.memory_space<vmem>>, vector<16xi32>,
    %get3A_847 = vector.shape_cast %get3A_846 : vector<16xi32> to vector<16xi32>
    %add3A_848 = vector.broadcast %mul3A_712 : i32 to vector<16xi32>
    %add3A_849 = arith.addi %get3A_847, %add3A_848 : vector<16xi32>
    %swap3A_850 = arith.constant 9 : i32
    %swap3A_851 = arith.index_cast %swap3A_850 : i32 to index
    %swap3A_852 = arith.constant 64 : index
    %swap3A_853 = tpu.vector_load %arg6[%swap3A_851, %swap3A_852] {strides = array<i32>} : memref<16x128xi32, #tpu.memory_space<vmem>>, vector<1x16xi32>,
    %swap3A_854 = vector.shape_cast %swap3A_853 : vector<1x16xi32> to vector<16xi32>
    %swap3A_855 = vector.shape_cast %add3A_849 : vector<16xi32> to vector<1x16xi32>
    tpu.vector_store %arg6[%swap3A_851, %swap3A_852], %swap3A_855 {strides = array<i32>} : memref<16x128xi32, #tpu.memory_space<vmem>>, vector<1x16xi32>,
    %get3A_856 = arith.constant 208 : index
    %get3A_857 = tpu.vector_load %arg5[%get3A_856] {strides = array<i32>} : memref<1024xi32, #tpu.memory_space<vmem>>, vector<16xi32>,
    %get3A_858 = vector.shape_cast %get3A_857 : vector<16xi32> to vector<16xi32>
    %add3A_859 = vector.broadcast %mul3A_712 : i32 to vector<16xi32>
    %add3A_860 = arith.addi %get3A_858, %add3A_859 : vector<16xi32>
    %swap3A_861 = arith.constant 9 : i32
    %swap3A_862 = arith.index_cast %swap3A_861 : i32 to index
    %swap3A_863 = arith.constant 80 : index
    %swap3A_864 = tpu.vector_load %arg6[%swap3A_862, %swap3A_863] {strides = array<i32>} : memref<16x128xi32, #tpu.memory_space<vmem>>, vector<1x16xi32>,
    %swap3A_865 = vector.shape_cast %swap3A_864 : vector<1x16xi32> to vector<16xi32>
    %swap3A_866 = vector.shape_cast %add3A_860 : vector<16xi32> to vector<1x16xi32>
    tpu.vector_store %arg6[%swap3A_862, %swap3A_863], %swap3A_866 {strides = array<i32>} : memref<16x128xi32, #tpu.memory_space<vmem>>, vector<1x16xi32>,
    %get3A_867 = arith.constant 224 : index
    %get3A_868 = tpu.vector_load %arg5[%get3A_867] {strides = array<i32>} : memref<1024xi32, #tpu.memory_space<vmem>>, vector<16xi32>,
    %get3A_869 = vector.shape_cast %get3A_868 : vector<16xi32> to vector<16xi32>
    %add3A_870 = vector.broadcast %mul3A_712 : i32 to vector<16xi32>
    %add3A_871 = arith.addi %get3A_869, %add3A_870 : vector<16xi32>
    %swap3A_872 = arith.constant 9 : i32
    %swap3A_873 = arith.index_cast %swap3A_872 : i32 to index
    %swap3A_874 = arith.constant 96 : index
    %swap3A_875 = tpu.vector_load %arg6[%swap3A_873, %swap3A_874] {strides = array<i32>} : memref<16x128xi32, #tpu.memory_space<vmem>>, vector<1x16xi32>,
    %swap3A_876 = vector.shape_cast %swap3A_875 : vector<1x16xi32> to vector<16xi32>
    %swap3A_877 = vector.shape_cast %add3A_871 : vector<16xi32> to vector<1x16xi32>
    tpu.vector_store %arg6[%swap3A_873, %swap3A_874], %swap3A_877 {strides = array<i32>} : memref<16x128xi32, #tpu.memory_space<vmem>>, vector<1x16xi32>,
    %get3A_878 = arith.constant 240 : index
    %get3A_879 = tpu.vector_load %arg5[%get3A_878] {strides = array<i32>} : memref<1024xi32, #tpu.memory_space<vmem>>, vector<16xi32>,
    %get3A_880 = vector.shape_cast %get3A_879 : vector<16xi32> to vector<16xi32>
    %add3A_881 = vector.broadcast %mul3A_712 : i32 to vector<16xi32>
    %add3A_882 = arith.addi %get3A_880, %add3A_881 : vector<16xi32>
    %swap3A_883 = arith.constant 9 : i32
    %swap3A_884 = arith.index_cast %swap3A_883 : i32 to index
    %swap3A_885 = arith.constant 112 : index
    %swap3A_886 = tpu.vector_load %arg6[%swap3A_884, %swap3A_885] {strides = array<i32>} : memref<16x128xi32, #tpu.memory_space<vmem>>, vector<1x16xi32>,
    %swap3A_887 = vector.shape_cast %swap3A_886 : vector<1x16xi32> to vector<16xi32>
    %swap3A_888 = vector.shape_cast %add3A_882 : vector<16xi32> to vector<1x16xi32>
    tpu.vector_store %arg6[%swap3A_884, %swap3A_885], %swap3A_888 {strides = array<i32>} : memref<16x128xi32, #tpu.memory_space<vmem>>, vector<1x16xi32>,
    %get3A_889 = arith.constant 256 : index
    %get3A_890 = tpu.vector_load %arg5[%get3A_889] {strides = array<i32>} : memref<1024xi32, #tpu.memory_space<vmem>>, vector<16xi32>,
    %get3A_891 = vector.shape_cast %get3A_890 : vector<16xi32> to vector<16xi32>
    %add3A_892 = vector.broadcast %mul3A_712 : i32 to vector<16xi32>
    %add3A_893 = arith.addi %get3A_891, %add3A_892 : vector<16xi32>
    %swap3A_894 = arith.constant 10 : i32
    %swap3A_895 = arith.index_cast %swap3A_894 : i32 to index
    %swap3A_896 = arith.constant 0 : index
    %swap3A_897 = tpu.vector_load %arg6[%swap3A_895, %swap3A_896] {strides = array<i32>} : memref<16x128xi32, #tpu.memory_space<vmem>>, vector<1x16xi32>,
    %swap3A_898 = vector.shape_cast %swap3A_897 : vector<1x16xi32> to vector<16xi32>
    %swap3A_899 = vector.shape_cast %add3A_893 : vector<16xi32> to vector<1x16xi32>
    tpu.vector_store %arg6[%swap3A_895, %swap3A_896], %swap3A_899 {strides = array<i32>} : memref<16x128xi32, #tpu.memory_space<vmem>>, vector<1x16xi32>,
    %get3A_900 = arith.constant 272 : index
    %get3A_901 = tpu.vector_load %arg5[%get3A_900] {strides = array<i32>} : memref<1024xi32, #tpu.memory_space<vmem>>, vector<16xi32>,
    %get3A_902 = vector.shape_cast %get3A_901 : vector<16xi32> to vector<16xi32>
    %add3A_903 = vector.broadcast %mul3A_712 : i32 to vector<16xi32>
    %add3A_904 = arith.addi %get3A_902, %add3A_903 : vector<16xi32>
    %swap3A_905 = arith.constant 10 : i32
    %swap3A_906 = arith.index_cast %swap3A_905 : i32 to index
    %swap3A_907 = arith.constant 16 : index
    %swap3A_908 = tpu.vector_load %arg6[%swap3A_906, %swap3A_907] {strides = array<i32>} : memref<16x128xi32, #tpu.memory_space<vmem>>, vector<1x16xi32>,
    %swap3A_909 = vector.shape_cast %swap3A_908 : vector<1x16xi32> to vector<16xi32>
    %swap3A_910 = vector.shape_cast %add3A_904 : vector<16xi32> to vector<1x16xi32>
    tpu.vector_store %arg6[%swap3A_906, %swap3A_907], %swap3A_910 {strides = array<i32>} : memref<16x128xi32, #tpu.memory_space<vmem>>, vector<1x16xi32>,
    %get3A_911 = arith.constant 288 : index
    %get3A_912 = tpu.vector_load %arg5[%get3A_911] {strides = array<i32>} : memref<1024xi32, #tpu.memory_space<vmem>>, vector<16xi32>,
    %get3A_913 = vector.shape_cast %get3A_912 : vector<16xi32> to vector<16xi32>
    %add3A_914 = vector.broadcast %mul3A_712 : i32 to vector<16xi32>
    %add3A_915 = arith.addi %get3A_913, %add3A_914 : vector<16xi32>
    %swap3A_916 = arith.constant 10 : i32
    %swap3A_917 = arith.index_cast %swap3A_916 : i32 to index
    %swap3A_918 = arith.constant 32 : index
    %swap3A_919 = tpu.vector_load %arg6[%swap3A_917, %swap3A_918] {strides = array<i32>} : memref<16x128xi32, #tpu.memory_space<vmem>>, vector<1x16xi32>,
    %swap3A_920 = vector.shape_cast %swap3A_919 : vector<1x16xi32> to vector<16xi32>
    %swap3A_921 = vector.shape_cast %add3A_915 : vector<16xi32> to vector<1x16xi32>
    tpu.vector_store %arg6[%swap3A_917, %swap3A_918], %swap3A_921 {strides = array<i32>} : memref<16x128xi32, #tpu.memory_space<vmem>>, vector<1x16xi32>,
    %get3A_922 = arith.constant 304 : index
    %get3A_923 = tpu.vector_load %arg5[%get3A_922] {strides = array<i32>} : memref<1024xi32, #tpu.memory_space<vmem>>, vector<16xi32>,
    %get3A_924 = vector.shape_cast %get3A_923 : vector<16xi32> to vector<16xi32>
    %add3A_925 = vector.broadcast %mul3A_712 : i32 to vector<16xi32>
    %add3A_926 = arith.addi %get3A_924, %add3A_925 : vector<16xi32>
    %swap3A_927 = arith.constant 10 : i32
    %swap3A_928 = arith.index_cast %swap3A_927 : i32 to index
    %swap3A_929 = arith.constant 48 : index
    %swap3A_930 = tpu.vector_load %arg6[%swap3A_928, %swap3A_929] {strides = array<i32>} : memref<16x128xi32, #tpu.memory_space<vmem>>, vector<1x16xi32>,
    %swap3A_931 = vector.shape_cast %swap3A_930 : vector<1x16xi32> to vector<16xi32>
    %swap3A_932 = vector.shape_cast %add3A_926 : vector<16xi32> to vector<1x16xi32>
    tpu.vector_store %arg6[%swap3A_928, %swap3A_929], %swap3A_932 {strides = array<i32>} : memref<16x128xi32, #tpu.memory_space<vmem>>, vector<1x16xi32>,
    %get3A_933 = arith.constant 320 : index
    %get3A_934 = tpu.vector_load %arg5[%get3A_933] {strides = array<i32>} : memref<1024xi32, #tpu.memory_space<vmem>>, vector<16xi32>,
    %get3A_935 = vector.shape_cast %get3A_934 : vector<16xi32> to vector<16xi32>
    %add3A_936 = vector.broadcast %mul3A_712 : i32 to vector<16xi32>
    %add3A_937 = arith.addi %get3A_935, %add3A_936 : vector<16xi32>
    %swap3A_938 = arith.constant 10 : i32
    %swap3A_939 = arith.index_cast %swap3A_938 : i32 to index
    %swap3A_940 = arith.constant 64 : index
    %swap3A_941 = tpu.vector_load %arg6[%swap3A_939, %swap3A_940] {strides = array<i32>} : memref<16x128xi32, #tpu.memory_space<vmem>>, vector<1x16xi32>,
    %swap3A_942 = vector.shape_cast %swap3A_941 : vector<1x16xi32> to vector<16xi32>
    %swap3A_943 = vector.shape_cast %add3A_937 : vector<16xi32> to vector<1x16xi32>
    tpu.vector_store %arg6[%swap3A_939, %swap3A_940], %swap3A_943 {strides = array<i32>} : memref<16x128xi32, #tpu.memory_space<vmem>>, vector<1x16xi32>,
    %get3A_944 = arith.constant 336 : index
    %get3A_945 = tpu.vector_load %arg5[%get3A_944] {strides = array<i32>} : memref<1024xi32, #tpu.memory_space<vmem>>, vector<16xi32>,
    %get3A_946 = vector.shape_cast %get3A_945 : vector<16xi32> to vector<16xi32>
    %add3A_947 = vector.broadcast %mul3A_712 : i32 to vector<16xi32>
    %add3A_948 = arith.addi %get3A_946, %add3A_947 : vector<16xi32>
    %swap3A_949 = arith.constant 10 : i32
    %swap3A_950 = arith.index_cast %swap3A_949 : i32 to index
    %swap3A_951 = arith.constant 80 : index
    %swap3A_952 = tpu.vector_load %arg6[%swap3A_950, %swap3A_951] {strides = array<i32>} : memref<16x128xi32, #tpu.memory_space<vmem>>, vector<1x16xi32>,
    %swap3A_953 = vector.shape_cast %swap3A_952 : vector<1x16xi32> to vector<16xi32>
    %swap3A_954 = vector.shape_cast %add3A_948 : vector<16xi32> to vector<1x16xi32>
    tpu.vector_store %arg6[%swap3A_950, %swap3A_951], %swap3A_954 {strides = array<i32>} : memref<16x128xi32, #tpu.memory_space<vmem>>, vector<1x16xi32>,
    %get3A_955 = arith.constant 352 : index
    %get3A_956 = tpu.vector_load %arg5[%get3A_955] {strides = array<i32>} : memref<1024xi32, #tpu.memory_space<vmem>>, vector<16xi32>,
    %get3A_957 = vector.shape_cast %get3A_956 : vector<16xi32> to vector<16xi32>
    %add3A_958 = vector.broadcast %mul3A_712 : i32 to vector<16xi32>
    %add3A_959 = arith.addi %get3A_957, %add3A_958 : vector<16xi32>
    %swap3A_960 = arith.constant 10 : i32
    %swap3A_961 = arith.index_cast %swap3A_960 : i32 to index
    %swap3A_962 = arith.constant 96 : index
    %swap3A_963 = tpu.vector_load %arg6[%swap3A_961, %swap3A_962] {strides = array<i32>} : memref<16x128xi32, #tpu.memory_space<vmem>>, vector<1x16xi32>,
    %swap3A_964 = vector.shape_cast %swap3A_963 : vector<1x16xi32> to vector<16xi32>
    %swap3A_965 = vector.shape_cast %add3A_959 : vector<16xi32> to vector<1x16xi32>
    tpu.vector_store %arg6[%swap3A_961, %swap3A_962], %swap3A_965 {strides = array<i32>} : memref<16x128xi32, #tpu.memory_space<vmem>>, vector<1x16xi32>,
    %get3A_966 = arith.constant 368 : index
    %get3A_967 = tpu.vector_load %arg5[%get3A_966] {strides = array<i32>} : memref<1024xi32, #tpu.memory_space<vmem>>, vector<16xi32>,
    %get3A_968 = vector.shape_cast %get3A_967 : vector<16xi32> to vector<16xi32>
    %add3A_969 = vector.broadcast %mul3A_712 : i32 to vector<16xi32>
    %add3A_970 = arith.addi %get3A_968, %add3A_969 : vector<16xi32>
    %swap3A_971 = arith.constant 10 : i32
    %swap3A_972 = arith.index_cast %swap3A_971 : i32 to index
    %swap3A_973 = arith.constant 112 : index
    %swap3A_974 = tpu.vector_load %arg6[%swap3A_972, %swap3A_973] {strides = array<i32>} : memref<16x128xi32, #tpu.memory_space<vmem>>, vector<1x16xi32>,
    %swap3A_975 = vector.shape_cast %swap3A_974 : vector<1x16xi32> to vector<16xi32>
    %swap3A_976 = vector.shape_cast %add3A_970 : vector<16xi32> to vector<1x16xi32>
    tpu.vector_store %arg6[%swap3A_972, %swap3A_973], %swap3A_976 {strides = array<i32>} : memref<16x128xi32, #tpu.memory_space<vmem>>, vector<1x16xi32>,
    %get3A_977 = arith.constant 384 : index
    %get3A_978 = tpu.vector_load %arg5[%get3A_977] {strides = array<i32>} : memref<1024xi32, #tpu.memory_space<vmem>>, vector<16xi32>,
    %get3A_979 = vector.shape_cast %get3A_978 : vector<16xi32> to vector<16xi32>
    %add3A_980 = vector.broadcast %mul3A_712 : i32 to vector<16xi32>
    %add3A_981 = arith.addi %get3A_979, %add3A_980 : vector<16xi32>
    %swap3A_982 = arith.constant 11 : i32
    %swap3A_983 = arith.index_cast %swap3A_982 : i32 to index
    %swap3A_984 = arith.constant 0 : index
    %swap3A_985 = tpu.vector_load %arg6[%swap3A_983, %swap3A_984] {strides = array<i32>} : memref<16x128xi32, #tpu.memory_space<vmem>>, vector<1x16xi32>,
    %swap3A_986 = vector.shape_cast %swap3A_985 : vector<1x16xi32> to vector<16xi32>
    %swap3A_987 = vector.shape_cast %add3A_981 : vector<16xi32> to vector<1x16xi32>
    tpu.vector_store %arg6[%swap3A_983, %swap3A_984], %swap3A_987 {strides = array<i32>} : memref<16x128xi32, #tpu.memory_space<vmem>>, vector<1x16xi32>,
    %get3A_988 = arith.constant 400 : index
    %get3A_989 = tpu.vector_load %arg5[%get3A_988] {strides = array<i32>} : memref<1024xi32, #tpu.memory_space<vmem>>, vector<16xi32>,
    %get3A_990 = vector.shape_cast %get3A_989 : vector<16xi32> to vector<16xi32>
    %add3A_991 = vector.broadcast %mul3A_712 : i32 to vector<16xi32>
    %add3A_992 = arith.addi %get3A_990, %add3A_991 : vector<16xi32>
    %swap3A_993 = arith.constant 11 : i32
    %swap3A_994 = arith.index_cast %swap3A_993 : i32 to index
    %swap3A_995 = arith.constant 16 : index
    %swap3A_996 = tpu.vector_load %arg6[%swap3A_994, %swap3A_995] {strides = array<i32>} : memref<16x128xi32, #tpu.memory_space<vmem>>, vector<1x16xi32>,
    %swap3A_997 = vector.shape_cast %swap3A_996 : vector<1x16xi32> to vector<16xi32>
    %swap3A_998 = vector.shape_cast %add3A_992 : vector<16xi32> to vector<1x16xi32>
    tpu.vector_store %arg6[%swap3A_994, %swap3A_995], %swap3A_998 {strides = array<i32>} : memref<16x128xi32, #tpu.memory_space<vmem>>, vector<1x16xi32>,
    %get3A_999 = arith.constant 416 : index
    %get3A_1000 = tpu.vector_load %arg5[%get3A_999] {strides = array<i32>} : memref<1024xi32, #tpu.memory_space<vmem>>, vector<16xi32>,
    %get3A_1001 = vector.shape_cast %get3A_1000 : vector<16xi32> to vector<16xi32>
    %add3A_1002 = vector.broadcast %mul3A_712 : i32 to vector<16xi32>
    %add3A_1003 = arith.addi %get3A_1001, %add3A_1002 : vector<16xi32>
    %swap3A_1004 = arith.constant 11 : i32
    %swap3A_1005 = arith.index_cast %swap3A_1004 : i32 to index
    %swap3A_1006 = arith.constant 32 : index
    %swap3A_1007 = tpu.vector_load %arg6[%swap3A_1005, %swap3A_1006] {strides = array<i32>} : memref<16x128xi32, #tpu.memory_space<vmem>>, vector<1x16xi32>,
    %swap3A_1008 = vector.shape_cast %swap3A_1007 : vector<1x16xi32> to vector<16xi32>
    %swap3A_1009 = vector.shape_cast %add3A_1003 : vector<16xi32> to vector<1x16xi32>
    tpu.vector_store %arg6[%swap3A_1005, %swap3A_1006], %swap3A_1009 {strides = array<i32>} : memref<16x128xi32, #tpu.memory_space<vmem>>, vector<1x16xi32>,
    %get3A_1010 = arith.constant 432 : index
    %get3A_1011 = tpu.vector_load %arg5[%get3A_1010] {strides = array<i32>} : memref<1024xi32, #tpu.memory_space<vmem>>, vector<16xi32>,
    %get3A_1012 = vector.shape_cast %get3A_1011 : vector<16xi32> to vector<16xi32>
    %add3A_1013 = vector.broadcast %mul3A_712 : i32 to vector<16xi32>
    %add3A_1014 = arith.addi %get3A_1012, %add3A_1013 : vector<16xi32>
    %swap3A_1015 = arith.constant 11 : i32
    %swap3A_1016 = arith.index_cast %swap3A_1015 : i32 to index
    %swap3A_1017 = arith.constant 48 : index
    %swap3A_1018 = tpu.vector_load %arg6[%swap3A_1016, %swap3A_1017] {strides = array<i32>} : memref<16x128xi32, #tpu.memory_space<vmem>>, vector<1x16xi32>,
    %swap3A_1019 = vector.shape_cast %swap3A_1018 : vector<1x16xi32> to vector<16xi32>
    %swap3A_1020 = vector.shape_cast %add3A_1014 : vector<16xi32> to vector<1x16xi32>
    tpu.vector_store %arg6[%swap3A_1016, %swap3A_1017], %swap3A_1020 {strides = array<i32>} : memref<16x128xi32, #tpu.memory_space<vmem>>, vector<1x16xi32>,
    %get3A_1021 = arith.constant 448 : index
    %get3A_1022 = tpu.vector_load %arg5[%get3A_1021] {strides = array<i32>} : memref<1024xi32, #tpu.memory_space<vmem>>, vector<16xi32>,
    %get3A_1023 = vector.shape_cast %get3A_1022 : vector<16xi32> to vector<16xi32>
    %add3A_1024 = vector.broadcast %mul3A_712 : i32 to vector<16xi32>
    %add3A_1025 = arith.addi %get3A_1023, %add3A_1024 : vector<16xi32>
    %swap3A_1026 = arith.constant 11 : i32
    %swap3A_1027 = arith.index_cast %swap3A_1026 : i32 to index
    %swap3A_1028 = arith.constant 64 : index
    %swap3A_1029 = tpu.vector_load %arg6[%swap3A_1027, %swap3A_1028] {strides = array<i32>} : memref<16x128xi32, #tpu.memory_space<vmem>>, vector<1x16xi32>,
    %swap3A_1030 = vector.shape_cast %swap3A_1029 : vector<1x16xi32> to vector<16xi32>
    %swap3A_1031 = vector.shape_cast %add3A_1025 : vector<16xi32> to vector<1x16xi32>
    tpu.vector_store %arg6[%swap3A_1027, %swap3A_1028], %swap3A_1031 {strides = array<i32>} : memref<16x128xi32, #tpu.memory_space<vmem>>, vector<1x16xi32>,
    %get3A_1032 = arith.constant 464 : index
    %get3A_1033 = tpu.vector_load %arg5[%get3A_1032] {strides = array<i32>} : memref<1024xi32, #tpu.memory_space<vmem>>, vector<16xi32>,
    %get3A_1034 = vector.shape_cast %get3A_1033 : vector<16xi32> to vector<16xi32>
    %add3A_1035 = vector.broadcast %mul3A_712 : i32 to vector<16xi32>
    %add3A_1036 = arith.addi %get3A_1034, %add3A_1035 : vector<16xi32>
    %swap3A_1037 = arith.constant 11 : i32
    %swap3A_1038 = arith.index_cast %swap3A_1037 : i32 to index
    %swap3A_1039 = arith.constant 80 : index
    %swap3A_1040 = tpu.vector_load %arg6[%swap3A_1038, %swap3A_1039] {strides = array<i32>} : memref<16x128xi32, #tpu.memory_space<vmem>>, vector<1x16xi32>,
    %swap3A_1041 = vector.shape_cast %swap3A_1040 : vector<1x16xi32> to vector<16xi32>
    %swap3A_1042 = vector.shape_cast %add3A_1036 : vector<16xi32> to vector<1x16xi32>
    tpu.vector_store %arg6[%swap3A_1038, %swap3A_1039], %swap3A_1042 {strides = array<i32>} : memref<16x128xi32, #tpu.memory_space<vmem>>, vector<1x16xi32>,
    %get3A_1043 = arith.constant 480 : index
    %get3A_1044 = tpu.vector_load %arg5[%get3A_1043] {strides = array<i32>} : memref<1024xi32, #tpu.memory_space<vmem>>, vector<16xi32>,
    %get3A_1045 = vector.shape_cast %get3A_1044 : vector<16xi32> to vector<16xi32>
    %add3A_1046 = vector.broadcast %mul3A_712 : i32 to vector<16xi32>
    %add3A_1047 = arith.addi %get3A_1045, %add3A_1046 : vector<16xi32>
    %swap3A_1048 = arith.constant 11 : i32
    %swap3A_1049 = arith.index_cast %swap3A_1048 : i32 to index
    %swap3A_1050 = arith.constant 96 : index
    %swap3A_1051 = tpu.vector_load %arg6[%swap3A_1049, %swap3A_1050] {strides = array<i32>} : memref<16x128xi32, #tpu.memory_space<vmem>>, vector<1x16xi32>,
    %swap3A_1052 = vector.shape_cast %swap3A_1051 : vector<1x16xi32> to vector<16xi32>
    %swap3A_1053 = vector.shape_cast %add3A_1047 : vector<16xi32> to vector<1x16xi32>
    tpu.vector_store %arg6[%swap3A_1049, %swap3A_1050], %swap3A_1053 {strides = array<i32>} : memref<16x128xi32, #tpu.memory_space<vmem>>, vector<1x16xi32>,
    %get3A_1054 = arith.constant 496 : index
    %get3A_1055 = tpu.vector_load %arg5[%get3A_1054] {strides = array<i32>} : memref<1024xi32, #tpu.memory_space<vmem>>, vector<16xi32>,
    %get3A_1056 = vector.shape_cast %get3A_1055 : vector<16xi32> to vector<16xi32>
    %add3A_1057 = vector.broadcast %mul3A_712 : i32 to vector<16xi32>
    %add3A_1058 = arith.addi %get3A_1056, %add3A_1057 : vector<16xi32>
    %swap3A_1059 = arith.constant 11 : i32
    %swap3A_1060 = arith.index_cast %swap3A_1059 : i32 to index
    %swap3A_1061 = arith.constant 112 : index
    %swap3A_1062 = tpu.vector_load %arg6[%swap3A_1060, %swap3A_1061] {strides = array<i32>} : memref<16x128xi32, #tpu.memory_space<vmem>>, vector<1x16xi32>,
    %swap3A_1063 = vector.shape_cast %swap3A_1062 : vector<1x16xi32> to vector<16xi32>
    %swap3A_1064 = vector.shape_cast %add3A_1058 : vector<16xi32> to vector<1x16xi32>
    tpu.vector_store %arg6[%swap3A_1060, %swap3A_1061], %swap3A_1064 {strides = array<i32>} : memref<16x128xi32, #tpu.memory_space<vmem>>, vector<1x16xi32>,
    %get3A_1065 = arith.constant 512 : index
    %get3A_1066 = tpu.vector_load %arg5[%get3A_1065] {strides = array<i32>} : memref<1024xi32, #tpu.memory_space<vmem>>, vector<16xi32>,
    %get3A_1067 = vector.shape_cast %get3A_1066 : vector<16xi32> to vector<16xi32>
    %add3A_1068 = vector.broadcast %mul3A_712 : i32 to vector<16xi32>
    %add3A_1069 = arith.addi %get3A_1067, %add3A_1068 : vector<16xi32>
    %swap3A_1070 = arith.constant 12 : i32
    %swap3A_1071 = arith.index_cast %swap3A_1070 : i32 to index
    %swap3A_1072 = arith.constant 0 : index
    %swap3A_1073 = tpu.vector_load %arg6[%swap3A_1071, %swap3A_1072] {strides = array<i32>} : memref<16x128xi32, #tpu.memory_space<vmem>>, vector<1x16xi32>,
    %swap3A_1074 = vector.shape_cast %swap3A_1073 : vector<1x16xi32> to vector<16xi32>
    %swap3A_1075 = vector.shape_cast %add3A_1069 : vector<16xi32> to vector<1x16xi32>
    tpu.vector_store %arg6[%swap3A_1071, %swap3A_1072], %swap3A_1075 {strides = array<i32>} : memref<16x128xi32, #tpu.memory_space<vmem>>, vector<1x16xi32>,
    %get3A_1076 = arith.constant 528 : index
    %get3A_1077 = tpu.vector_load %arg5[%get3A_1076] {strides = array<i32>} : memref<1024xi32, #tpu.memory_space<vmem>>, vector<16xi32>,
    %get3A_1078 = vector.shape_cast %get3A_1077 : vector<16xi32> to vector<16xi32>
    %add3A_1079 = vector.broadcast %mul3A_712 : i32 to vector<16xi32>
    %add3A_1080 = arith.addi %get3A_1078, %add3A_1079 : vector<16xi32>
    %swap3A_1081 = arith.constant 12 : i32
    %swap3A_1082 = arith.index_cast %swap3A_1081 : i32 to index
    %swap3A_1083 = arith.constant 16 : index
    %swap3A_1084 = tpu.vector_load %arg6[%swap3A_1082, %swap3A_1083] {strides = array<i32>} : memref<16x128xi32, #tpu.memory_space<vmem>>, vector<1x16xi32>,
    %swap3A_1085 = vector.shape_cast %swap3A_1084 : vector<1x16xi32> to vector<16xi32>
    %swap3A_1086 = vector.shape_cast %add3A_1080 : vector<16xi32> to vector<1x16xi32>
    tpu.vector_store %arg6[%swap3A_1082, %swap3A_1083], %swap3A_1086 {strides = array<i32>} : memref<16x128xi32, #tpu.memory_space<vmem>>, vector<1x16xi32>,
    %get3A_1087 = arith.constant 544 : index
    %get3A_1088 = tpu.vector_load %arg5[%get3A_1087] {strides = array<i32>} : memref<1024xi32, #tpu.memory_space<vmem>>, vector<16xi32>,
    %get3A_1089 = vector.shape_cast %get3A_1088 : vector<16xi32> to vector<16xi32>
    %add3A_1090 = vector.broadcast %mul3A_712 : i32 to vector<16xi32>
    %add3A_1091 = arith.addi %get3A_1089, %add3A_1090 : vector<16xi32>
    %swap3A_1092 = arith.constant 12 : i32
    %swap3A_1093 = arith.index_cast %swap3A_1092 : i32 to index
    %swap3A_1094 = arith.constant 32 : index
    %swap3A_1095 = tpu.vector_load %arg6[%swap3A_1093, %swap3A_1094] {strides = array<i32>} : memref<16x128xi32, #tpu.memory_space<vmem>>, vector<1x16xi32>,
    %swap3A_1096 = vector.shape_cast %swap3A_1095 : vector<1x16xi32> to vector<16xi32>
    %swap3A_1097 = vector.shape_cast %add3A_1091 : vector<16xi32> to vector<1x16xi32>
    tpu.vector_store %arg6[%swap3A_1093, %swap3A_1094], %swap3A_1097 {strides = array<i32>} : memref<16x128xi32, #tpu.memory_space<vmem>>, vector<1x16xi32>,
    %get3A_1098 = arith.constant 560 : index
    %get3A_1099 = tpu.vector_load %arg5[%get3A_1098] {strides = array<i32>} : memref<1024xi32, #tpu.memory_space<vmem>>, vector<16xi32>,
    %get3A_1100 = vector.shape_cast %get3A_1099 : vector<16xi32> to vector<16xi32>
    %add3A_1101 = vector.broadcast %mul3A_712 : i32 to vector<16xi32>
    %add3A_1102 = arith.addi %get3A_1100, %add3A_1101 : vector<16xi32>
    %swap3A_1103 = arith.constant 12 : i32
    %swap3A_1104 = arith.index_cast %swap3A_1103 : i32 to index
    %swap3A_1105 = arith.constant 48 : index
    %swap3A_1106 = tpu.vector_load %arg6[%swap3A_1104, %swap3A_1105] {strides = array<i32>} : memref<16x128xi32, #tpu.memory_space<vmem>>, vector<1x16xi32>,
    %swap3A_1107 = vector.shape_cast %swap3A_1106 : vector<1x16xi32> to vector<16xi32>
    %swap3A_1108 = vector.shape_cast %add3A_1102 : vector<16xi32> to vector<1x16xi32>
    tpu.vector_store %arg6[%swap3A_1104, %swap3A_1105], %swap3A_1108 {strides = array<i32>} : memref<16x128xi32, #tpu.memory_space<vmem>>, vector<1x16xi32>,
    %get3A_1109 = arith.constant 576 : index
    %get3A_1110 = tpu.vector_load %arg5[%get3A_1109] {strides = array<i32>} : memref<1024xi32, #tpu.memory_space<vmem>>, vector<16xi32>,
    %get3A_1111 = vector.shape_cast %get3A_1110 : vector<16xi32> to vector<16xi32>
    %add3A_1112 = vector.broadcast %mul3A_712 : i32 to vector<16xi32>
    %add3A_1113 = arith.addi %get3A_1111, %add3A_1112 : vector<16xi32>
    %swap3A_1114 = arith.constant 12 : i32
    %swap3A_1115 = arith.index_cast %swap3A_1114 : i32 to index
    %swap3A_1116 = arith.constant 64 : index
    %swap3A_1117 = tpu.vector_load %arg6[%swap3A_1115, %swap3A_1116] {strides = array<i32>} : memref<16x128xi32, #tpu.memory_space<vmem>>, vector<1x16xi32>,
    %swap3A_1118 = vector.shape_cast %swap3A_1117 : vector<1x16xi32> to vector<16xi32>
    %swap3A_1119 = vector.shape_cast %add3A_1113 : vector<16xi32> to vector<1x16xi32>
    tpu.vector_store %arg6[%swap3A_1115, %swap3A_1116], %swap3A_1119 {strides = array<i32>} : memref<16x128xi32, #tpu.memory_space<vmem>>, vector<1x16xi32>,
    %get3A_1120 = arith.constant 592 : index
    %get3A_1121 = tpu.vector_load %arg5[%get3A_1120] {strides = array<i32>} : memref<1024xi32, #tpu.memory_space<vmem>>, vector<16xi32>,
    %get3A_1122 = vector.shape_cast %get3A_1121 : vector<16xi32> to vector<16xi32>
    %add3A_1123 = vector.broadcast %mul3A_712 : i32 to vector<16xi32>
    %add3A_1124 = arith.addi %get3A_1122, %add3A_1123 : vector<16xi32>
    %swap3A_1125 = arith.constant 12 : i32
    %swap3A_1126 = arith.index_cast %swap3A_1125 : i32 to index
    %swap3A_1127 = arith.constant 80 : index
    %swap3A_1128 = tpu.vector_load %arg6[%swap3A_1126, %swap3A_1127] {strides = array<i32>} : memref<16x128xi32, #tpu.memory_space<vmem>>, vector<1x16xi32>,
    %swap3A_1129 = vector.shape_cast %swap3A_1128 : vector<1x16xi32> to vector<16xi32>
    %swap3A_1130 = vector.shape_cast %add3A_1124 : vector<16xi32> to vector<1x16xi32>
    tpu.vector_store %arg6[%swap3A_1126, %swap3A_1127], %swap3A_1130 {strides = array<i32>} : memref<16x128xi32, #tpu.memory_space<vmem>>, vector<1x16xi32>,
    %get3A_1131 = arith.constant 608 : index
    %get3A_1132 = tpu.vector_load %arg5[%get3A_1131] {strides = array<i32>} : memref<1024xi32, #tpu.memory_space<vmem>>, vector<16xi32>,
    %get3A_1133 = vector.shape_cast %get3A_1132 : vector<16xi32> to vector<16xi32>
    %add3A_1134 = vector.broadcast %mul3A_712 : i32 to vector<16xi32>
    %add3A_1135 = arith.addi %get3A_1133, %add3A_1134 : vector<16xi32>
    %swap3A_1136 = arith.constant 12 : i32
    %swap3A_1137 = arith.index_cast %swap3A_1136 : i32 to index
    %swap3A_1138 = arith.constant 96 : index
    %swap3A_1139 = tpu.vector_load %arg6[%swap3A_1137, %swap3A_1138] {strides = array<i32>} : memref<16x128xi32, #tpu.memory_space<vmem>>, vector<1x16xi32>,
    %swap3A_1140 = vector.shape_cast %swap3A_1139 : vector<1x16xi32> to vector<16xi32>
    %swap3A_1141 = vector.shape_cast %add3A_1135 : vector<16xi32> to vector<1x16xi32>
    tpu.vector_store %arg6[%swap3A_1137, %swap3A_1138], %swap3A_1141 {strides = array<i32>} : memref<16x128xi32, #tpu.memory_space<vmem>>, vector<1x16xi32>,
    %get3A_1142 = arith.constant 624 : index
    %get3A_1143 = tpu.vector_load %arg5[%get3A_1142] {strides = array<i32>} : memref<1024xi32, #tpu.memory_space<vmem>>, vector<16xi32>,
    %get3A_1144 = vector.shape_cast %get3A_1143 : vector<16xi32> to vector<16xi32>
    %add3A_1145 = vector.broadcast %mul3A_712 : i32 to vector<16xi32>
    %add3A_1146 = arith.addi %get3A_1144, %add3A_1145 : vector<16xi32>
    %swap3A_1147 = arith.constant 12 : i32
    %swap3A_1148 = arith.index_cast %swap3A_1147 : i32 to index
    %swap3A_1149 = arith.constant 112 : index
    %swap3A_1150 = tpu.vector_load %arg6[%swap3A_1148, %swap3A_1149] {strides = array<i32>} : memref<16x128xi32, #tpu.memory_space<vmem>>, vector<1x16xi32>,
    %swap3A_1151 = vector.shape_cast %swap3A_1150 : vector<1x16xi32> to vector<16xi32>
    %swap3A_1152 = vector.shape_cast %add3A_1146 : vector<16xi32> to vector<1x16xi32>
    tpu.vector_store %arg6[%swap3A_1148, %swap3A_1149], %swap3A_1152 {strides = array<i32>} : memref<16x128xi32, #tpu.memory_space<vmem>>, vector<1x16xi32>,
    %get3A_1153 = arith.constant 640 : index
    %get3A_1154 = tpu.vector_load %arg5[%get3A_1153] {strides = array<i32>} : memref<1024xi32, #tpu.memory_space<vmem>>, vector<16xi32>,
    %get3A_1155 = vector.shape_cast %get3A_1154 : vector<16xi32> to vector<16xi32>
    %add3A_1156 = vector.broadcast %mul3A_712 : i32 to vector<16xi32>
    %add3A_1157 = arith.addi %get3A_1155, %add3A_1156 : vector<16xi32>
    %swap3A_1158 = arith.constant 13 : i32
    %swap3A_1159 = arith.index_cast %swap3A_1158 : i32 to index
    %swap3A_1160 = arith.constant 0 : index
    %swap3A_1161 = tpu.vector_load %arg6[%swap3A_1159, %swap3A_1160] {strides = array<i32>} : memref<16x128xi32, #tpu.memory_space<vmem>>, vector<1x16xi32>,
    %swap3A_1162 = vector.shape_cast %swap3A_1161 : vector<1x16xi32> to vector<16xi32>
    %swap3A_1163 = vector.shape_cast %add3A_1157 : vector<16xi32> to vector<1x16xi32>
    tpu.vector_store %arg6[%swap3A_1159, %swap3A_1160], %swap3A_1163 {strides = array<i32>} : memref<16x128xi32, #tpu.memory_space<vmem>>, vector<1x16xi32>,
    %get3A_1164 = arith.constant 656 : index
    %get3A_1165 = tpu.vector_load %arg5[%get3A_1164] {strides = array<i32>} : memref<1024xi32, #tpu.memory_space<vmem>>, vector<16xi32>,
    %get3A_1166 = vector.shape_cast %get3A_1165 : vector<16xi32> to vector<16xi32>
    %add3A_1167 = vector.broadcast %mul3A_712 : i32 to vector<16xi32>
    %add3A_1168 = arith.addi %get3A_1166, %add3A_1167 : vector<16xi32>
    %swap3A_1169 = arith.constant 13 : i32
    %swap3A_1170 = arith.index_cast %swap3A_1169 : i32 to index
    %swap3A_1171 = arith.constant 16 : index
    %swap3A_1172 = tpu.vector_load %arg6[%swap3A_1170, %swap3A_1171] {strides = array<i32>} : memref<16x128xi32, #tpu.memory_space<vmem>>, vector<1x16xi32>,
    %swap3A_1173 = vector.shape_cast %swap3A_1172 : vector<1x16xi32> to vector<16xi32>
    %swap3A_1174 = vector.shape_cast %add3A_1168 : vector<16xi32> to vector<1x16xi32>
    tpu.vector_store %arg6[%swap3A_1170, %swap3A_1171], %swap3A_1174 {strides = array<i32>} : memref<16x128xi32, #tpu.memory_space<vmem>>, vector<1x16xi32>,
    %get3A_1175 = arith.constant 672 : index
    %get3A_1176 = tpu.vector_load %arg5[%get3A_1175] {strides = array<i32>} : memref<1024xi32, #tpu.memory_space<vmem>>, vector<16xi32>,
    %get3A_1177 = vector.shape_cast %get3A_1176 : vector<16xi32> to vector<16xi32>
    %add3A_1178 = vector.broadcast %mul3A_712 : i32 to vector<16xi32>
    %add3A_1179 = arith.addi %get3A_1177, %add3A_1178 : vector<16xi32>
    %swap3A_1180 = arith.constant 13 : i32
    %swap3A_1181 = arith.index_cast %swap3A_1180 : i32 to index
    %swap3A_1182 = arith.constant 32 : index
    %swap3A_1183 = tpu.vector_load %arg6[%swap3A_1181, %swap3A_1182] {strides = array<i32>} : memref<16x128xi32, #tpu.memory_space<vmem>>, vector<1x16xi32>,
    %swap3A_1184 = vector.shape_cast %swap3A_1183 : vector<1x16xi32> to vector<16xi32>
    %swap3A_1185 = vector.shape_cast %add3A_1179 : vector<16xi32> to vector<1x16xi32>
    tpu.vector_store %arg6[%swap3A_1181, %swap3A_1182], %swap3A_1185 {strides = array<i32>} : memref<16x128xi32, #tpu.memory_space<vmem>>, vector<1x16xi32>,
    %get3A_1186 = arith.constant 688 : index
    %get3A_1187 = tpu.vector_load %arg5[%get3A_1186] {strides = array<i32>} : memref<1024xi32, #tpu.memory_space<vmem>>, vector<16xi32>,
    %get3A_1188 = vector.shape_cast %get3A_1187 : vector<16xi32> to vector<16xi32>
    %add3A_1189 = vector.broadcast %mul3A_712 : i32 to vector<16xi32>
    %add3A_1190 = arith.addi %get3A_1188, %add3A_1189 : vector<16xi32>
    %swap3A_1191 = arith.constant 13 : i32
    %swap3A_1192 = arith.index_cast %swap3A_1191 : i32 to index
    %swap3A_1193 = arith.constant 48 : index
    %swap3A_1194 = tpu.vector_load %arg6[%swap3A_1192, %swap3A_1193] {strides = array<i32>} : memref<16x128xi32, #tpu.memory_space<vmem>>, vector<1x16xi32>,
    %swap3A_1195 = vector.shape_cast %swap3A_1194 : vector<1x16xi32> to vector<16xi32>
    %swap3A_1196 = vector.shape_cast %add3A_1190 : vector<16xi32> to vector<1x16xi32>
    tpu.vector_store %arg6[%swap3A_1192, %swap3A_1193], %swap3A_1196 {strides = array<i32>} : memref<16x128xi32, #tpu.memory_space<vmem>>, vector<1x16xi32>,
    %get3A_1197 = arith.constant 704 : index
    %get3A_1198 = tpu.vector_load %arg5[%get3A_1197] {strides = array<i32>} : memref<1024xi32, #tpu.memory_space<vmem>>, vector<16xi32>,
    %get3A_1199 = vector.shape_cast %get3A_1198 : vector<16xi32> to vector<16xi32>
    %add3A_1200 = vector.broadcast %mul3A_712 : i32 to vector<16xi32>
    %add3A_1201 = arith.addi %get3A_1199, %add3A_1200 : vector<16xi32>
    %swap3A_1202 = arith.constant 13 : i32
    %swap3A_1203 = arith.index_cast %swap3A_1202 : i32 to index
    %swap3A_1204 = arith.constant 64 : index
    %swap3A_1205 = tpu.vector_load %arg6[%swap3A_1203, %swap3A_1204] {strides = array<i32>} : memref<16x128xi32, #tpu.memory_space<vmem>>, vector<1x16xi32>,
    %swap3A_1206 = vector.shape_cast %swap3A_1205 : vector<1x16xi32> to vector<16xi32>
    %swap3A_1207 = vector.shape_cast %add3A_1201 : vector<16xi32> to vector<1x16xi32>
    tpu.vector_store %arg6[%swap3A_1203, %swap3A_1204], %swap3A_1207 {strides = array<i32>} : memref<16x128xi32, #tpu.memory_space<vmem>>, vector<1x16xi32>,
    %get3A_1208 = arith.constant 720 : index
    %get3A_1209 = tpu.vector_load %arg5[%get3A_1208] {strides = array<i32>} : memref<1024xi32, #tpu.memory_space<vmem>>, vector<16xi32>,
    %get3A_1210 = vector.shape_cast %get3A_1209 : vector<16xi32> to vector<16xi32>
    %add3A_1211 = vector.broadcast %mul3A_712 : i32 to vector<16xi32>
    %add3A_1212 = arith.addi %get3A_1210, %add3A_1211 : vector<16xi32>
    %swap3A_1213 = arith.constant 13 : i32
    %swap3A_1214 = arith.index_cast %swap3A_1213 : i32 to index
    %swap3A_1215 = arith.constant 80 : index
    %swap3A_1216 = tpu.vector_load %arg6[%swap3A_1214, %swap3A_1215] {strides = array<i32>} : memref<16x128xi32, #tpu.memory_space<vmem>>, vector<1x16xi32>,
    %swap3A_1217 = vector.shape_cast %swap3A_1216 : vector<1x16xi32> to vector<16xi32>
    %swap3A_1218 = vector.shape_cast %add3A_1212 : vector<16xi32> to vector<1x16xi32>
    tpu.vector_store %arg6[%swap3A_1214, %swap3A_1215], %swap3A_1218 {strides = array<i32>} : memref<16x128xi32, #tpu.memory_space<vmem>>, vector<1x16xi32>,
    %get3A_1219 = arith.constant 736 : index
    %get3A_1220 = tpu.vector_load %arg5[%get3A_1219] {strides = array<i32>} : memref<1024xi32, #tpu.memory_space<vmem>>, vector<16xi32>,
    %get3A_1221 = vector.shape_cast %get3A_1220 : vector<16xi32> to vector<16xi32>
    %add3A_1222 = vector.broadcast %mul3A_712 : i32 to vector<16xi32>
    %add3A_1223 = arith.addi %get3A_1221, %add3A_1222 : vector<16xi32>
    %swap3A_1224 = arith.constant 13 : i32
    %swap3A_1225 = arith.index_cast %swap3A_1224 : i32 to index
    %swap3A_1226 = arith.constant 96 : index
    %swap3A_1227 = tpu.vector_load %arg6[%swap3A_1225, %swap3A_1226] {strides = array<i32>} : memref<16x128xi32, #tpu.memory_space<vmem>>, vector<1x16xi32>,
    %swap3A_1228 = vector.shape_cast %swap3A_1227 : vector<1x16xi32> to vector<16xi32>
    %swap3A_1229 = vector.shape_cast %add3A_1223 : vector<16xi32> to vector<1x16xi32>
    tpu.vector_store %arg6[%swap3A_1225, %swap3A_1226], %swap3A_1229 {strides = array<i32>} : memref<16x128xi32, #tpu.memory_space<vmem>>, vector<1x16xi32>,
    %get3A_1230 = arith.constant 752 : index
    %get3A_1231 = tpu.vector_load %arg5[%get3A_1230] {strides = array<i32>} : memref<1024xi32, #tpu.memory_space<vmem>>, vector<16xi32>,
    %get3A_1232 = vector.shape_cast %get3A_1231 : vector<16xi32> to vector<16xi32>
    %add3A_1233 = vector.broadcast %mul3A_712 : i32 to vector<16xi32>
    %add3A_1234 = arith.addi %get3A_1232, %add3A_1233 : vector<16xi32>
    %swap3A_1235 = arith.constant 13 : i32
    %swap3A_1236 = arith.index_cast %swap3A_1235 : i32 to index
    %swap3A_1237 = arith.constant 112 : index
    %swap3A_1238 = tpu.vector_load %arg6[%swap3A_1236, %swap3A_1237] {strides = array<i32>} : memref<16x128xi32, #tpu.memory_space<vmem>>, vector<1x16xi32>,
    %swap3A_1239 = vector.shape_cast %swap3A_1238 : vector<1x16xi32> to vector<16xi32>
    %swap3A_1240 = vector.shape_cast %add3A_1234 : vector<16xi32> to vector<1x16xi32>
    tpu.vector_store %arg6[%swap3A_1236, %swap3A_1237], %swap3A_1240 {strides = array<i32>} : memref<16x128xi32, #tpu.memory_space<vmem>>, vector<1x16xi32>,
    %get3A_1241 = arith.constant 768 : index
    %get3A_1242 = tpu.vector_load %arg5[%get3A_1241] {strides = array<i32>} : memref<1024xi32, #tpu.memory_space<vmem>>, vector<16xi32>,
    %get3A_1243 = vector.shape_cast %get3A_1242 : vector<16xi32> to vector<16xi32>
    %add3A_1244 = vector.broadcast %mul3A_712 : i32 to vector<16xi32>
    %add3A_1245 = arith.addi %get3A_1243, %add3A_1244 : vector<16xi32>
    %swap3A_1246 = arith.constant 14 : i32
    %swap3A_1247 = arith.index_cast %swap3A_1246 : i32 to index
    %swap3A_1248 = arith.constant 0 : index
    %swap3A_1249 = tpu.vector_load %arg6[%swap3A_1247, %swap3A_1248] {strides = array<i32>} : memref<16x128xi32, #tpu.memory_space<vmem>>, vector<1x16xi32>,
    %swap3A_1250 = vector.shape_cast %swap3A_1249 : vector<1x16xi32> to vector<16xi32>
    %swap3A_1251 = vector.shape_cast %add3A_1245 : vector<16xi32> to vector<1x16xi32>
    tpu.vector_store %arg6[%swap3A_1247, %swap3A_1248], %swap3A_1251 {strides = array<i32>} : memref<16x128xi32, #tpu.memory_space<vmem>>, vector<1x16xi32>,
    %get3A_1252 = arith.constant 784 : index
    %get3A_1253 = tpu.vector_load %arg5[%get3A_1252] {strides = array<i32>} : memref<1024xi32, #tpu.memory_space<vmem>>, vector<16xi32>,
    %get3A_1254 = vector.shape_cast %get3A_1253 : vector<16xi32> to vector<16xi32>
    %add3A_1255 = vector.broadcast %mul3A_712 : i32 to vector<16xi32>
    %add3A_1256 = arith.addi %get3A_1254, %add3A_1255 : vector<16xi32>
    %swap3A_1257 = arith.constant 14 : i32
    %swap3A_1258 = arith.index_cast %swap3A_1257 : i32 to index
    %swap3A_1259 = arith.constant 16 : index
    %swap3A_1260 = tpu.vector_load %arg6[%swap3A_1258, %swap3A_1259] {strides = array<i32>} : memref<16x128xi32, #tpu.memory_space<vmem>>, vector<1x16xi32>,
    %swap3A_1261 = vector.shape_cast %swap3A_1260 : vector<1x16xi32> to vector<16xi32>
    %swap3A_1262 = vector.shape_cast %add3A_1256 : vector<16xi32> to vector<1x16xi32>
    tpu.vector_store %arg6[%swap3A_1258, %swap3A_1259], %swap3A_1262 {strides = array<i32>} : memref<16x128xi32, #tpu.memory_space<vmem>>, vector<1x16xi32>,
    %get3A_1263 = arith.constant 800 : index
    %get3A_1264 = tpu.vector_load %arg5[%get3A_1263] {strides = array<i32>} : memref<1024xi32, #tpu.memory_space<vmem>>, vector<16xi32>,
    %get3A_1265 = vector.shape_cast %get3A_1264 : vector<16xi32> to vector<16xi32>
    %add3A_1266 = vector.broadcast %mul3A_712 : i32 to vector<16xi32>
    %add3A_1267 = arith.addi %get3A_1265, %add3A_1266 : vector<16xi32>
    %swap3A_1268 = arith.constant 14 : i32
    %swap3A_1269 = arith.index_cast %swap3A_1268 : i32 to index
    %swap3A_1270 = arith.constant 32 : index
    %swap3A_1271 = tpu.vector_load %arg6[%swap3A_1269, %swap3A_1270] {strides = array<i32>} : memref<16x128xi32, #tpu.memory_space<vmem>>, vector<1x16xi32>,
    %swap3A_1272 = vector.shape_cast %swap3A_1271 : vector<1x16xi32> to vector<16xi32>
    %swap3A_1273 = vector.shape_cast %add3A_1267 : vector<16xi32> to vector<1x16xi32>
    tpu.vector_store %arg6[%swap3A_1269, %swap3A_1270], %swap3A_1273 {strides = array<i32>} : memref<16x128xi32, #tpu.memory_space<vmem>>, vector<1x16xi32>,
    %get3A_1274 = arith.constant 816 : index
    %get3A_1275 = tpu.vector_load %arg5[%get3A_1274] {strides = array<i32>} : memref<1024xi32, #tpu.memory_space<vmem>>, vector<16xi32>,
    %get3A_1276 = vector.shape_cast %get3A_1275 : vector<16xi32> to vector<16xi32>
    %add3A_1277 = vector.broadcast %mul3A_712 : i32 to vector<16xi32>
    %add3A_1278 = arith.addi %get3A_1276, %add3A_1277 : vector<16xi32>
    %swap3A_1279 = arith.constant 14 : i32
    %swap3A_1280 = arith.index_cast %swap3A_1279 : i32 to index
    %swap3A_1281 = arith.constant 48 : index
    %swap3A_1282 = tpu.vector_load %arg6[%swap3A_1280, %swap3A_1281] {strides = array<i32>} : memref<16x128xi32, #tpu.memory_space<vmem>>, vector<1x16xi32>,
    %swap3A_1283 = vector.shape_cast %swap3A_1282 : vector<1x16xi32> to vector<16xi32>
    %swap3A_1284 = vector.shape_cast %add3A_1278 : vector<16xi32> to vector<1x16xi32>
    tpu.vector_store %arg6[%swap3A_1280, %swap3A_1281], %swap3A_1284 {strides = array<i32>} : memref<16x128xi32, #tpu.memory_space<vmem>>, vector<1x16xi32>,
    %get3A_1285 = arith.constant 832 : index
    %get3A_1286 = tpu.vector_load %arg5[%get3A_1285] {strides = array<i32>} : memref<1024xi32, #tpu.memory_space<vmem>>, vector<16xi32>,
    %get3A_1287 = vector.shape_cast %get3A_1286 : vector<16xi32> to vector<16xi32>
    %add3A_1288 = vector.broadcast %mul3A_712 : i32 to vector<16xi32>
    %add3A_1289 = arith.addi %get3A_1287, %add3A_1288 : vector<16xi32>
    %swap3A_1290 = arith.constant 14 : i32
    %swap3A_1291 = arith.index_cast %swap3A_1290 : i32 to index
    %swap3A_1292 = arith.constant 64 : index
    %swap3A_1293 = tpu.vector_load %arg6[%swap3A_1291, %swap3A_1292] {strides = array<i32>} : memref<16x128xi32, #tpu.memory_space<vmem>>, vector<1x16xi32>,
    %swap3A_1294 = vector.shape_cast %swap3A_1293 : vector<1x16xi32> to vector<16xi32>
    %swap3A_1295 = vector.shape_cast %add3A_1289 : vector<16xi32> to vector<1x16xi32>
    tpu.vector_store %arg6[%swap3A_1291, %swap3A_1292], %swap3A_1295 {strides = array<i32>} : memref<16x128xi32, #tpu.memory_space<vmem>>, vector<1x16xi32>,
    %get3A_1296 = arith.constant 848 : index
    %get3A_1297 = tpu.vector_load %arg5[%get3A_1296] {strides = array<i32>} : memref<1024xi32, #tpu.memory_space<vmem>>, vector<16xi32>,
    %get3A_1298 = vector.shape_cast %get3A_1297 : vector<16xi32> to vector<16xi32>
    %add3A_1299 = vector.broadcast %mul3A_712 : i32 to vector<16xi32>
    %add3A_1300 = arith.addi %get3A_1298, %add3A_1299 : vector<16xi32>
    %swap3A_1301 = arith.constant 14 : i32
    %swap3A_1302 = arith.index_cast %swap3A_1301 : i32 to index
    %swap3A_1303 = arith.constant 80 : index
    %swap3A_1304 = tpu.vector_load %arg6[%swap3A_1302, %swap3A_1303] {strides = array<i32>} : memref<16x128xi32, #tpu.memory_space<vmem>>, vector<1x16xi32>,
    %swap3A_1305 = vector.shape_cast %swap3A_1304 : vector<1x16xi32> to vector<16xi32>
    %swap3A_1306 = vector.shape_cast %add3A_1300 : vector<16xi32> to vector<1x16xi32>
    tpu.vector_store %arg6[%swap3A_1302, %swap3A_1303], %swap3A_1306 {strides = array<i32>} : memref<16x128xi32, #tpu.memory_space<vmem>>, vector<1x16xi32>,
    %get3A_1307 = arith.constant 864 : index
    %get3A_1308 = tpu.vector_load %arg5[%get3A_1307] {strides = array<i32>} : memref<1024xi32, #tpu.memory_space<vmem>>, vector<16xi32>,
    %get3A_1309 = vector.shape_cast %get3A_1308 : vector<16xi32> to vector<16xi32>
    %add3A_1310 = vector.broadcast %mul3A_712 : i32 to vector<16xi32>
    %add3A_1311 = arith.addi %get3A_1309, %add3A_1310 : vector<16xi32>
    %swap3A_1312 = arith.constant 14 : i32
    %swap3A_1313 = arith.index_cast %swap3A_1312 : i32 to index
    %swap3A_1314 = arith.constant 96 : index
    %swap3A_1315 = tpu.vector_load %arg6[%swap3A_1313, %swap3A_1314] {strides = array<i32>} : memref<16x128xi32, #tpu.memory_space<vmem>>, vector<1x16xi32>,
    %swap3A_1316 = vector.shape_cast %swap3A_1315 : vector<1x16xi32> to vector<16xi32>
    %swap3A_1317 = vector.shape_cast %add3A_1311 : vector<16xi32> to vector<1x16xi32>
    tpu.vector_store %arg6[%swap3A_1313, %swap3A_1314], %swap3A_1317 {strides = array<i32>} : memref<16x128xi32, #tpu.memory_space<vmem>>, vector<1x16xi32>,
    %get3A_1318 = arith.constant 880 : index
    %get3A_1319 = tpu.vector_load %arg5[%get3A_1318] {strides = array<i32>} : memref<1024xi32, #tpu.memory_space<vmem>>, vector<16xi32>,
    %get3A_1320 = vector.shape_cast %get3A_1319 : vector<16xi32> to vector<16xi32>
    %add3A_1321 = vector.broadcast %mul3A_712 : i32 to vector<16xi32>
    %add3A_1322 = arith.addi %get3A_1320, %add3A_1321 : vector<16xi32>
    %swap3A_1323 = arith.constant 14 : i32
    %swap3A_1324 = arith.index_cast %swap3A_1323 : i32 to index
    %swap3A_1325 = arith.constant 112 : index
    %swap3A_1326 = tpu.vector_load %arg6[%swap3A_1324, %swap3A_1325] {strides = array<i32>} : memref<16x128xi32, #tpu.memory_space<vmem>>, vector<1x16xi32>,
    %swap3A_1327 = vector.shape_cast %swap3A_1326 : vector<1x16xi32> to vector<16xi32>
    %swap3A_1328 = vector.shape_cast %add3A_1322 : vector<16xi32> to vector<1x16xi32>
    tpu.vector_store %arg6[%swap3A_1324, %swap3A_1325], %swap3A_1328 {strides = array<i32>} : memref<16x128xi32, #tpu.memory_space<vmem>>, vector<1x16xi32>,
    %get3A_1329 = arith.constant 896 : index
    %get3A_1330 = tpu.vector_load %arg5[%get3A_1329] {strides = array<i32>} : memref<1024xi32, #tpu.memory_space<vmem>>, vector<16xi32>,
    %get3A_1331 = vector.shape_cast %get3A_1330 : vector<16xi32> to vector<16xi32>
    %add3A_1332 = vector.broadcast %mul3A_712 : i32 to vector<16xi32>
    %add3A_1333 = arith.addi %get3A_1331, %add3A_1332 : vector<16xi32>
    %swap3A_1334 = arith.constant 15 : i32
    %swap3A_1335 = arith.index_cast %swap3A_1334 : i32 to index
    %swap3A_1336 = arith.constant 0 : index
    %swap3A_1337 = tpu.vector_load %arg6[%swap3A_1335, %swap3A_1336] {strides = array<i32>} : memref<16x128xi32, #tpu.memory_space<vmem>>, vector<1x16xi32>,
    %swap3A_1338 = vector.shape_cast %swap3A_1337 : vector<1x16xi32> to vector<16xi32>
    %swap3A_1339 = vector.shape_cast %add3A_1333 : vector<16xi32> to vector<1x16xi32>
    tpu.vector_store %arg6[%swap3A_1335, %swap3A_1336], %swap3A_1339 {strides = array<i32>} : memref<16x128xi32, #tpu.memory_space<vmem>>, vector<1x16xi32>,
    %get3A_1340 = arith.constant 912 : index
    %get3A_1341 = tpu.vector_load %arg5[%get3A_1340] {strides = array<i32>} : memref<1024xi32, #tpu.memory_space<vmem>>, vector<16xi32>,
    %get3A_1342 = vector.shape_cast %get3A_1341 : vector<16xi32> to vector<16xi32>
    %add3A_1343 = vector.broadcast %mul3A_712 : i32 to vector<16xi32>
    %add3A_1344 = arith.addi %get3A_1342, %add3A_1343 : vector<16xi32>
    %swap3A_1345 = arith.constant 15 : i32
    %swap3A_1346 = arith.index_cast %swap3A_1345 : i32 to index
    %swap3A_1347 = arith.constant 16 : index
    %swap3A_1348 = tpu.vector_load %arg6[%swap3A_1346, %swap3A_1347] {strides = array<i32>} : memref<16x128xi32, #tpu.memory_space<vmem>>, vector<1x16xi32>,
    %swap3A_1349 = vector.shape_cast %swap3A_1348 : vector<1x16xi32> to vector<16xi32>
    %swap3A_1350 = vector.shape_cast %add3A_1344 : vector<16xi32> to vector<1x16xi32>
    tpu.vector_store %arg6[%swap3A_1346, %swap3A_1347], %swap3A_1350 {strides = array<i32>} : memref<16x128xi32, #tpu.memory_space<vmem>>, vector<1x16xi32>,
    %get3A_1351 = arith.constant 928 : index
    %get3A_1352 = tpu.vector_load %arg5[%get3A_1351] {strides = array<i32>} : memref<1024xi32, #tpu.memory_space<vmem>>, vector<16xi32>,
    %get3A_1353 = vector.shape_cast %get3A_1352 : vector<16xi32> to vector<16xi32>
    %add3A_1354 = vector.broadcast %mul3A_712 : i32 to vector<16xi32>
    %add3A_1355 = arith.addi %get3A_1353, %add3A_1354 : vector<16xi32>
    %swap3A_1356 = arith.constant 15 : i32
    %swap3A_1357 = arith.index_cast %swap3A_1356 : i32 to index
    %swap3A_1358 = arith.constant 32 : index
    %swap3A_1359 = tpu.vector_load %arg6[%swap3A_1357, %swap3A_1358] {strides = array<i32>} : memref<16x128xi32, #tpu.memory_space<vmem>>, vector<1x16xi32>,
    %swap3A_1360 = vector.shape_cast %swap3A_1359 : vector<1x16xi32> to vector<16xi32>
    %swap3A_1361 = vector.shape_cast %add3A_1355 : vector<16xi32> to vector<1x16xi32>
    tpu.vector_store %arg6[%swap3A_1357, %swap3A_1358], %swap3A_1361 {strides = array<i32>} : memref<16x128xi32, #tpu.memory_space<vmem>>, vector<1x16xi32>,
    %get3A_1362 = arith.constant 944 : index
    %get3A_1363 = tpu.vector_load %arg5[%get3A_1362] {strides = array<i32>} : memref<1024xi32, #tpu.memory_space<vmem>>, vector<16xi32>,
    %get3A_1364 = vector.shape_cast %get3A_1363 : vector<16xi32> to vector<16xi32>
    %add3A_1365 = vector.broadcast %mul3A_712 : i32 to vector<16xi32>
    %add3A_1366 = arith.addi %get3A_1364, %add3A_1365 : vector<16xi32>
    %swap3A_1367 = arith.constant 15 : i32
    %swap3A_1368 = arith.index_cast %swap3A_1367 : i32 to index
    %swap3A_1369 = arith.constant 48 : index
    %swap3A_1370 = tpu.vector_load %arg6[%swap3A_1368, %swap3A_1369] {strides = array<i32>} : memref<16x128xi32, #tpu.memory_space<vmem>>, vector<1x16xi32>,
    %swap3A_1371 = vector.shape_cast %swap3A_1370 : vector<1x16xi32> to vector<16xi32>
    %swap3A_1372 = vector.shape_cast %add3A_1366 : vector<16xi32> to vector<1x16xi32>
    tpu.vector_store %arg6[%swap3A_1368, %swap3A_1369], %swap3A_1372 {strides = array<i32>} : memref<16x128xi32, #tpu.memory_space<vmem>>, vector<1x16xi32>,
    %get3A_1373 = arith.constant 960 : index
    %get3A_1374 = tpu.vector_load %arg5[%get3A_1373] {strides = array<i32>} : memref<1024xi32, #tpu.memory_space<vmem>>, vector<16xi32>,
    %get3A_1375 = vector.shape_cast %get3A_1374 : vector<16xi32> to vector<16xi32>
    %add3A_1376 = vector.broadcast %mul3A_712 : i32 to vector<16xi32>
    %add3A_1377 = arith.addi %get3A_1375, %add3A_1376 : vector<16xi32>
    %swap3A_1378 = arith.constant 15 : i32
    %swap3A_1379 = arith.index_cast %swap3A_1378 : i32 to index
    %swap3A_1380 = arith.constant 64 : index
    %swap3A_1381 = tpu.vector_load %arg6[%swap3A_1379, %swap3A_1380] {strides = array<i32>} : memref<16x128xi32, #tpu.memory_space<vmem>>, vector<1x16xi32>,
    %swap3A_1382 = vector.shape_cast %swap3A_1381 : vector<1x16xi32> to vector<16xi32>
    %swap3A_1383 = vector.shape_cast %add3A_1377 : vector<16xi32> to vector<1x16xi32>
    tpu.vector_store %arg6[%swap3A_1379, %swap3A_1380], %swap3A_1383 {strides = array<i32>} : memref<16x128xi32, #tpu.memory_space<vmem>>, vector<1x16xi32>,
    %get3A_1384 = arith.constant 976 : index
    %get3A_1385 = tpu.vector_load %arg5[%get3A_1384] {strides = array<i32>} : memref<1024xi32, #tpu.memory_space<vmem>>, vector<16xi32>,
    %get3A_1386 = vector.shape_cast %get3A_1385 : vector<16xi32> to vector<16xi32>
    %add3A_1387 = vector.broadcast %mul3A_712 : i32 to vector<16xi32>
    %add3A_1388 = arith.addi %get3A_1386, %add3A_1387 : vector<16xi32>
    %swap3A_1389 = arith.constant 15 : i32
    %swap3A_1390 = arith.index_cast %swap3A_1389 : i32 to index
    %swap3A_1391 = arith.constant 80 : index
    %swap3A_1392 = tpu.vector_load %arg6[%swap3A_1390, %swap3A_1391] {strides = array<i32>} : memref<16x128xi32, #tpu.memory_space<vmem>>, vector<1x16xi32>,
    %swap3A_1393 = vector.shape_cast %swap3A_1392 : vector<1x16xi32> to vector<16xi32>
    %swap3A_1394 = vector.shape_cast %add3A_1388 : vector<16xi32> to vector<1x16xi32>
    tpu.vector_store %arg6[%swap3A_1390, %swap3A_1391], %swap3A_1394 {strides = array<i32>} : memref<16x128xi32, #tpu.memory_space<vmem>>, vector<1x16xi32>,
    %get3A_1395 = arith.constant 992 : index
    %get3A_1396 = tpu.vector_load %arg5[%get3A_1395] {strides = array<i32>} : memref<1024xi32, #tpu.memory_space<vmem>>, vector<16xi32>,
    %get3A_1397 = vector.shape_cast %get3A_1396 : vector<16xi32> to vector<16xi32>
    %add3A_1398 = vector.broadcast %mul3A_712 : i32 to vector<16xi32>
    %add3A_1399 = arith.addi %get3A_1397, %add3A_1398 : vector<16xi32>
    %swap3A_1400 = arith.constant 15 : i32
    %swap3A_1401 = arith.index_cast %swap3A_1400 : i32 to index
    %swap3A_1402 = arith.constant 96 : index
    %swap3A_1403 = tpu.vector_load %arg6[%swap3A_1401, %swap3A_1402] {strides = array<i32>} : memref<16x128xi32, #tpu.memory_space<vmem>>, vector<1x16xi32>,
    %swap3A_1404 = vector.shape_cast %swap3A_1403 : vector<1x16xi32> to vector<16xi32>
    %swap3A_1405 = vector.shape_cast %add3A_1399 : vector<16xi32> to vector<1x16xi32>
    tpu.vector_store %arg6[%swap3A_1401, %swap3A_1402], %swap3A_1405 {strides = array<i32>} : memref<16x128xi32, #tpu.memory_space<vmem>>, vector<1x16xi32>,
    %get3A_1406 = arith.constant 1008 : index
    %get3A_1407 = tpu.vector_load %arg5[%get3A_1406] {strides = array<i32>} : memref<1024xi32, #tpu.memory_space<vmem>>, vector<16xi32>,
    %get3A_1408 = vector.shape_cast %get3A_1407 : vector<16xi32> to vector<16xi32>
    %add3A_1409 = vector.broadcast %mul3A_712 : i32 to vector<16xi32>
    %add3A_1410 = arith.addi %get3A_1408, %add3A_1409 : vector<16xi32>
    %swap3A_1411 = arith.constant 15 : i32
    %swap3A_1412 = arith.index_cast %swap3A_1411 : i32 to index
    %swap3A_1413 = arith.constant 112 : index
    %swap3A_1414 = tpu.vector_load %arg6[%swap3A_1412, %swap3A_1413] {strides = array<i32>} : memref<16x128xi32, #tpu.memory_space<vmem>>, vector<1x16xi32>,
    %swap3A_1415 = vector.shape_cast %swap3A_1414 : vector<1x16xi32> to vector<16xi32>
    %swap3A_1416 = vector.shape_cast %add3A_1410 : vector<16xi32> to vector<1x16xi32>
    tpu.vector_store %arg6[%swap3A_1412, %swap3A_1413], %swap3A_1416 {strides = array<i32>} : memref<16x128xi32, #tpu.memory_space<vmem>>, vector<1x16xi32>,
    %dma_start3A = arith.constant 0 : i32
    %dma_start3A_1417 = arith.constant 0 : i32
    %dma_start3A_1418 = arith.constant 0 : i32
    %dma_start3A_1419 = tpu.memref_slice %arg7[%dma_start3A_1417, %dma_start3A_1418] : memref<2x1024xf32, #tpu.memory_space<vmem>> -> memref<1x128xf32, #tpu.memory_space<vmem>>
    %dma_start3A_1420 = tpu.memref_squeeze %dma_start3A_1419 : memref<1x128xf32, #tpu.memory_space<vmem>> -> memref<128xf32, #tpu.memory_space<vmem>>
    %dma_start3A_1421 = arith.constant 0 : i32
    %dma_start3A_1422 = tpu.memref_slice %arg6[%dma_start3A, %dma_start3A_1421] : memref<16x128xi32, #tpu.memory_space<vmem>> -> memref<1x128xi32, #tpu.memory_space<vmem>>
    %dma_start3A_1423 = tpu.memref_squeeze %dma_start3A_1422 : memref<1x128xi32, #tpu.memory_space<vmem>> -> memref<128xi32, #tpu.memory_space<vmem>>
    %dma_start3A_1424 = arith.constant 0 : i32
    %dma_start3A_1425 = tpu.memref_slice %arg2[%dma_start3A_1424] : memref<6400000xf32, #tpu.memory_space<hbm>> -> memref<6400000xf32, #tpu.memory_space<hbm>>
    tpu.enqueue_indirect_dma source(%dma_start3A_1425 : memref<6400000xf32, #tpu.memory_space<hbm>>) target(%dma_start3A_1420 : memref<128xf32, #tpu.memory_space<vmem>>) offsets(%dma_start3A_1423 : memref<128xi32, #tpu.memory_space<vmem>>) semaphore(%arg8 : memref<!tpu.dma_semaphore, #tpu.memory_space<semaphore_mem>>)
    %dma_start3A_1426 = arith.constant 1 : i32
    %dma_start3A_1427 = arith.constant 0 : i32
    %dma_start3A_1428 = arith.constant 128 : i32
    %dma_start3A_1429 = tpu.memref_slice %arg7[%dma_start3A_1427, %dma_start3A_1428] : memref<2x1024xf32, #tpu.memory_space<vmem>> -> memref<1x128xf32, #tpu.memory_space<vmem>>
    %dma_start3A_1430 = tpu.memref_squeeze %dma_start3A_1429 : memref<1x128xf32, #tpu.memory_space<vmem>> -> memref<128xf32, #tpu.memory_space<vmem>>
    %dma_start3A_1431 = arith.constant 0 : i32
    %dma_start3A_1432 = tpu.memref_slice %arg6[%dma_start3A_1426, %dma_start3A_1431] : memref<16x128xi32, #tpu.memory_space<vmem>> -> memref<1x128xi32, #tpu.memory_space<vmem>>
    %dma_start3A_1433 = tpu.memref_squeeze %dma_start3A_1432 : memref<1x128xi32, #tpu.memory_space<vmem>> -> memref<128xi32, #tpu.memory_space<vmem>>
    %dma_start3A_1434 = arith.constant 0 : i32
    %dma_start3A_1435 = tpu.memref_slice %arg2[%dma_start3A_1434] : memref<6400000xf32, #tpu.memory_space<hbm>> -> memref<6400000xf32, #tpu.memory_space<hbm>>
    tpu.enqueue_indirect_dma source(%dma_start3A_1435 : memref<6400000xf32, #tpu.memory_space<hbm>>) target(%dma_start3A_1430 : memref<128xf32, #tpu.memory_space<vmem>>) offsets(%dma_start3A_1433 : memref<128xi32, #tpu.memory_space<vmem>>) semaphore(%arg8 : memref<!tpu.dma_semaphore, #tpu.memory_space<semaphore_mem>>)
    %dma_start3A_1436 = arith.constant 2 : i32
    %dma_start3A_1437 = arith.constant 0 : i32
    %dma_start3A_1438 = arith.constant 256 : i32
    %dma_start3A_1439 = tpu.memref_slice %arg7[%dma_start3A_1437, %dma_start3A_1438] : memref<2x1024xf32, #tpu.memory_space<vmem>> -> memref<1x128xf32, #tpu.memory_space<vmem>>
    %dma_start3A_1440 = tpu.memref_squeeze %dma_start3A_1439 : memref<1x128xf32, #tpu.memory_space<vmem>> -> memref<128xf32, #tpu.memory_space<vmem>>
    %dma_start3A_1441 = arith.constant 0 : i32
    %dma_start3A_1442 = tpu.memref_slice %arg6[%dma_start3A_1436, %dma_start3A_1441] : memref<16x128xi32, #tpu.memory_space<vmem>> -> memref<1x128xi32, #tpu.memory_space<vmem>>
    %dma_start3A_1443 = tpu.memref_squeeze %dma_start3A_1442 : memref<1x128xi32, #tpu.memory_space<vmem>> -> memref<128xi32, #tpu.memory_space<vmem>>
    %dma_start3A_1444 = arith.constant 0 : i32
    %dma_start3A_1445 = tpu.memref_slice %arg2[%dma_start3A_1444] : memref<6400000xf32, #tpu.memory_space<hbm>> -> memref<6400000xf32, #tpu.memory_space<hbm>>
    tpu.enqueue_indirect_dma source(%dma_start3A_1445 : memref<6400000xf32, #tpu.memory_space<hbm>>) target(%dma_start3A_1440 : memref<128xf32, #tpu.memory_space<vmem>>) offsets(%dma_start3A_1443 : memref<128xi32, #tpu.memory_space<vmem>>) semaphore(%arg8 : memref<!tpu.dma_semaphore, #tpu.memory_space<semaphore_mem>>)
    %dma_start3A_1446 = arith.constant 3 : i32
    %dma_start3A_1447 = arith.constant 0 : i32
    %dma_start3A_1448 = arith.constant 384 : i32
    %dma_start3A_1449 = tpu.memref_slice %arg7[%dma_start3A_1447, %dma_start3A_1448] : memref<2x1024xf32, #tpu.memory_space<vmem>> -> memref<1x128xf32, #tpu.memory_space<vmem>>
    %dma_start3A_1450 = tpu.memref_squeeze %dma_start3A_1449 : memref<1x128xf32, #tpu.memory_space<vmem>> -> memref<128xf32, #tpu.memory_space<vmem>>
    %dma_start3A_1451 = arith.constant 0 : i32
    %dma_start3A_1452 = tpu.memref_slice %arg6[%dma_start3A_1446, %dma_start3A_1451] : memref<16x128xi32, #tpu.memory_space<vmem>> -> memref<1x128xi32, #tpu.memory_space<vmem>>
    %dma_start3A_1453 = tpu.memref_squeeze %dma_start3A_1452 : memref<1x128xi32, #tpu.memory_space<vmem>> -> memref<128xi32, #tpu.memory_space<vmem>>
    %dma_start3A_1454 = arith.constant 0 : i32
    %dma_start3A_1455 = tpu.memref_slice %arg2[%dma_start3A_1454] : memref<6400000xf32, #tpu.memory_space<hbm>> -> memref<6400000xf32, #tpu.memory_space<hbm>>
    tpu.enqueue_indirect_dma source(%dma_start3A_1455 : memref<6400000xf32, #tpu.memory_space<hbm>>) target(%dma_start3A_1450 : memref<128xf32, #tpu.memory_space<vmem>>) offsets(%dma_start3A_1453 : memref<128xi32, #tpu.memory_space<vmem>>) semaphore(%arg8 : memref<!tpu.dma_semaphore, #tpu.memory_space<semaphore_mem>>)
    %dma_start3A_1456 = arith.constant 4 : i32
    %dma_start3A_1457 = arith.constant 0 : i32
    %dma_start3A_1458 = arith.constant 512 : i32
    %dma_start3A_1459 = tpu.memref_slice %arg7[%dma_start3A_1457, %dma_start3A_1458] : memref<2x1024xf32, #tpu.memory_space<vmem>> -> memref<1x128xf32, #tpu.memory_space<vmem>>
    %dma_start3A_1460 = tpu.memref_squeeze %dma_start3A_1459 : memref<1x128xf32, #tpu.memory_space<vmem>> -> memref<128xf32, #tpu.memory_space<vmem>>
    %dma_start3A_1461 = arith.constant 0 : i32
    %dma_start3A_1462 = tpu.memref_slice %arg6[%dma_start3A_1456, %dma_start3A_1461] : memref<16x128xi32, #tpu.memory_space<vmem>> -> memref<1x128xi32, #tpu.memory_space<vmem>>
    %dma_start3A_1463 = tpu.memref_squeeze %dma_start3A_1462 : memref<1x128xi32, #tpu.memory_space<vmem>> -> memref<128xi32, #tpu.memory_space<vmem>>
    %dma_start3A_1464 = arith.constant 0 : i32
    %dma_start3A_1465 = tpu.memref_slice %arg2[%dma_start3A_1464] : memref<6400000xf32, #tpu.memory_space<hbm>> -> memref<6400000xf32, #tpu.memory_space<hbm>>
    tpu.enqueue_indirect_dma source(%dma_start3A_1465 : memref<6400000xf32, #tpu.memory_space<hbm>>) target(%dma_start3A_1460 : memref<128xf32, #tpu.memory_space<vmem>>) offsets(%dma_start3A_1463 : memref<128xi32, #tpu.memory_space<vmem>>) semaphore(%arg8 : memref<!tpu.dma_semaphore, #tpu.memory_space<semaphore_mem>>)
    %dma_start3A_1466 = arith.constant 5 : i32
    %dma_start3A_1467 = arith.constant 0 : i32
    %dma_start3A_1468 = arith.constant 640 : i32
    %dma_start3A_1469 = tpu.memref_slice %arg7[%dma_start3A_1467, %dma_start3A_1468] : memref<2x1024xf32, #tpu.memory_space<vmem>> -> memref<1x128xf32, #tpu.memory_space<vmem>>
    %dma_start3A_1470 = tpu.memref_squeeze %dma_start3A_1469 : memref<1x128xf32, #tpu.memory_space<vmem>> -> memref<128xf32, #tpu.memory_space<vmem>>
    %dma_start3A_1471 = arith.constant 0 : i32
    %dma_start3A_1472 = tpu.memref_slice %arg6[%dma_start3A_1466, %dma_start3A_1471] : memref<16x128xi32, #tpu.memory_space<vmem>> -> memref<1x128xi32, #tpu.memory_space<vmem>>
    %dma_start3A_1473 = tpu.memref_squeeze %dma_start3A_1472 : memref<1x128xi32, #tpu.memory_space<vmem>> -> memref<128xi32, #tpu.memory_space<vmem>>
    %dma_start3A_1474 = arith.constant 0 : i32
    %dma_start3A_1475 = tpu.memref_slice %arg2[%dma_start3A_1474] : memref<6400000xf32, #tpu.memory_space<hbm>> -> memref<6400000xf32, #tpu.memory_space<hbm>>
    tpu.enqueue_indirect_dma source(%dma_start3A_1475 : memref<6400000xf32, #tpu.memory_space<hbm>>) target(%dma_start3A_1470 : memref<128xf32, #tpu.memory_space<vmem>>) offsets(%dma_start3A_1473 : memref<128xi32, #tpu.memory_space<vmem>>) semaphore(%arg8 : memref<!tpu.dma_semaphore, #tpu.memory_space<semaphore_mem>>)
    %dma_start3A_1476 = arith.constant 6 : i32
    %dma_start3A_1477 = arith.constant 0 : i32
    %dma_start3A_1478 = arith.constant 768 : i32
    %dma_start3A_1479 = tpu.memref_slice %arg7[%dma_start3A_1477, %dma_start3A_1478] : memref<2x1024xf32, #tpu.memory_space<vmem>> -> memref<1x128xf32, #tpu.memory_space<vmem>>
    %dma_start3A_1480 = tpu.memref_squeeze %dma_start3A_1479 : memref<1x128xf32, #tpu.memory_space<vmem>> -> memref<128xf32, #tpu.memory_space<vmem>>
    %dma_start3A_1481 = arith.constant 0 : i32
    %dma_start3A_1482 = tpu.memref_slice %arg6[%dma_start3A_1476, %dma_start3A_1481] : memref<16x128xi32, #tpu.memory_space<vmem>> -> memref<1x128xi32, #tpu.memory_space<vmem>>
    %dma_start3A_1483 = tpu.memref_squeeze %dma_start3A_1482 : memref<1x128xi32, #tpu.memory_space<vmem>> -> memref<128xi32, #tpu.memory_space<vmem>>
    %dma_start3A_1484 = arith.constant 0 : i32
    %dma_start3A_1485 = tpu.memref_slice %arg2[%dma_start3A_1484] : memref<6400000xf32, #tpu.memory_space<hbm>> -> memref<6400000xf32, #tpu.memory_space<hbm>>
    tpu.enqueue_indirect_dma source(%dma_start3A_1485 : memref<6400000xf32, #tpu.memory_space<hbm>>) target(%dma_start3A_1480 : memref<128xf32, #tpu.memory_space<vmem>>) offsets(%dma_start3A_1483 : memref<128xi32, #tpu.memory_space<vmem>>) semaphore(%arg8 : memref<!tpu.dma_semaphore, #tpu.memory_space<semaphore_mem>>)
    %dma_start3A_1486 = arith.constant 7 : i32
    %dma_start3A_1487 = arith.constant 0 : i32
    %dma_start3A_1488 = arith.constant 896 : i32
    %dma_start3A_1489 = tpu.memref_slice %arg7[%dma_start3A_1487, %dma_start3A_1488] : memref<2x1024xf32, #tpu.memory_space<vmem>> -> memref<1x128xf32, #tpu.memory_space<vmem>>
    %dma_start3A_1490 = tpu.memref_squeeze %dma_start3A_1489 : memref<1x128xf32, #tpu.memory_space<vmem>> -> memref<128xf32, #tpu.memory_space<vmem>>
    %dma_start3A_1491 = arith.constant 0 : i32
    %dma_start3A_1492 = tpu.memref_slice %arg6[%dma_start3A_1486, %dma_start3A_1491] : memref<16x128xi32, #tpu.memory_space<vmem>> -> memref<1x128xi32, #tpu.memory_space<vmem>>
    %dma_start3A_1493 = tpu.memref_squeeze %dma_start3A_1492 : memref<1x128xi32, #tpu.memory_space<vmem>> -> memref<128xi32, #tpu.memory_space<vmem>>
    %dma_start3A_1494 = arith.constant 0 : i32
    %dma_start3A_1495 = tpu.memref_slice %arg2[%dma_start3A_1494] : memref<6400000xf32, #tpu.memory_space<hbm>> -> memref<6400000xf32, #tpu.memory_space<hbm>>
    tpu.enqueue_indirect_dma source(%dma_start3A_1495 : memref<6400000xf32, #tpu.memory_space<hbm>>) target(%dma_start3A_1490 : memref<128xf32, #tpu.memory_space<vmem>>) offsets(%dma_start3A_1493 : memref<128xi32, #tpu.memory_space<vmem>>) semaphore(%arg8 : memref<!tpu.dma_semaphore, #tpu.memory_space<semaphore_mem>>)
    %dma_start3A_1496 = arith.constant 8 : i32
    %dma_start3A_1497 = arith.constant 1 : i32
    %dma_start3A_1498 = arith.constant 0 : i32
    %dma_start3A_1499 = tpu.memref_slice %arg7[%dma_start3A_1497, %dma_start3A_1498] : memref<2x1024xf32, #tpu.memory_space<vmem>> -> memref<1x128xf32, #tpu.memory_space<vmem>>
    %dma_start3A_1500 = tpu.memref_squeeze %dma_start3A_1499 : memref<1x128xf32, #tpu.memory_space<vmem>> -> memref<128xf32, #tpu.memory_space<vmem>>
    %dma_start3A_1501 = arith.constant 0 : i32
    %dma_start3A_1502 = tpu.memref_slice %arg6[%dma_start3A_1496, %dma_start3A_1501] : memref<16x128xi32, #tpu.memory_space<vmem>> -> memref<1x128xi32, #tpu.memory_space<vmem>>
    %dma_start3A_1503 = tpu.memref_squeeze %dma_start3A_1502 : memref<1x128xi32, #tpu.memory_space<vmem>> -> memref<128xi32, #tpu.memory_space<vmem>>
    %dma_start3A_1504 = arith.constant 0 : i32
    %dma_start3A_1505 = tpu.memref_slice %arg2[%dma_start3A_1504] : memref<6400000xf32, #tpu.memory_space<hbm>> -> memref<6400000xf32, #tpu.memory_space<hbm>>
    tpu.enqueue_indirect_dma source(%dma_start3A_1505 : memref<6400000xf32, #tpu.memory_space<hbm>>) target(%dma_start3A_1500 : memref<128xf32, #tpu.memory_space<vmem>>) offsets(%dma_start3A_1503 : memref<128xi32, #tpu.memory_space<vmem>>) semaphore(%arg8 : memref<!tpu.dma_semaphore, #tpu.memory_space<semaphore_mem>>)
    %dma_start3A_1506 = arith.constant 9 : i32
    %dma_start3A_1507 = arith.constant 1 : i32
    %dma_start3A_1508 = arith.constant 128 : i32
    %dma_start3A_1509 = tpu.memref_slice %arg7[%dma_start3A_1507, %dma_start3A_1508] : memref<2x1024xf32, #tpu.memory_space<vmem>> -> memref<1x128xf32, #tpu.memory_space<vmem>>
    %dma_start3A_1510 = tpu.memref_squeeze %dma_start3A_1509 : memref<1x128xf32, #tpu.memory_space<vmem>> -> memref<128xf32, #tpu.memory_space<vmem>>
    %dma_start3A_1511 = arith.constant 0 : i32
    %dma_start3A_1512 = tpu.memref_slice %arg6[%dma_start3A_1506, %dma_start3A_1511] : memref<16x128xi32, #tpu.memory_space<vmem>> -> memref<1x128xi32, #tpu.memory_space<vmem>>
    %dma_start3A_1513 = tpu.memref_squeeze %dma_start3A_1512 : memref<1x128xi32, #tpu.memory_space<vmem>> -> memref<128xi32, #tpu.memory_space<vmem>>
    %dma_start3A_1514 = arith.constant 0 : i32
    %dma_start3A_1515 = tpu.memref_slice %arg2[%dma_start3A_1514] : memref<6400000xf32, #tpu.memory_space<hbm>> -> memref<6400000xf32, #tpu.memory_space<hbm>>
    tpu.enqueue_indirect_dma source(%dma_start3A_1515 : memref<6400000xf32, #tpu.memory_space<hbm>>) target(%dma_start3A_1510 : memref<128xf32, #tpu.memory_space<vmem>>) offsets(%dma_start3A_1513 : memref<128xi32, #tpu.memory_space<vmem>>) semaphore(%arg8 : memref<!tpu.dma_semaphore, #tpu.memory_space<semaphore_mem>>)
    %dma_start3A_1516 = arith.constant 10 : i32
    %dma_start3A_1517 = arith.constant 1 : i32
    %dma_start3A_1518 = arith.constant 256 : i32
    %dma_start3A_1519 = tpu.memref_slice %arg7[%dma_start3A_1517, %dma_start3A_1518] : memref<2x1024xf32, #tpu.memory_space<vmem>> -> memref<1x128xf32, #tpu.memory_space<vmem>>
    %dma_start3A_1520 = tpu.memref_squeeze %dma_start3A_1519 : memref<1x128xf32, #tpu.memory_space<vmem>> -> memref<128xf32, #tpu.memory_space<vmem>>
    %dma_start3A_1521 = arith.constant 0 : i32
    %dma_start3A_1522 = tpu.memref_slice %arg6[%dma_start3A_1516, %dma_start3A_1521] : memref<16x128xi32, #tpu.memory_space<vmem>> -> memref<1x128xi32, #tpu.memory_space<vmem>>
    %dma_start3A_1523 = tpu.memref_squeeze %dma_start3A_1522 : memref<1x128xi32, #tpu.memory_space<vmem>> -> memref<128xi32, #tpu.memory_space<vmem>>
    %dma_start3A_1524 = arith.constant 0 : i32
    %dma_start3A_1525 = tpu.memref_slice %arg2[%dma_start3A_1524] : memref<6400000xf32, #tpu.memory_space<hbm>> -> memref<6400000xf32, #tpu.memory_space<hbm>>
    tpu.enqueue_indirect_dma source(%dma_start3A_1525 : memref<6400000xf32, #tpu.memory_space<hbm>>) target(%dma_start3A_1520 : memref<128xf32, #tpu.memory_space<vmem>>) offsets(%dma_start3A_1523 : memref<128xi32, #tpu.memory_space<vmem>>) semaphore(%arg8 : memref<!tpu.dma_semaphore, #tpu.memory_space<semaphore_mem>>)
    %dma_start3A_1526 = arith.constant 11 : i32
    %dma_start3A_1527 = arith.constant 1 : i32
    %dma_start3A_1528 = arith.constant 384 : i32
    %dma_start3A_1529 = tpu.memref_slice %arg7[%dma_start3A_1527, %dma_start3A_1528] : memref<2x1024xf32, #tpu.memory_space<vmem>> -> memref<1x128xf32, #tpu.memory_space<vmem>>
    %dma_start3A_1530 = tpu.memref_squeeze %dma_start3A_1529 : memref<1x128xf32, #tpu.memory_space<vmem>> -> memref<128xf32, #tpu.memory_space<vmem>>
    %dma_start3A_1531 = arith.constant 0 : i32
    %dma_start3A_1532 = tpu.memref_slice %arg6[%dma_start3A_1526, %dma_start3A_1531] : memref<16x128xi32, #tpu.memory_space<vmem>> -> memref<1x128xi32, #tpu.memory_space<vmem>>
    %dma_start3A_1533 = tpu.memref_squeeze %dma_start3A_1532 : memref<1x128xi32, #tpu.memory_space<vmem>> -> memref<128xi32, #tpu.memory_space<vmem>>
    %dma_start3A_1534 = arith.constant 0 : i32
    %dma_start3A_1535 = tpu.memref_slice %arg2[%dma_start3A_1534] : memref<6400000xf32, #tpu.memory_space<hbm>> -> memref<6400000xf32, #tpu.memory_space<hbm>>
    tpu.enqueue_indirect_dma source(%dma_start3A_1535 : memref<6400000xf32, #tpu.memory_space<hbm>>) target(%dma_start3A_1530 : memref<128xf32, #tpu.memory_space<vmem>>) offsets(%dma_start3A_1533 : memref<128xi32, #tpu.memory_space<vmem>>) semaphore(%arg8 : memref<!tpu.dma_semaphore, #tpu.memory_space<semaphore_mem>>)
    %dma_start3A_1536 = arith.constant 12 : i32
    %dma_start3A_1537 = arith.constant 1 : i32
    %dma_start3A_1538 = arith.constant 512 : i32
    %dma_start3A_1539 = tpu.memref_slice %arg7[%dma_start3A_1537, %dma_start3A_1538] : memref<2x1024xf32, #tpu.memory_space<vmem>> -> memref<1x128xf32, #tpu.memory_space<vmem>>
    %dma_start3A_1540 = tpu.memref_squeeze %dma_start3A_1539 : memref<1x128xf32, #tpu.memory_space<vmem>> -> memref<128xf32, #tpu.memory_space<vmem>>
    %dma_start3A_1541 = arith.constant 0 : i32
    %dma_start3A_1542 = tpu.memref_slice %arg6[%dma_start3A_1536, %dma_start3A_1541] : memref<16x128xi32, #tpu.memory_space<vmem>> -> memref<1x128xi32, #tpu.memory_space<vmem>>
    %dma_start3A_1543 = tpu.memref_squeeze %dma_start3A_1542 : memref<1x128xi32, #tpu.memory_space<vmem>> -> memref<128xi32, #tpu.memory_space<vmem>>
    %dma_start3A_1544 = arith.constant 0 : i32
    %dma_start3A_1545 = tpu.memref_slice %arg2[%dma_start3A_1544] : memref<6400000xf32, #tpu.memory_space<hbm>> -> memref<6400000xf32, #tpu.memory_space<hbm>>
    tpu.enqueue_indirect_dma source(%dma_start3A_1545 : memref<6400000xf32, #tpu.memory_space<hbm>>) target(%dma_start3A_1540 : memref<128xf32, #tpu.memory_space<vmem>>) offsets(%dma_start3A_1543 : memref<128xi32, #tpu.memory_space<vmem>>) semaphore(%arg8 : memref<!tpu.dma_semaphore, #tpu.memory_space<semaphore_mem>>)
    %dma_start3A_1546 = arith.constant 13 : i32
    %dma_start3A_1547 = arith.constant 1 : i32
    %dma_start3A_1548 = arith.constant 640 : i32
    %dma_start3A_1549 = tpu.memref_slice %arg7[%dma_start3A_1547, %dma_start3A_1548] : memref<2x1024xf32, #tpu.memory_space<vmem>> -> memref<1x128xf32, #tpu.memory_space<vmem>>
    %dma_start3A_1550 = tpu.memref_squeeze %dma_start3A_1549 : memref<1x128xf32, #tpu.memory_space<vmem>> -> memref<128xf32, #tpu.memory_space<vmem>>
    %dma_start3A_1551 = arith.constant 0 : i32
    %dma_start3A_1552 = tpu.memref_slice %arg6[%dma_start3A_1546, %dma_start3A_1551] : memref<16x128xi32, #tpu.memory_space<vmem>> -> memref<1x128xi32, #tpu.memory_space<vmem>>
    %dma_start3A_1553 = tpu.memref_squeeze %dma_start3A_1552 : memref<1x128xi32, #tpu.memory_space<vmem>> -> memref<128xi32, #tpu.memory_space<vmem>>
    %dma_start3A_1554 = arith.constant 0 : i32
    %dma_start3A_1555 = tpu.memref_slice %arg2[%dma_start3A_1554] : memref<6400000xf32, #tpu.memory_space<hbm>> -> memref<6400000xf32, #tpu.memory_space<hbm>>
    tpu.enqueue_indirect_dma source(%dma_start3A_1555 : memref<6400000xf32, #tpu.memory_space<hbm>>) target(%dma_start3A_1550 : memref<128xf32, #tpu.memory_space<vmem>>) offsets(%dma_start3A_1553 : memref<128xi32, #tpu.memory_space<vmem>>) semaphore(%arg8 : memref<!tpu.dma_semaphore, #tpu.memory_space<semaphore_mem>>)
    %dma_start3A_1556 = arith.constant 14 : i32
    %dma_start3A_1557 = arith.constant 1 : i32
    %dma_start3A_1558 = arith.constant 768 : i32
    %dma_start3A_1559 = tpu.memref_slice %arg7[%dma_start3A_1557, %dma_start3A_1558] : memref<2x1024xf32, #tpu.memory_space<vmem>> -> memref<1x128xf32, #tpu.memory_space<vmem>>
    %dma_start3A_1560 = tpu.memref_squeeze %dma_start3A_1559 : memref<1x128xf32, #tpu.memory_space<vmem>> -> memref<128xf32, #tpu.memory_space<vmem>>
    %dma_start3A_1561 = arith.constant 0 : i32
    %dma_start3A_1562 = tpu.memref_slice %arg6[%dma_start3A_1556, %dma_start3A_1561] : memref<16x128xi32, #tpu.memory_space<vmem>> -> memref<1x128xi32, #tpu.memory_space<vmem>>
    %dma_start3A_1563 = tpu.memref_squeeze %dma_start3A_1562 : memref<1x128xi32, #tpu.memory_space<vmem>> -> memref<128xi32, #tpu.memory_space<vmem>>
    %dma_start3A_1564 = arith.constant 0 : i32
    %dma_start3A_1565 = tpu.memref_slice %arg2[%dma_start3A_1564] : memref<6400000xf32, #tpu.memory_space<hbm>> -> memref<6400000xf32, #tpu.memory_space<hbm>>
    tpu.enqueue_indirect_dma source(%dma_start3A_1565 : memref<6400000xf32, #tpu.memory_space<hbm>>) target(%dma_start3A_1560 : memref<128xf32, #tpu.memory_space<vmem>>) offsets(%dma_start3A_1563 : memref<128xi32, #tpu.memory_space<vmem>>) semaphore(%arg8 : memref<!tpu.dma_semaphore, #tpu.memory_space<semaphore_mem>>)
    %dma_start3A_1566 = arith.constant 15 : i32
    %dma_start3A_1567 = arith.constant 1 : i32
    %dma_start3A_1568 = arith.constant 896 : i32
    %dma_start3A_1569 = tpu.memref_slice %arg7[%dma_start3A_1567, %dma_start3A_1568] : memref<2x1024xf32, #tpu.memory_space<vmem>> -> memref<1x128xf32, #tpu.memory_space<vmem>>
    %dma_start3A_1570 = tpu.memref_squeeze %dma_start3A_1569 : memref<1x128xf32, #tpu.memory_space<vmem>> -> memref<128xf32, #tpu.memory_space<vmem>>
    %dma_start3A_1571 = arith.constant 0 : i32
    %dma_start3A_1572 = tpu.memref_slice %arg6[%dma_start3A_1566, %dma_start3A_1571] : memref<16x128xi32, #tpu.memory_space<vmem>> -> memref<1x128xi32, #tpu.memory_space<vmem>>
    %dma_start3A_1573 = tpu.memref_squeeze %dma_start3A_1572 : memref<1x128xi32, #tpu.memory_space<vmem>> -> memref<128xi32, #tpu.memory_space<vmem>>
    %dma_start3A_1574 = arith.constant 0 : i32
    %dma_start3A_1575 = tpu.memref_slice %arg2[%dma_start3A_1574] : memref<6400000xf32, #tpu.memory_space<hbm>> -> memref<6400000xf32, #tpu.memory_space<hbm>>
    tpu.enqueue_indirect_dma source(%dma_start3A_1575 : memref<6400000xf32, #tpu.memory_space<hbm>>) target(%dma_start3A_1570 : memref<128xf32, #tpu.memory_space<vmem>>) offsets(%dma_start3A_1573 : memref<128xi32, #tpu.memory_space<vmem>>) semaphore(%arg8 : memref<!tpu.dma_semaphore, #tpu.memory_space<semaphore_mem>>)
    %dma_wait3A = arith.constant 0 : i32
    %dma_wait3A_1576 = arith.constant 0 : i32
    %dma_wait3A_1577 = arith.constant 0 : i32
    %dma_wait3A_1578 = tpu.memref_slice %arg7[%dma_wait3A_1576, %dma_wait3A_1577] : memref<2x1024xf32, #tpu.memory_space<vmem>> -> memref<1x128xf32, #tpu.memory_space<vmem>>
    %dma_wait3A_1579 = tpu.memref_squeeze %dma_wait3A_1578 : memref<1x128xf32, #tpu.memory_space<vmem>> -> memref<128xf32, #tpu.memory_space<vmem>>
    %dma_wait3A_1580 = arith.constant 0 : i32
    %dma_wait3A_1581 = tpu.memref_slice %arg6[%dma_wait3A, %dma_wait3A_1580] : memref<16x128xi32, #tpu.memory_space<vmem>> -> memref<1x128xi32, #tpu.memory_space<vmem>>
    %dma_wait3A_1582 = tpu.memref_squeeze %dma_wait3A_1581 : memref<1x128xi32, #tpu.memory_space<vmem>> -> memref<128xi32, #tpu.memory_space<vmem>>
    %dma_wait3A_1583 = arith.constant 0 : i32
    %dma_wait3A_1584 = tpu.memref_slice %arg2[%dma_wait3A_1583] : memref<6400000xf32, #tpu.memory_space<hbm>> -> memref<6400000xf32, #tpu.memory_space<hbm>>
    tpu.wait_indirect_dma semaphore(%arg8 : memref<!tpu.dma_semaphore, #tpu.memory_space<semaphore_mem>>) src(%dma_wait3A_1584 : memref<6400000xf32, #tpu.memory_space<hbm>>) dst(%dma_wait3A_1579 : memref<128xf32, #tpu.memory_space<vmem>>)
    %dma_wait3A_1585 = arith.constant 1 : i32
    %dma_wait3A_1586 = arith.constant 0 : i32
    %dma_wait3A_1587 = arith.constant 128 : i32
    %dma_wait3A_1588 = tpu.memref_slice %arg7[%dma_wait3A_1586, %dma_wait3A_1587] : memref<2x1024xf32, #tpu.memory_space<vmem>> -> memref<1x128xf32, #tpu.memory_space<vmem>>
    %dma_wait3A_1589 = tpu.memref_squeeze %dma_wait3A_1588 : memref<1x128xf32, #tpu.memory_space<vmem>> -> memref<128xf32, #tpu.memory_space<vmem>>
    %dma_wait3A_1590 = arith.constant 0 : i32
    %dma_wait3A_1591 = tpu.memref_slice %arg6[%dma_wait3A_1585, %dma_wait3A_1590] : memref<16x128xi32, #tpu.memory_space<vmem>> -> memref<1x128xi32, #tpu.memory_space<vmem>>
    %dma_wait3A_1592 = tpu.memref_squeeze %dma_wait3A_1591 : memref<1x128xi32, #tpu.memory_space<vmem>> -> memref<128xi32, #tpu.memory_space<vmem>>
    %dma_wait3A_1593 = arith.constant 0 : i32
    %dma_wait3A_1594 = tpu.memref_slice %arg2[%dma_wait3A_1593] : memref<6400000xf32, #tpu.memory_space<hbm>> -> memref<6400000xf32, #tpu.memory_space<hbm>>
    tpu.wait_indirect_dma semaphore(%arg8 : memref<!tpu.dma_semaphore, #tpu.memory_space<semaphore_mem>>) src(%dma_wait3A_1594 : memref<6400000xf32, #tpu.memory_space<hbm>>) dst(%dma_wait3A_1589 : memref<128xf32, #tpu.memory_space<vmem>>)
    %dma_wait3A_1595 = arith.constant 2 : i32
    %dma_wait3A_1596 = arith.constant 0 : i32
    %dma_wait3A_1597 = arith.constant 256 : i32
    %dma_wait3A_1598 = tpu.memref_slice %arg7[%dma_wait3A_1596, %dma_wait3A_1597] : memref<2x1024xf32, #tpu.memory_space<vmem>> -> memref<1x128xf32, #tpu.memory_space<vmem>>
    %dma_wait3A_1599 = tpu.memref_squeeze %dma_wait3A_1598 : memref<1x128xf32, #tpu.memory_space<vmem>> -> memref<128xf32, #tpu.memory_space<vmem>>
    %dma_wait3A_1600 = arith.constant 0 : i32
    %dma_wait3A_1601 = tpu.memref_slice %arg6[%dma_wait3A_1595, %dma_wait3A_1600] : memref<16x128xi32, #tpu.memory_space<vmem>> -> memref<1x128xi32, #tpu.memory_space<vmem>>
    %dma_wait3A_1602 = tpu.memref_squeeze %dma_wait3A_1601 : memref<1x128xi32, #tpu.memory_space<vmem>> -> memref<128xi32, #tpu.memory_space<vmem>>
    %dma_wait3A_1603 = arith.constant 0 : i32
    %dma_wait3A_1604 = tpu.memref_slice %arg2[%dma_wait3A_1603] : memref<6400000xf32, #tpu.memory_space<hbm>> -> memref<6400000xf32, #tpu.memory_space<hbm>>
    tpu.wait_indirect_dma semaphore(%arg8 : memref<!tpu.dma_semaphore, #tpu.memory_space<semaphore_mem>>) src(%dma_wait3A_1604 : memref<6400000xf32, #tpu.memory_space<hbm>>) dst(%dma_wait3A_1599 : memref<128xf32, #tpu.memory_space<vmem>>)
    %dma_wait3A_1605 = arith.constant 3 : i32
    %dma_wait3A_1606 = arith.constant 0 : i32
    %dma_wait3A_1607 = arith.constant 384 : i32
    %dma_wait3A_1608 = tpu.memref_slice %arg7[%dma_wait3A_1606, %dma_wait3A_1607] : memref<2x1024xf32, #tpu.memory_space<vmem>> -> memref<1x128xf32, #tpu.memory_space<vmem>>
    %dma_wait3A_1609 = tpu.memref_squeeze %dma_wait3A_1608 : memref<1x128xf32, #tpu.memory_space<vmem>> -> memref<128xf32, #tpu.memory_space<vmem>>
    %dma_wait3A_1610 = arith.constant 0 : i32
    %dma_wait3A_1611 = tpu.memref_slice %arg6[%dma_wait3A_1605, %dma_wait3A_1610] : memref<16x128xi32, #tpu.memory_space<vmem>> -> memref<1x128xi32, #tpu.memory_space<vmem>>
    %dma_wait3A_1612 = tpu.memref_squeeze %dma_wait3A_1611 : memref<1x128xi32, #tpu.memory_space<vmem>> -> memref<128xi32, #tpu.memory_space<vmem>>
    %dma_wait3A_1613 = arith.constant 0 : i32
    %dma_wait3A_1614 = tpu.memref_slice %arg2[%dma_wait3A_1613] : memref<6400000xf32, #tpu.memory_space<hbm>> -> memref<6400000xf32, #tpu.memory_space<hbm>>
    tpu.wait_indirect_dma semaphore(%arg8 : memref<!tpu.dma_semaphore, #tpu.memory_space<semaphore_mem>>) src(%dma_wait3A_1614 : memref<6400000xf32, #tpu.memory_space<hbm>>) dst(%dma_wait3A_1609 : memref<128xf32, #tpu.memory_space<vmem>>)
    %dma_wait3A_1615 = arith.constant 4 : i32
    %dma_wait3A_1616 = arith.constant 0 : i32
    %dma_wait3A_1617 = arith.constant 512 : i32
    %dma_wait3A_1618 = tpu.memref_slice %arg7[%dma_wait3A_1616, %dma_wait3A_1617] : memref<2x1024xf32, #tpu.memory_space<vmem>> -> memref<1x128xf32, #tpu.memory_space<vmem>>
    %dma_wait3A_1619 = tpu.memref_squeeze %dma_wait3A_1618 : memref<1x128xf32, #tpu.memory_space<vmem>> -> memref<128xf32, #tpu.memory_space<vmem>>
    %dma_wait3A_1620 = arith.constant 0 : i32
    %dma_wait3A_1621 = tpu.memref_slice %arg6[%dma_wait3A_1615, %dma_wait3A_1620] : memref<16x128xi32, #tpu.memory_space<vmem>> -> memref<1x128xi32, #tpu.memory_space<vmem>>
    %dma_wait3A_1622 = tpu.memref_squeeze %dma_wait3A_1621 : memref<1x128xi32, #tpu.memory_space<vmem>> -> memref<128xi32, #tpu.memory_space<vmem>>
    %dma_wait3A_1623 = arith.constant 0 : i32
    %dma_wait3A_1624 = tpu.memref_slice %arg2[%dma_wait3A_1623] : memref<6400000xf32, #tpu.memory_space<hbm>> -> memref<6400000xf32, #tpu.memory_space<hbm>>
    tpu.wait_indirect_dma semaphore(%arg8 : memref<!tpu.dma_semaphore, #tpu.memory_space<semaphore_mem>>) src(%dma_wait3A_1624 : memref<6400000xf32, #tpu.memory_space<hbm>>) dst(%dma_wait3A_1619 : memref<128xf32, #tpu.memory_space<vmem>>)
    %dma_wait3A_1625 = arith.constant 5 : i32
    %dma_wait3A_1626 = arith.constant 0 : i32
    %dma_wait3A_1627 = arith.constant 640 : i32
    %dma_wait3A_1628 = tpu.memref_slice %arg7[%dma_wait3A_1626, %dma_wait3A_1627] : memref<2x1024xf32, #tpu.memory_space<vmem>> -> memref<1x128xf32, #tpu.memory_space<vmem>>
    %dma_wait3A_1629 = tpu.memref_squeeze %dma_wait3A_1628 : memref<1x128xf32, #tpu.memory_space<vmem>> -> memref<128xf32, #tpu.memory_space<vmem>>
    %dma_wait3A_1630 = arith.constant 0 : i32
    %dma_wait3A_1631 = tpu.memref_slice %arg6[%dma_wait3A_1625, %dma_wait3A_1630] : memref<16x128xi32, #tpu.memory_space<vmem>> -> memref<1x128xi32, #tpu.memory_space<vmem>>
    %dma_wait3A_1632 = tpu.memref_squeeze %dma_wait3A_1631 : memref<1x128xi32, #tpu.memory_space<vmem>> -> memref<128xi32, #tpu.memory_space<vmem>>
    %dma_wait3A_1633 = arith.constant 0 : i32
    %dma_wait3A_1634 = tpu.memref_slice %arg2[%dma_wait3A_1633] : memref<6400000xf32, #tpu.memory_space<hbm>> -> memref<6400000xf32, #tpu.memory_space<hbm>>
    tpu.wait_indirect_dma semaphore(%arg8 : memref<!tpu.dma_semaphore, #tpu.memory_space<semaphore_mem>>) src(%dma_wait3A_1634 : memref<6400000xf32, #tpu.memory_space<hbm>>) dst(%dma_wait3A_1629 : memref<128xf32, #tpu.memory_space<vmem>>)
    %dma_wait3A_1635 = arith.constant 6 : i32
    %dma_wait3A_1636 = arith.constant 0 : i32
    %dma_wait3A_1637 = arith.constant 768 : i32
    %dma_wait3A_1638 = tpu.memref_slice %arg7[%dma_wait3A_1636, %dma_wait3A_1637] : memref<2x1024xf32, #tpu.memory_space<vmem>> -> memref<1x128xf32, #tpu.memory_space<vmem>>
    %dma_wait3A_1639 = tpu.memref_squeeze %dma_wait3A_1638 : memref<1x128xf32, #tpu.memory_space<vmem>> -> memref<128xf32, #tpu.memory_space<vmem>>
    %dma_wait3A_1640 = arith.constant 0 : i32
    %dma_wait3A_1641 = tpu.memref_slice %arg6[%dma_wait3A_1635, %dma_wait3A_1640] : memref<16x128xi32, #tpu.memory_space<vmem>> -> memref<1x128xi32, #tpu.memory_space<vmem>>
    %dma_wait3A_1642 = tpu.memref_squeeze %dma_wait3A_1641 : memref<1x128xi32, #tpu.memory_space<vmem>> -> memref<128xi32, #tpu.memory_space<vmem>>
    %dma_wait3A_1643 = arith.constant 0 : i32
    %dma_wait3A_1644 = tpu.memref_slice %arg2[%dma_wait3A_1643] : memref<6400000xf32, #tpu.memory_space<hbm>> -> memref<6400000xf32, #tpu.memory_space<hbm>>
    tpu.wait_indirect_dma semaphore(%arg8 : memref<!tpu.dma_semaphore, #tpu.memory_space<semaphore_mem>>) src(%dma_wait3A_1644 : memref<6400000xf32, #tpu.memory_space<hbm>>) dst(%dma_wait3A_1639 : memref<128xf32, #tpu.memory_space<vmem>>)
    %dma_wait3A_1645 = arith.constant 7 : i32
    %dma_wait3A_1646 = arith.constant 0 : i32
    %dma_wait3A_1647 = arith.constant 896 : i32
    %dma_wait3A_1648 = tpu.memref_slice %arg7[%dma_wait3A_1646, %dma_wait3A_1647] : memref<2x1024xf32, #tpu.memory_space<vmem>> -> memref<1x128xf32, #tpu.memory_space<vmem>>
    %dma_wait3A_1649 = tpu.memref_squeeze %dma_wait3A_1648 : memref<1x128xf32, #tpu.memory_space<vmem>> -> memref<128xf32, #tpu.memory_space<vmem>>
    %dma_wait3A_1650 = arith.constant 0 : i32
    %dma_wait3A_1651 = tpu.memref_slice %arg6[%dma_wait3A_1645, %dma_wait3A_1650] : memref<16x128xi32, #tpu.memory_space<vmem>> -> memref<1x128xi32, #tpu.memory_space<vmem>>
    %dma_wait3A_1652 = tpu.memref_squeeze %dma_wait3A_1651 : memref<1x128xi32, #tpu.memory_space<vmem>> -> memref<128xi32, #tpu.memory_space<vmem>>
    %dma_wait3A_1653 = arith.constant 0 : i32
    %dma_wait3A_1654 = tpu.memref_slice %arg2[%dma_wait3A_1653] : memref<6400000xf32, #tpu.memory_space<hbm>> -> memref<6400000xf32, #tpu.memory_space<hbm>>
    tpu.wait_indirect_dma semaphore(%arg8 : memref<!tpu.dma_semaphore, #tpu.memory_space<semaphore_mem>>) src(%dma_wait3A_1654 : memref<6400000xf32, #tpu.memory_space<hbm>>) dst(%dma_wait3A_1649 : memref<128xf32, #tpu.memory_space<vmem>>)
    %dma_wait3A_1655 = arith.constant 8 : i32
    %dma_wait3A_1656 = arith.constant 1 : i32
    %dma_wait3A_1657 = arith.constant 0 : i32
    %dma_wait3A_1658 = tpu.memref_slice %arg7[%dma_wait3A_1656, %dma_wait3A_1657] : memref<2x1024xf32, #tpu.memory_space<vmem>> -> memref<1x128xf32, #tpu.memory_space<vmem>>
    %dma_wait3A_1659 = tpu.memref_squeeze %dma_wait3A_1658 : memref<1x128xf32, #tpu.memory_space<vmem>> -> memref<128xf32, #tpu.memory_space<vmem>>
    %dma_wait3A_1660 = arith.constant 0 : i32
    %dma_wait3A_1661 = tpu.memref_slice %arg6[%dma_wait3A_1655, %dma_wait3A_1660] : memref<16x128xi32, #tpu.memory_space<vmem>> -> memref<1x128xi32, #tpu.memory_space<vmem>>
    %dma_wait3A_1662 = tpu.memref_squeeze %dma_wait3A_1661 : memref<1x128xi32, #tpu.memory_space<vmem>> -> memref<128xi32, #tpu.memory_space<vmem>>
    %dma_wait3A_1663 = arith.constant 0 : i32
    %dma_wait3A_1664 = tpu.memref_slice %arg2[%dma_wait3A_1663] : memref<6400000xf32, #tpu.memory_space<hbm>> -> memref<6400000xf32, #tpu.memory_space<hbm>>
    tpu.wait_indirect_dma semaphore(%arg8 : memref<!tpu.dma_semaphore, #tpu.memory_space<semaphore_mem>>) src(%dma_wait3A_1664 : memref<6400000xf32, #tpu.memory_space<hbm>>) dst(%dma_wait3A_1659 : memref<128xf32, #tpu.memory_space<vmem>>)
    %dma_wait3A_1665 = arith.constant 9 : i32
    %dma_wait3A_1666 = arith.constant 1 : i32
    %dma_wait3A_1667 = arith.constant 128 : i32
    %dma_wait3A_1668 = tpu.memref_slice %arg7[%dma_wait3A_1666, %dma_wait3A_1667] : memref<2x1024xf32, #tpu.memory_space<vmem>> -> memref<1x128xf32, #tpu.memory_space<vmem>>
    %dma_wait3A_1669 = tpu.memref_squeeze %dma_wait3A_1668 : memref<1x128xf32, #tpu.memory_space<vmem>> -> memref<128xf32, #tpu.memory_space<vmem>>
    %dma_wait3A_1670 = arith.constant 0 : i32
    %dma_wait3A_1671 = tpu.memref_slice %arg6[%dma_wait3A_1665, %dma_wait3A_1670] : memref<16x128xi32, #tpu.memory_space<vmem>> -> memref<1x128xi32, #tpu.memory_space<vmem>>
    %dma_wait3A_1672 = tpu.memref_squeeze %dma_wait3A_1671 : memref<1x128xi32, #tpu.memory_space<vmem>> -> memref<128xi32, #tpu.memory_space<vmem>>
    %dma_wait3A_1673 = arith.constant 0 : i32
    %dma_wait3A_1674 = tpu.memref_slice %arg2[%dma_wait3A_1673] : memref<6400000xf32, #tpu.memory_space<hbm>> -> memref<6400000xf32, #tpu.memory_space<hbm>>
    tpu.wait_indirect_dma semaphore(%arg8 : memref<!tpu.dma_semaphore, #tpu.memory_space<semaphore_mem>>) src(%dma_wait3A_1674 : memref<6400000xf32, #tpu.memory_space<hbm>>) dst(%dma_wait3A_1669 : memref<128xf32, #tpu.memory_space<vmem>>)
    %dma_wait3A_1675 = arith.constant 10 : i32
    %dma_wait3A_1676 = arith.constant 1 : i32
    %dma_wait3A_1677 = arith.constant 256 : i32
    %dma_wait3A_1678 = tpu.memref_slice %arg7[%dma_wait3A_1676, %dma_wait3A_1677] : memref<2x1024xf32, #tpu.memory_space<vmem>> -> memref<1x128xf32, #tpu.memory_space<vmem>>
    %dma_wait3A_1679 = tpu.memref_squeeze %dma_wait3A_1678 : memref<1x128xf32, #tpu.memory_space<vmem>> -> memref<128xf32, #tpu.memory_space<vmem>>
    %dma_wait3A_1680 = arith.constant 0 : i32
    %dma_wait3A_1681 = tpu.memref_slice %arg6[%dma_wait3A_1675, %dma_wait3A_1680] : memref<16x128xi32, #tpu.memory_space<vmem>> -> memref<1x128xi32, #tpu.memory_space<vmem>>
    %dma_wait3A_1682 = tpu.memref_squeeze %dma_wait3A_1681 : memref<1x128xi32, #tpu.memory_space<vmem>> -> memref<128xi32, #tpu.memory_space<vmem>>
    %dma_wait3A_1683 = arith.constant 0 : i32
    %dma_wait3A_1684 = tpu.memref_slice %arg2[%dma_wait3A_1683] : memref<6400000xf32, #tpu.memory_space<hbm>> -> memref<6400000xf32, #tpu.memory_space<hbm>>
    tpu.wait_indirect_dma semaphore(%arg8 : memref<!tpu.dma_semaphore, #tpu.memory_space<semaphore_mem>>) src(%dma_wait3A_1684 : memref<6400000xf32, #tpu.memory_space<hbm>>) dst(%dma_wait3A_1679 : memref<128xf32, #tpu.memory_space<vmem>>)
    %dma_wait3A_1685 = arith.constant 11 : i32
    %dma_wait3A_1686 = arith.constant 1 : i32
    %dma_wait3A_1687 = arith.constant 384 : i32
    %dma_wait3A_1688 = tpu.memref_slice %arg7[%dma_wait3A_1686, %dma_wait3A_1687] : memref<2x1024xf32, #tpu.memory_space<vmem>> -> memref<1x128xf32, #tpu.memory_space<vmem>>
    %dma_wait3A_1689 = tpu.memref_squeeze %dma_wait3A_1688 : memref<1x128xf32, #tpu.memory_space<vmem>> -> memref<128xf32, #tpu.memory_space<vmem>>
    %dma_wait3A_1690 = arith.constant 0 : i32
    %dma_wait3A_1691 = tpu.memref_slice %arg6[%dma_wait3A_1685, %dma_wait3A_1690] : memref<16x128xi32, #tpu.memory_space<vmem>> -> memref<1x128xi32, #tpu.memory_space<vmem>>
    %dma_wait3A_1692 = tpu.memref_squeeze %dma_wait3A_1691 : memref<1x128xi32, #tpu.memory_space<vmem>> -> memref<128xi32, #tpu.memory_space<vmem>>
    %dma_wait3A_1693 = arith.constant 0 : i32
    %dma_wait3A_1694 = tpu.memref_slice %arg2[%dma_wait3A_1693] : memref<6400000xf32, #tpu.memory_space<hbm>> -> memref<6400000xf32, #tpu.memory_space<hbm>>
    tpu.wait_indirect_dma semaphore(%arg8 : memref<!tpu.dma_semaphore, #tpu.memory_space<semaphore_mem>>) src(%dma_wait3A_1694 : memref<6400000xf32, #tpu.memory_space<hbm>>) dst(%dma_wait3A_1689 : memref<128xf32, #tpu.memory_space<vmem>>)
    %dma_wait3A_1695 = arith.constant 12 : i32
    %dma_wait3A_1696 = arith.constant 1 : i32
    %dma_wait3A_1697 = arith.constant 512 : i32
    %dma_wait3A_1698 = tpu.memref_slice %arg7[%dma_wait3A_1696, %dma_wait3A_1697] : memref<2x1024xf32, #tpu.memory_space<vmem>> -> memref<1x128xf32, #tpu.memory_space<vmem>>
    %dma_wait3A_1699 = tpu.memref_squeeze %dma_wait3A_1698 : memref<1x128xf32, #tpu.memory_space<vmem>> -> memref<128xf32, #tpu.memory_space<vmem>>
    %dma_wait3A_1700 = arith.constant 0 : i32
    %dma_wait3A_1701 = tpu.memref_slice %arg6[%dma_wait3A_1695, %dma_wait3A_1700] : memref<16x128xi32, #tpu.memory_space<vmem>> -> memref<1x128xi32, #tpu.memory_space<vmem>>
    %dma_wait3A_1702 = tpu.memref_squeeze %dma_wait3A_1701 : memref<1x128xi32, #tpu.memory_space<vmem>> -> memref<128xi32, #tpu.memory_space<vmem>>
    %dma_wait3A_1703 = arith.constant 0 : i32
    %dma_wait3A_1704 = tpu.memref_slice %arg2[%dma_wait3A_1703] : memref<6400000xf32, #tpu.memory_space<hbm>> -> memref<6400000xf32, #tpu.memory_space<hbm>>
    tpu.wait_indirect_dma semaphore(%arg8 : memref<!tpu.dma_semaphore, #tpu.memory_space<semaphore_mem>>) src(%dma_wait3A_1704 : memref<6400000xf32, #tpu.memory_space<hbm>>) dst(%dma_wait3A_1699 : memref<128xf32, #tpu.memory_space<vmem>>)
    %dma_wait3A_1705 = arith.constant 13 : i32
    %dma_wait3A_1706 = arith.constant 1 : i32
    %dma_wait3A_1707 = arith.constant 640 : i32
    %dma_wait3A_1708 = tpu.memref_slice %arg7[%dma_wait3A_1706, %dma_wait3A_1707] : memref<2x1024xf32, #tpu.memory_space<vmem>> -> memref<1x128xf32, #tpu.memory_space<vmem>>
    %dma_wait3A_1709 = tpu.memref_squeeze %dma_wait3A_1708 : memref<1x128xf32, #tpu.memory_space<vmem>> -> memref<128xf32, #tpu.memory_space<vmem>>
    %dma_wait3A_1710 = arith.constant 0 : i32
    %dma_wait3A_1711 = tpu.memref_slice %arg6[%dma_wait3A_1705, %dma_wait3A_1710] : memref<16x128xi32, #tpu.memory_space<vmem>> -> memref<1x128xi32, #tpu.memory_space<vmem>>
    %dma_wait3A_1712 = tpu.memref_squeeze %dma_wait3A_1711 : memref<1x128xi32, #tpu.memory_space<vmem>> -> memref<128xi32, #tpu.memory_space<vmem>>
    %dma_wait3A_1713 = arith.constant 0 : i32
    %dma_wait3A_1714 = tpu.memref_slice %arg2[%dma_wait3A_1713] : memref<6400000xf32, #tpu.memory_space<hbm>> -> memref<6400000xf32, #tpu.memory_space<hbm>>
    tpu.wait_indirect_dma semaphore(%arg8 : memref<!tpu.dma_semaphore, #tpu.memory_space<semaphore_mem>>) src(%dma_wait3A_1714 : memref<6400000xf32, #tpu.memory_space<hbm>>) dst(%dma_wait3A_1709 : memref<128xf32, #tpu.memory_space<vmem>>)
    %dma_wait3A_1715 = arith.constant 14 : i32
    %dma_wait3A_1716 = arith.constant 1 : i32
    %dma_wait3A_1717 = arith.constant 768 : i32
    %dma_wait3A_1718 = tpu.memref_slice %arg7[%dma_wait3A_1716, %dma_wait3A_1717] : memref<2x1024xf32, #tpu.memory_space<vmem>> -> memref<1x128xf32, #tpu.memory_space<vmem>>
    %dma_wait3A_1719 = tpu.memref_squeeze %dma_wait3A_1718 : memref<1x128xf32, #tpu.memory_space<vmem>> -> memref<128xf32, #tpu.memory_space<vmem>>
    %dma_wait3A_1720 = arith.constant 0 : i32
    %dma_wait3A_1721 = tpu.memref_slice %arg6[%dma_wait3A_1715, %dma_wait3A_1720] : memref<16x128xi32, #tpu.memory_space<vmem>> -> memref<1x128xi32, #tpu.memory_space<vmem>>
    %dma_wait3A_1722 = tpu.memref_squeeze %dma_wait3A_1721 : memref<1x128xi32, #tpu.memory_space<vmem>> -> memref<128xi32, #tpu.memory_space<vmem>>
    %dma_wait3A_1723 = arith.constant 0 : i32
    %dma_wait3A_1724 = tpu.memref_slice %arg2[%dma_wait3A_1723] : memref<6400000xf32, #tpu.memory_space<hbm>> -> memref<6400000xf32, #tpu.memory_space<hbm>>
    tpu.wait_indirect_dma semaphore(%arg8 : memref<!tpu.dma_semaphore, #tpu.memory_space<semaphore_mem>>) src(%dma_wait3A_1724 : memref<6400000xf32, #tpu.memory_space<hbm>>) dst(%dma_wait3A_1719 : memref<128xf32, #tpu.memory_space<vmem>>)
    %dma_wait3A_1725 = arith.constant 15 : i32
    %dma_wait3A_1726 = arith.constant 1 : i32
    %dma_wait3A_1727 = arith.constant 896 : i32
    %dma_wait3A_1728 = tpu.memref_slice %arg7[%dma_wait3A_1726, %dma_wait3A_1727] : memref<2x1024xf32, #tpu.memory_space<vmem>> -> memref<1x128xf32, #tpu.memory_space<vmem>>
    %dma_wait3A_1729 = tpu.memref_squeeze %dma_wait3A_1728 : memref<1x128xf32, #tpu.memory_space<vmem>> -> memref<128xf32, #tpu.memory_space<vmem>>
    %dma_wait3A_1730 = arith.constant 0 : i32
    %dma_wait3A_1731 = tpu.memref_slice %arg6[%dma_wait3A_1725, %dma_wait3A_1730] : memref<16x128xi32, #tpu.memory_space<vmem>> -> memref<1x128xi32, #tpu.memory_space<vmem>>
    %dma_wait3A_1732 = tpu.memref_squeeze %dma_wait3A_1731 : memref<1x128xi32, #tpu.memory_space<vmem>> -> memref<128xi32, #tpu.memory_space<vmem>>
    %dma_wait3A_1733 = arith.constant 0 : i32
    %dma_wait3A_1734 = tpu.memref_slice %arg2[%dma_wait3A_1733] : memref<6400000xf32, #tpu.memory_space<hbm>> -> memref<6400000xf32, #tpu.memory_space<hbm>>
    tpu.wait_indirect_dma semaphore(%arg8 : memref<!tpu.dma_semaphore, #tpu.memory_space<semaphore_mem>>) src(%dma_wait3A_1734 : memref<6400000xf32, #tpu.memory_space<hbm>>) dst(%dma_wait3A_1729 : memref<128xf32, #tpu.memory_space<vmem>>)
    "tpu.region"() ({
      %run_scoped3A = tpu.sem_alloc : memref<!tpu.dma_semaphore, #tpu.memory_space<semaphore_mem>>
      %dma_start3A_1735 = arith.constant 0 : i32
      %dma_start3A_1736 = tpu.memref_slice %arg4[%mul3A_2, %dma_start3A_1735] : memref<64x1024xf32, #tpu.memory_space<hbm>> -> memref<2x1024xf32, #tpu.memory_space<hbm>>
      %dma_start3A_1737 = arith.constant 0 : i32
      %dma_start3A_1738 = tpu.memref_slice %arg4[%mul3A_2, %dma_start3A_1737] : memref<64x1024xf32, #tpu.memory_space<hbm>> -> memref<2x1024xf32, #tpu.memory_space<hbm>>
      tpu.enqueue_dma source(%arg7 : memref<2x1024xf32, #tpu.memory_space<vmem>>) target(%dma_start3A_1738 : memref<2x1024xf32, #tpu.memory_space<hbm>>) target_semaphore(%run_scoped3A : memref<!tpu.dma_semaphore, #tpu.memory_space<semaphore_mem>>)
      %dma_wait3A_1739 = arith.constant 0 : i32
      %dma_wait3A_1740 = tpu.memref_slice %arg4[%mul3A_2, %dma_wait3A_1739] : memref<64x1024xf32, #tpu.memory_space<hbm>> -> memref<2x1024xf32, #tpu.memory_space<hbm>>
      %dma_wait3A_1741 = arith.constant 0 : i32
      %dma_wait3A_1742 = tpu.memref_slice %arg4[%mul3A_2, %dma_wait3A_1741] : memref<64x1024xf32, #tpu.memory_space<hbm>> -> memref<2x1024xf32, #tpu.memory_space<hbm>>
      tpu.wait_dma2 semaphore(%run_scoped3A : memref<!tpu.dma_semaphore, #tpu.memory_space<semaphore_mem>>) src(%arg7 : memref<2x1024xf32, #tpu.memory_space<vmem>>) dst(%dma_wait3A_1742 : memref<2x1024xf32, #tpu.memory_space<hbm>>)
      tpu.yield
    }) : () -> ()
    return
  }
}

module attributes {stable_mosaic.version = 14 : i64} {
  func.func @_stats_body(%arg0: i32, %arg1: memref<64x1024xf32, #tpu.memory_space<vmem>>, %arg2: memref<128x64xf32, #tpu.memory_space<vmem>>, %arg3: memref<128x1xf32, #tpu.memory_space<vmem>>, %arg4: memref<1024x128xf32, #tpu.memory_space<vmem>>, %arg5: memref<1x1024xf32, #tpu.memory_space<vmem>>, %arg6: memref<128x1024xf32, #tpu.memory_space<vmem>>, %arg7: memref<1x1024xf32, #tpu.memory_space<vmem>>, %arg8: memref<128x1024xf32, #tpu.memory_space<vmem>>, %arg9: memref<1x1024xf32, #tpu.memory_space<vmem>>, %arg10: memref<1x1024xf32, #tpu.memory_space<vmem>>) attributes {dimension_semantics = [#tpu.dimension_semantics<arbitrary>], iteration_bounds = array<i64: 98>, scalar_prefetch = 0 : i64, scratch_operands = 3 : i64, tpu.core_type = #tpu.core_type<tc>, window_params = [{pipeline_mode = #tpu.pipeline_mode<synchronous>, transform_indices = @transform_0, window_bounds = array<i64: 64, 1024>}, {pipeline_mode = #tpu.pipeline_mode<synchronous>, transform_indices = @transform_1, window_bounds = array<i64: 128, 64>}, {pipeline_mode = #tpu.pipeline_mode<synchronous>, transform_indices = @transform_2, window_bounds = array<i64: 128, 1>}, {transform_indices = @transform_3, window_bounds = array<i64: 1024, 128>}, {transform_indices = @transform_4, window_bounds = array<i64: 1, 1024>}, {pipeline_mode = #tpu.pipeline_mode<synchronous>, transform_indices = @transform_5, window_bounds = array<i64: 128, 1024>}, {pipeline_mode = #tpu.pipeline_mode<synchronous>, transform_indices = @transform_6, window_bounds = array<i64: 1, 1024>}]} {
    %eq3A = arith.constant 0 : i32
    %eq3A_0 = arith.cmpi eq, %arg0, %eq3A : i32
    %convert_element_type3A = arith.extui %eq3A_0 : i1 to i32
    %cond3A = arith.constant 0 : i32
    %cond3A_1 = arith.cmpi ne, %convert_element_type3A, %cond3A : i32
    scf.if %cond3A_1 {
      %get3A = arith.constant 0 : index
      %get3A_11 = arith.constant 0 : index
      %get3A_12 = vector.load %arg2[%get3A, %get3A_11] : memref<128x64xf32, #tpu.memory_space<vmem>>, vector<128x64xf32>
      %get3A_13 = arith.constant 0 : index
      %get3A_14 = arith.constant 0 : index
      %get3A_15 = vector.load %arg1[%get3A_13, %get3A_14] : memref<64x1024xf32, #tpu.memory_space<vmem>>, vector<64x1024xf32>
      %dot_general3A = arith.constant dense<0.000000e+00> : vector<128x1024xf32>
      %dot_general3A_16 = tpu.matmul %get3A_12, %get3A_15, %dot_general3A {dimension_numbers = #tpu.dot_dimension_numbers<[1], [0], [0], [1], [0, 0, 1, 1], [], []>, transpose_lhs_hint = false} : vector<128x64xf32>, vector<64x1024xf32>, vector<128x1024xf32> -> vector<128x1024xf32>
      %get3A_17 = arith.constant 0 : index
      %get3A_18 = arith.constant 0 : index
      %get3A_19 = vector.load %arg3[%get3A_17, %get3A_18] : memref<128x1xf32, #tpu.memory_space<vmem>>, vector<128x1xf32>
      %add3A = vector.broadcast %get3A_19 : vector<128x1xf32> to vector<128x1024xf32>
      %add3A_20 = arith.addf %dot_general3A_16, %add3A : vector<128x1024xf32>
      %max3A = arith.constant 0.000000e+00 : f32
      %max3A_21 = vector.broadcast %max3A : f32 to vector<128x1024xf32>
      %max3A_22 = arith.maximumf %add3A_20, %max3A_21 : vector<128x1024xf32>
      %swap3A = arith.constant 0 : index
      %swap3A_23 = arith.constant 0 : index
      %swap3A_24 = vector.load %arg6[%swap3A, %swap3A_23] : memref<128x1024xf32, #tpu.memory_space<vmem>>, vector<128x1024xf32>
      tpu.vector_store %arg6[%swap3A, %swap3A_23], %max3A_22 {strides = array<i32>} : memref<128x1024xf32, #tpu.memory_space<vmem>>, vector<128x1024xf32>,
      %mul3A = arith.constant 1.44269502 : f32
      %mul3A_25 = vector.broadcast %mul3A : f32 to vector<128x1024xf32>
      %mul3A_26 = arith.mulf %max3A_22, %mul3A_25 : vector<128x1024xf32>
      %swap3A_27 = arith.constant 0 : index
      %swap3A_28 = arith.constant 0 : index
      %swap3A_29 = vector.load %arg8[%swap3A_27, %swap3A_28] : memref<128x1024xf32, #tpu.memory_space<vmem>>, vector<128x1024xf32>
      tpu.vector_store %arg8[%swap3A_27, %swap3A_28], %mul3A_26 {strides = array<i32>} : memref<128x1024xf32, #tpu.memory_space<vmem>>, vector<128x1024xf32>,
      %broadcast_in_dim3A = arith.constant -1.000000e+30 : f32
      %broadcast_in_dim3A_30 = vector.broadcast %broadcast_in_dim3A : f32 to vector<1x1024xf32>
      %swap3A_31 = arith.constant 0 : index
      %swap3A_32 = arith.constant 0 : index
      %swap3A_33 = vector.load %arg9[%swap3A_31, %swap3A_32] : memref<1x1024xf32, #tpu.memory_space<vmem>>, vector<1x1024xf32>
      tpu.vector_store %arg9[%swap3A_31, %swap3A_32], %broadcast_in_dim3A_30 {strides = array<i32>} : memref<1x1024xf32, #tpu.memory_space<vmem>>, vector<1x1024xf32>,
      %broadcast_in_dim3A_34 = arith.constant 0.000000e+00 : f32
      %broadcast_in_dim3A_35 = vector.broadcast %broadcast_in_dim3A_34 : f32 to vector<1x1024xf32>
      %swap3A_36 = arith.constant 0 : index
      %swap3A_37 = arith.constant 0 : index
      %swap3A_38 = vector.load %arg10[%swap3A_36, %swap3A_37] : memref<1x1024xf32, #tpu.memory_space<vmem>>, vector<1x1024xf32>
      tpu.vector_store %arg10[%swap3A_36, %swap3A_37], %broadcast_in_dim3A_35 {strides = array<i32>} : memref<1x1024xf32, #tpu.memory_space<vmem>>, vector<1x1024xf32>,
    } else {
    }
    %lt3A = arith.constant 97 : i32
    %lt3A_2 = arith.cmpi slt, %arg0, %lt3A : i32
    %convert_element_type3A_3 = arith.extui %lt3A_2 : i1 to i32
    %cond3A_4 = arith.constant 0 : i32
    %cond3A_5 = arith.cmpi ne, %convert_element_type3A_3, %cond3A_4 : i32
    scf.if %cond3A_5 {
      %get3A = arith.constant 0 : index
      %get3A_11 = arith.constant 0 : index
      %get3A_12 = vector.load %arg8[%get3A, %get3A_11] : memref<128x1024xf32, #tpu.memory_space<vmem>>, vector<128x1024xf32>
      %convert_element_type3A_13 = arith.truncf %get3A_12 : vector<128x1024xf32> to vector<128x1024xbf16>
      %get3A_14 = arith.constant 0 : index
      %get3A_15 = arith.constant 0 : index
      %get3A_16 = vector.load %arg5[%get3A_14, %get3A_15] : memref<1x1024xf32, #tpu.memory_space<vmem>>, vector<1x1024xf32>
      %transpose3A = tpu.transpose %get3A_16, [1, 0] : vector<1x1024xf32> -> vector<1024x1xf32>
      %mul3A = arith.constant 1.44269502 : f32
      %mul3A_17 = vector.broadcast %mul3A : f32 to vector<1024x1xf32>
      %mul3A_18 = arith.mulf %transpose3A, %mul3A_17 : vector<1024x1xf32>
      %get3A_19 = arith.constant 0 : index
      %get3A_20 = arith.constant 0 : index
      %get3A_21 = vector.load %arg4[%get3A_19, %get3A_20] : memref<1024x128xf32, #tpu.memory_space<vmem>>, vector<512x128xf32>
      %convert_element_type3A_22 = arith.truncf %get3A_21 : vector<512x128xf32> to vector<512x128xbf16>
      %dot_general3A = arith.constant dense<0.000000e+00> : vector<512x1024xf32>
      %dot_general3A_23 = tpu.matmul %convert_element_type3A_22, %convert_element_type3A_13, %dot_general3A {dimension_numbers = #tpu.dot_dimension_numbers<[1], [0], [0], [1], [0, 0, 1, 1], [], []>, transpose_lhs_hint = false} : vector<512x128xbf16>, vector<128x1024xbf16>, vector<512x1024xf32> -> vector<512x1024xf32>
      %slice3A = vector.extract_strided_slice %mul3A_18 {offsets = [0, 0], sizes = [512, 1], strides = [1, 1]} : vector<1024x1xf32> to vector<512x1xf32>
      %add3A = vector.broadcast %slice3A : vector<512x1xf32> to vector<512x1024xf32>
      %add3A_24 = arith.addf %dot_general3A_23, %add3A : vector<512x1024xf32>
      %get3A_25 = arith.constant 0 : index
      %get3A_26 = arith.constant 0 : index
      %get3A_27 = vector.load %arg8[%get3A_25, %get3A_26] : memref<128x1024xf32, #tpu.memory_space<vmem>>, vector<128x1024xf32>
      %convert_element_type3A_28 = arith.truncf %get3A_27 : vector<128x1024xf32> to vector<128x1024xbf16>
      %get3A_29 = arith.constant 0 : index
      %get3A_30 = arith.constant 0 : index
      %get3A_31 = vector.load %arg5[%get3A_29, %get3A_30] : memref<1x1024xf32, #tpu.memory_space<vmem>>, vector<1x1024xf32>
      %transpose3A_32 = tpu.transpose %get3A_31, [1, 0] : vector<1x1024xf32> -> vector<1024x1xf32>
      %mul3A_33 = arith.constant 1.44269502 : f32
      %mul3A_34 = vector.broadcast %mul3A_33 : f32 to vector<1024x1xf32>
      %mul3A_35 = arith.mulf %transpose3A_32, %mul3A_34 : vector<1024x1xf32>
      %get3A_36 = arith.constant 512 : index
      %get3A_37 = arith.constant 0 : index
      %get3A_38 = vector.load %arg4[%get3A_36, %get3A_37] : memref<1024x128xf32, #tpu.memory_space<vmem>>, vector<512x128xf32>
      %convert_element_type3A_39 = arith.truncf %get3A_38 : vector<512x128xf32> to vector<512x128xbf16>
      %dot_general3A_40 = arith.constant dense<0.000000e+00> : vector<512x1024xf32>
      %dot_general3A_41 = tpu.matmul %convert_element_type3A_39, %convert_element_type3A_28, %dot_general3A_40 {dimension_numbers = #tpu.dot_dimension_numbers<[1], [0], [0], [1], [0, 0, 1, 1], [], []>, transpose_lhs_hint = false} : vector<512x128xbf16>, vector<128x1024xbf16>, vector<512x1024xf32> -> vector<512x1024xf32>
      %slice3A_42 = vector.extract_strided_slice %mul3A_35 {offsets = [512, 0], sizes = [512, 1], strides = [1, 1]} : vector<1024x1xf32> to vector<512x1xf32>
      %add3A_43 = vector.broadcast %slice3A_42 : vector<512x1xf32> to vector<512x1024xf32>
      %add3A_44 = arith.addf %dot_general3A_41, %add3A_43 : vector<512x1024xf32>
      %get3A_45 = arith.constant 0 : index
      %get3A_46 = arith.constant 0 : index
      %get3A_47 = vector.load %arg9[%get3A_45, %get3A_46] : memref<1x1024xf32, #tpu.memory_space<vmem>>, vector<1x1024xf32>
      %reduce_max3A = arith.constant dense<0xFF800000> : vector<1024xf32>
      %reduce_max3A_48 = vector.multi_reduction <maximumf>, %add3A_24, %reduce_max3A [0] : vector<512x1024xf32> to vector<1024xf32>
      %broadcast_in_dim3A = vector.shape_cast %reduce_max3A_48 : vector<1024xf32> to vector<1x1024xf32>
      %max3A = arith.maximumf %get3A_47, %broadcast_in_dim3A : vector<1x1024xf32>
      %get3A_49 = arith.constant 0 : index
      %get3A_50 = arith.constant 0 : index
      %get3A_51 = vector.load %arg10[%get3A_49, %get3A_50] : memref<1x1024xf32, #tpu.memory_space<vmem>>, vector<1x1024xf32>
      %sub3A = arith.subf %get3A_47, %max3A : vector<1x1024xf32>
      %exp23A = math.exp2 %sub3A : vector<1x1024xf32>
      %mul3A_52 = arith.mulf %get3A_51, %exp23A : vector<1x1024xf32>
      %sub3A_53 = vector.broadcast %max3A : vector<1x1024xf32> to vector<512x1024xf32>
      %sub3A_54 = arith.subf %add3A_24, %sub3A_53 : vector<512x1024xf32>
      %exp23A_55 = math.exp2 %sub3A_54 : vector<512x1024xf32>
      %reduce_sum3A = arith.constant dense<0.000000e+00> : vector<1024xf32>
      %reduce_sum3A_56 = vector.multi_reduction <add>, %exp23A_55, %reduce_sum3A [0] : vector<512x1024xf32> to vector<1024xf32>
      %broadcast_in_dim3A_57 = vector.shape_cast %reduce_sum3A_56 : vector<1024xf32> to vector<1x1024xf32>
      %add3A_58 = arith.addf %mul3A_52, %broadcast_in_dim3A_57 : vector<1x1024xf32>
      %swap3A = arith.constant 0 : index
      %swap3A_59 = arith.constant 0 : index
      %swap3A_60 = vector.load %arg10[%swap3A, %swap3A_59] : memref<1x1024xf32, #tpu.memory_space<vmem>>, vector<1x1024xf32>
      tpu.vector_store %arg10[%swap3A, %swap3A_59], %add3A_58 {strides = array<i32>} : memref<1x1024xf32, #tpu.memory_space<vmem>>, vector<1x1024xf32>,
      %swap3A_61 = arith.constant 0 : index
      %swap3A_62 = arith.constant 0 : index
      %swap3A_63 = vector.load %arg9[%swap3A_61, %swap3A_62] : memref<1x1024xf32, #tpu.memory_space<vmem>>, vector<1x1024xf32>
      tpu.vector_store %arg9[%swap3A_61, %swap3A_62], %max3A {strides = array<i32>} : memref<1x1024xf32, #tpu.memory_space<vmem>>, vector<1x1024xf32>,
      %get3A_64 = arith.constant 0 : index
      %get3A_65 = arith.constant 0 : index
      %get3A_66 = vector.load %arg9[%get3A_64, %get3A_65] : memref<1x1024xf32, #tpu.memory_space<vmem>>, vector<1x1024xf32>
      %reduce_max3A_67 = arith.constant dense<0xFF800000> : vector<1024xf32>
      %reduce_max3A_68 = vector.multi_reduction <maximumf>, %add3A_44, %reduce_max3A_67 [0] : vector<512x1024xf32> to vector<1024xf32>
      %broadcast_in_dim3A_69 = vector.shape_cast %reduce_max3A_68 : vector<1024xf32> to vector<1x1024xf32>
      %max3A_70 = arith.maximumf %get3A_66, %broadcast_in_dim3A_69 : vector<1x1024xf32>
      %get3A_71 = arith.constant 0 : index
      %get3A_72 = arith.constant 0 : index
      %get3A_73 = vector.load %arg10[%get3A_71, %get3A_72] : memref<1x1024xf32, #tpu.memory_space<vmem>>, vector<1x1024xf32>
      %sub3A_74 = arith.subf %get3A_66, %max3A_70 : vector<1x1024xf32>
      %exp23A_75 = math.exp2 %sub3A_74 : vector<1x1024xf32>
      %mul3A_76 = arith.mulf %get3A_73, %exp23A_75 : vector<1x1024xf32>
      %sub3A_77 = vector.broadcast %max3A_70 : vector<1x1024xf32> to vector<512x1024xf32>
      %sub3A_78 = arith.subf %add3A_44, %sub3A_77 : vector<512x1024xf32>
      %exp23A_79 = math.exp2 %sub3A_78 : vector<512x1024xf32>
      %reduce_sum3A_80 = arith.constant dense<0.000000e+00> : vector<1024xf32>
      %reduce_sum3A_81 = vector.multi_reduction <add>, %exp23A_79, %reduce_sum3A_80 [0] : vector<512x1024xf32> to vector<1024xf32>
      %broadcast_in_dim3A_82 = vector.shape_cast %reduce_sum3A_81 : vector<1024xf32> to vector<1x1024xf32>
      %add3A_83 = arith.addf %mul3A_76, %broadcast_in_dim3A_82 : vector<1x1024xf32>
      %swap3A_84 = arith.constant 0 : index
      %swap3A_85 = arith.constant 0 : index
      %swap3A_86 = vector.load %arg10[%swap3A_84, %swap3A_85] : memref<1x1024xf32, #tpu.memory_space<vmem>>, vector<1x1024xf32>
      tpu.vector_store %arg10[%swap3A_84, %swap3A_85], %add3A_83 {strides = array<i32>} : memref<1x1024xf32, #tpu.memory_space<vmem>>, vector<1x1024xf32>,
      %swap3A_87 = arith.constant 0 : index
      %swap3A_88 = arith.constant 0 : index
      %swap3A_89 = vector.load %arg9[%swap3A_87, %swap3A_88] : memref<1x1024xf32, #tpu.memory_space<vmem>>, vector<1x1024xf32>
      tpu.vector_store %arg9[%swap3A_87, %swap3A_88], %max3A_70 {strides = array<i32>} : memref<1x1024xf32, #tpu.memory_space<vmem>>, vector<1x1024xf32>,
    } else {
    }
    %eq3A_6 = arith.constant 97 : i32
    %eq3A_7 = arith.cmpi eq, %arg0, %eq3A_6 : i32
    %convert_element_type3A_8 = arith.extui %eq3A_7 : i1 to i32
    %cond3A_9 = arith.constant 0 : i32
    %cond3A_10 = arith.cmpi ne, %convert_element_type3A_8, %cond3A_9 : i32
    scf.if %cond3A_10 {
      %mul3A = arith.constant 1024 : i32
      %mul3A_11 = arith.muli %arg0, %mul3A : i32
      %iota3A = tpu.iota {dimensions = array<i32: 0>} : vector<1024x1xi32>
      %add3A = vector.broadcast %mul3A_11 : i32 to vector<1024x1xi32>
      %add3A_12 = arith.addi %add3A, %iota3A : vector<1024x1xi32>
      %get3A = arith.constant 0 : index
      %get3A_13 = arith.constant 0 : index
      %get3A_14 = vector.load %arg8[%get3A, %get3A_13] : memref<128x1024xf32, #tpu.memory_space<vmem>>, vector<128x1024xf32>
      %convert_element_type3A_15 = arith.truncf %get3A_14 : vector<128x1024xf32> to vector<128x1024xbf16>
      %get3A_16 = arith.constant 0 : index
      %get3A_17 = arith.constant 0 : index
      %get3A_18 = vector.load %arg5[%get3A_16, %get3A_17] : memref<1x1024xf32, #tpu.memory_space<vmem>>, vector<1x1024xf32>
      %transpose3A = tpu.transpose %get3A_18, [1, 0] : vector<1x1024xf32> -> vector<1024x1xf32>
      %mul3A_19 = arith.constant 1.44269502 : f32
      %mul3A_20 = vector.broadcast %mul3A_19 : f32 to vector<1024x1xf32>
      %mul3A_21 = arith.mulf %transpose3A, %mul3A_20 : vector<1024x1xf32>
      %get3A_22 = arith.constant 0 : index
      %get3A_23 = arith.constant 0 : index
      %get3A_24 = vector.load %arg4[%get3A_22, %get3A_23] : memref<1024x128xf32, #tpu.memory_space<vmem>>, vector<512x128xf32>
      %convert_element_type3A_25 = arith.truncf %get3A_24 : vector<512x128xf32> to vector<512x128xbf16>
      %dot_general3A = arith.constant dense<0.000000e+00> : vector<512x1024xf32>
      %dot_general3A_26 = tpu.matmul %convert_element_type3A_25, %convert_element_type3A_15, %dot_general3A {dimension_numbers = #tpu.dot_dimension_numbers<[1], [0], [0], [1], [0, 0, 1, 1], [], []>, transpose_lhs_hint = false} : vector<512x128xbf16>, vector<128x1024xbf16>, vector<512x1024xf32> -> vector<512x1024xf32>
      %slice3A = vector.extract_strided_slice %mul3A_21 {offsets = [0, 0], sizes = [512, 1], strides = [1, 1]} : vector<1024x1xf32> to vector<512x1xf32>
      %add3A_27 = vector.broadcast %slice3A : vector<512x1xf32> to vector<512x1024xf32>
      %add3A_28 = arith.addf %dot_general3A_26, %add3A_27 : vector<512x1024xf32>
      %get3A_29 = arith.constant 0 : index
      %get3A_30 = arith.constant 0 : index
      %get3A_31 = vector.load %arg8[%get3A_29, %get3A_30] : memref<128x1024xf32, #tpu.memory_space<vmem>>, vector<128x1024xf32>
      %convert_element_type3A_32 = arith.truncf %get3A_31 : vector<128x1024xf32> to vector<128x1024xbf16>
      %get3A_33 = arith.constant 0 : index
      %get3A_34 = arith.constant 0 : index
      %get3A_35 = vector.load %arg5[%get3A_33, %get3A_34] : memref<1x1024xf32, #tpu.memory_space<vmem>>, vector<1x1024xf32>
      %transpose3A_36 = tpu.transpose %get3A_35, [1, 0] : vector<1x1024xf32> -> vector<1024x1xf32>
      %mul3A_37 = arith.constant 1.44269502 : f32
      %mul3A_38 = vector.broadcast %mul3A_37 : f32 to vector<1024x1xf32>
      %mul3A_39 = arith.mulf %transpose3A_36, %mul3A_38 : vector<1024x1xf32>
      %get3A_40 = arith.constant 512 : index
      %get3A_41 = arith.constant 0 : index
      %get3A_42 = vector.load %arg4[%get3A_40, %get3A_41] : memref<1024x128xf32, #tpu.memory_space<vmem>>, vector<512x128xf32>
      %convert_element_type3A_43 = arith.truncf %get3A_42 : vector<512x128xf32> to vector<512x128xbf16>
      %dot_general3A_44 = arith.constant dense<0.000000e+00> : vector<512x1024xf32>
      %dot_general3A_45 = tpu.matmul %convert_element_type3A_43, %convert_element_type3A_32, %dot_general3A_44 {dimension_numbers = #tpu.dot_dimension_numbers<[1], [0], [0], [1], [0, 0, 1, 1], [], []>, transpose_lhs_hint = false} : vector<512x128xbf16>, vector<128x1024xbf16>, vector<512x1024xf32> -> vector<512x1024xf32>
      %slice3A_46 = vector.extract_strided_slice %mul3A_39 {offsets = [512, 0], sizes = [512, 1], strides = [1, 1]} : vector<1024x1xf32> to vector<512x1xf32>
      %add3A_47 = vector.broadcast %slice3A_46 : vector<512x1xf32> to vector<512x1024xf32>
      %add3A_48 = arith.addf %dot_general3A_45, %add3A_47 : vector<512x1024xf32>
      %slice3A_49 = vector.extract_strided_slice %add3A_12 {offsets = [0, 0], sizes = [512, 1], strides = [1, 1]} : vector<1024x1xi32> to vector<512x1xi32>
      %lt3A_50 = arith.constant 100000 : i32
      %lt3A_51 = vector.broadcast %lt3A_50 : i32 to vector<512x1xi32>
      %lt3A_52 = arith.cmpi slt, %slice3A_49, %lt3A_51 : vector<512x1xi32>
      %jit3A = arith.constant -1.000000e+30 : f32
      %broadcast_in_dim3A = vector.shape_cast %lt3A_52 : vector<512x1xi1> to vector<512x1xi1>
      %broadcast_in_dim3A_53 = vector.broadcast %broadcast_in_dim3A : vector<512x1xi1> to vector<512x1024xi1>
      %broadcast_in_dim3A_54 = vector.broadcast %jit3A : f32 to vector<512x1024xf32>
      %select_n3A = arith.select %broadcast_in_dim3A_53, %add3A_28, %broadcast_in_dim3A_54 : vector<512x1024xi1>, vector<512x1024xf32>
      %get3A_55 = arith.constant 0 : index
      %get3A_56 = arith.constant 0 : index
      %get3A_57 = vector.load %arg9[%get3A_55, %get3A_56] : memref<1x1024xf32, #tpu.memory_space<vmem>>, vector<1x1024xf32>
      %reduce_max3A = arith.constant dense<0xFF800000> : vector<1024xf32>
      %reduce_max3A_58 = vector.multi_reduction <maximumf>, %select_n3A, %reduce_max3A [0] : vector<512x1024xf32> to vector<1024xf32>
      %broadcast_in_dim3A_59 = vector.shape_cast %reduce_max3A_58 : vector<1024xf32> to vector<1x1024xf32>
      %max3A = arith.maximumf %get3A_57, %broadcast_in_dim3A_59 : vector<1x1024xf32>
      %get3A_60 = arith.constant 0 : index
      %get3A_61 = arith.constant 0 : index
      %get3A_62 = vector.load %arg10[%get3A_60, %get3A_61] : memref<1x1024xf32, #tpu.memory_space<vmem>>, vector<1x1024xf32>
      %sub3A = arith.subf %get3A_57, %max3A : vector<1x1024xf32>
      %exp23A = math.exp2 %sub3A : vector<1x1024xf32>
      %mul3A_63 = arith.mulf %get3A_62, %exp23A : vector<1x1024xf32>
      %sub3A_64 = vector.broadcast %max3A : vector<1x1024xf32> to vector<512x1024xf32>
      %sub3A_65 = arith.subf %select_n3A, %sub3A_64 : vector<512x1024xf32>
      %exp23A_66 = math.exp2 %sub3A_65 : vector<512x1024xf32>
      %reduce_sum3A = arith.constant dense<0.000000e+00> : vector<1024xf32>
      %reduce_sum3A_67 = vector.multi_reduction <add>, %exp23A_66, %reduce_sum3A [0] : vector<512x1024xf32> to vector<1024xf32>
      %broadcast_in_dim3A_68 = vector.shape_cast %reduce_sum3A_67 : vector<1024xf32> to vector<1x1024xf32>
      %add3A_69 = arith.addf %mul3A_63, %broadcast_in_dim3A_68 : vector<1x1024xf32>
      %swap3A = arith.constant 0 : index
      %swap3A_70 = arith.constant 0 : index
      %swap3A_71 = vector.load %arg10[%swap3A, %swap3A_70] : memref<1x1024xf32, #tpu.memory_space<vmem>>, vector<1x1024xf32>
      tpu.vector_store %arg10[%swap3A, %swap3A_70], %add3A_69 {strides = array<i32>} : memref<1x1024xf32, #tpu.memory_space<vmem>>, vector<1x1024xf32>,
      %swap3A_72 = arith.constant 0 : index
      %swap3A_73 = arith.constant 0 : index
      %swap3A_74 = vector.load %arg9[%swap3A_72, %swap3A_73] : memref<1x1024xf32, #tpu.memory_space<vmem>>, vector<1x1024xf32>
      tpu.vector_store %arg9[%swap3A_72, %swap3A_73], %max3A {strides = array<i32>} : memref<1x1024xf32, #tpu.memory_space<vmem>>, vector<1x1024xf32>,
      %slice3A_75 = vector.extract_strided_slice %add3A_12 {offsets = [512, 0], sizes = [512, 1], strides = [1, 1]} : vector<1024x1xi32> to vector<512x1xi32>
      %lt3A_76 = arith.constant 100000 : i32
      %lt3A_77 = vector.broadcast %lt3A_76 : i32 to vector<512x1xi32>
      %lt3A_78 = arith.cmpi slt, %slice3A_75, %lt3A_77 : vector<512x1xi32>
      %jit3A_79 = arith.constant -1.000000e+30 : f32
      %broadcast_in_dim3A_80 = vector.shape_cast %lt3A_78 : vector<512x1xi1> to vector<512x1xi1>
      %broadcast_in_dim3A_81 = vector.broadcast %broadcast_in_dim3A_80 : vector<512x1xi1> to vector<512x1024xi1>
      %broadcast_in_dim3A_82 = vector.broadcast %jit3A_79 : f32 to vector<512x1024xf32>
      %select_n3A_83 = arith.select %broadcast_in_dim3A_81, %add3A_48, %broadcast_in_dim3A_82 : vector<512x1024xi1>, vector<512x1024xf32>
      %get3A_84 = arith.constant 0 : index
      %get3A_85 = arith.constant 0 : index
      %get3A_86 = vector.load %arg9[%get3A_84, %get3A_85] : memref<1x1024xf32, #tpu.memory_space<vmem>>, vector<1x1024xf32>
      %reduce_max3A_87 = arith.constant dense<0xFF800000> : vector<1024xf32>
      %reduce_max3A_88 = vector.multi_reduction <maximumf>, %select_n3A_83, %reduce_max3A_87 [0] : vector<512x1024xf32> to vector<1024xf32>
      %broadcast_in_dim3A_89 = vector.shape_cast %reduce_max3A_88 : vector<1024xf32> to vector<1x1024xf32>
      %max3A_90 = arith.maximumf %get3A_86, %broadcast_in_dim3A_89 : vector<1x1024xf32>
      %get3A_91 = arith.constant 0 : index
      %get3A_92 = arith.constant 0 : index
      %get3A_93 = vector.load %arg10[%get3A_91, %get3A_92] : memref<1x1024xf32, #tpu.memory_space<vmem>>, vector<1x1024xf32>
      %sub3A_94 = arith.subf %get3A_86, %max3A_90 : vector<1x1024xf32>
      %exp23A_95 = math.exp2 %sub3A_94 : vector<1x1024xf32>
      %mul3A_96 = arith.mulf %get3A_93, %exp23A_95 : vector<1x1024xf32>
      %sub3A_97 = vector.broadcast %max3A_90 : vector<1x1024xf32> to vector<512x1024xf32>
      %sub3A_98 = arith.subf %select_n3A_83, %sub3A_97 : vector<512x1024xf32>
      %exp23A_99 = math.exp2 %sub3A_98 : vector<512x1024xf32>
      %reduce_sum3A_100 = arith.constant dense<0.000000e+00> : vector<1024xf32>
      %reduce_sum3A_101 = vector.multi_reduction <add>, %exp23A_99, %reduce_sum3A_100 [0] : vector<512x1024xf32> to vector<1024xf32>
      %broadcast_in_dim3A_102 = vector.shape_cast %reduce_sum3A_101 : vector<1024xf32> to vector<1x1024xf32>
      %add3A_103 = arith.addf %mul3A_96, %broadcast_in_dim3A_102 : vector<1x1024xf32>
      %swap3A_104 = arith.constant 0 : index
      %swap3A_105 = arith.constant 0 : index
      %swap3A_106 = vector.load %arg10[%swap3A_104, %swap3A_105] : memref<1x1024xf32, #tpu.memory_space<vmem>>, vector<1x1024xf32>
      tpu.vector_store %arg10[%swap3A_104, %swap3A_105], %add3A_103 {strides = array<i32>} : memref<1x1024xf32, #tpu.memory_space<vmem>>, vector<1x1024xf32>,
      %swap3A_107 = arith.constant 0 : index
      %swap3A_108 = arith.constant 0 : index
      %swap3A_109 = vector.load %arg9[%swap3A_107, %swap3A_108] : memref<1x1024xf32, #tpu.memory_space<vmem>>, vector<1x1024xf32>
      tpu.vector_store %arg9[%swap3A_107, %swap3A_108], %max3A_90 {strides = array<i32>} : memref<1x1024xf32, #tpu.memory_space<vmem>>, vector<1x1024xf32>,
      %get3A_110 = arith.constant 0 : index
      %get3A_111 = arith.constant 0 : index
      %get3A_112 = vector.load %arg9[%get3A_110, %get3A_111] : memref<1x1024xf32, #tpu.memory_space<vmem>>, vector<1x1024xf32>
      %mul3A_113 = arith.constant 0.693147182 : f32
      %mul3A_114 = vector.broadcast %mul3A_113 : f32 to vector<1x1024xf32>
      %mul3A_115 = arith.mulf %get3A_112, %mul3A_114 : vector<1x1024xf32>
      %get3A_116 = arith.constant 0 : index
      %get3A_117 = arith.constant 0 : index
      %get3A_118 = vector.load %arg10[%get3A_116, %get3A_117] : memref<1x1024xf32, #tpu.memory_space<vmem>>, vector<1x1024xf32>
      %log3A = math.log %get3A_118 : vector<1x1024xf32>
      %add3A_119 = arith.addf %mul3A_115, %log3A : vector<1x1024xf32>
      %swap3A_120 = arith.constant 0 : index
      %swap3A_121 = arith.constant 0 : index
      %swap3A_122 = vector.load %arg7[%swap3A_120, %swap3A_121] : memref<1x1024xf32, #tpu.memory_space<vmem>>, vector<1x1024xf32>
      tpu.vector_store %arg7[%swap3A_120, %swap3A_121], %add3A_119 {strides = array<i32>} : memref<1x1024xf32, #tpu.memory_space<vmem>>, vector<1x1024xf32>,
    } else {
    }
    return
  }
  func.func @transform_0(%arg0: i32) -> (i32, i32) {
    %c0_i32 = arith.constant 0 : i32
    %c0_i32_0 = arith.constant 0 : i32
    %c0_i32_1 = arith.constant 0 : i32
    return %c0_i32, %c0_i32_0 : i32, i32
  }
  func.func @transform_1(%arg0: i32) -> (i32, i32) {
    %c0_i32 = arith.constant 0 : i32
    %c0_i32_0 = arith.constant 0 : i32
    %c0_i32_1 = arith.constant 0 : i32
    return %c0_i32, %c0_i32_0 : i32, i32
  }
  func.func @transform_2(%arg0: i32) -> (i32, i32) {
    %c0_i32 = arith.constant 0 : i32
    %c0_i32_0 = arith.constant 0 : i32
    %c0_i32_1 = arith.constant 0 : i32
    return %c0_i32, %c0_i32_0 : i32, i32
  }
  func.func @transform_3(%arg0: i32) -> (i32, i32) {
    %c0_i32 = arith.constant 0 : i32
    %c0_i32_0 = arith.constant 0 : i32
    return %arg0, %c0_i32 : i32, i32
  }
  func.func @transform_4(%arg0: i32) -> (i32, i32) {
    %c0_i32 = arith.constant 0 : i32
    %c0_i32_0 = arith.constant 0 : i32
    return %c0_i32, %arg0 : i32, i32
  }
  func.func @transform_5(%arg0: i32) -> (i32, i32) {
    %c0_i32 = arith.constant 0 : i32
    %c0_i32_0 = arith.constant 0 : i32
    %c0_i32_1 = arith.constant 0 : i32
    return %c0_i32, %c0_i32_0 : i32, i32
  }
  func.func @transform_6(%arg0: i32) -> (i32, i32) {
    %c0_i32 = arith.constant 0 : i32
    %c0_i32_0 = arith.constant 0 : i32
    %c0_i32_1 = arith.constant 0 : i32
    return %c0_i32, %c0_i32_0 : i32, i32
  }
}

module attributes {stable_mosaic.version = 14 : i64} {
  func.func @_write_body(%arg0: i32, %arg1: memref<128x1024xf32, #tpu.memory_space<vmem>>, %arg2: memref<1x1024xf32, #tpu.memory_space<vmem>>, %arg3: memref<1024x128xf32, #tpu.memory_space<vmem>>, %arg4: memref<1x1024xf32, #tpu.memory_space<vmem>>, %arg5: memref<1024x1024xf32, #tpu.memory_space<vmem>>) attributes {dimension_semantics = [#tpu.dimension_semantics<arbitrary>], iteration_bounds = array<i64: 98>, scalar_prefetch = 0 : i64, scratch_operands = 0 : i64, tpu.core_type = #tpu.core_type<tc>, window_params = [{pipeline_mode = #tpu.pipeline_mode<synchronous>, transform_indices = @transform_0, window_bounds = array<i64: 128, 1024>}, {pipeline_mode = #tpu.pipeline_mode<synchronous>, transform_indices = @transform_1, window_bounds = array<i64: 1, 1024>}, {transform_indices = @transform_2, window_bounds = array<i64: 1024, 128>}, {transform_indices = @transform_3, window_bounds = array<i64: 1, 1024>}, {transform_indices = @transform_4, window_bounds = array<i64: 1024, 1024>}]} {
    %get3A = arith.constant 0 : index
    %get3A_0 = arith.constant 0 : index
    %get3A_1 = vector.load %arg3[%get3A, %get3A_0] : memref<1024x128xf32, #tpu.memory_space<vmem>>, vector<1024x128xf32>
    %convert_element_type3A = arith.truncf %get3A_1 : vector<1024x128xf32> to vector<1024x128xbf16>
    %get3A_2 = arith.constant 0 : index
    %get3A_3 = arith.constant 0 : index
    %get3A_4 = vector.load %arg1[%get3A_2, %get3A_3] : memref<128x1024xf32, #tpu.memory_space<vmem>>, vector<128x1024xf32>
    %convert_element_type3A_5 = arith.truncf %get3A_4 : vector<128x1024xf32> to vector<128x1024xbf16>
    %dot_general3A = arith.constant dense<0.000000e+00> : vector<1024x1024xf32>
    %dot_general3A_6 = tpu.matmul %convert_element_type3A, %convert_element_type3A_5, %dot_general3A {dimension_numbers = #tpu.dot_dimension_numbers<[1], [0], [0], [1], [0, 0, 1, 1], [], []>, transpose_lhs_hint = false} : vector<1024x128xbf16>, vector<128x1024xbf16>, vector<1024x1024xf32> -> vector<1024x1024xf32>
    %get3A_7 = arith.constant 0 : index
    %get3A_8 = arith.constant 0 : index
    %get3A_9 = vector.load %arg4[%get3A_7, %get3A_8] : memref<1x1024xf32, #tpu.memory_space<vmem>>, vector<1x1024xf32>
    %transpose3A = tpu.transpose %get3A_9, [1, 0] : vector<1x1024xf32> -> vector<1024x1xf32>
    %add3A = vector.broadcast %transpose3A : vector<1024x1xf32> to vector<1024x1024xf32>
    %add3A_10 = arith.addf %dot_general3A_6, %add3A : vector<1024x1024xf32>
    %get3A_11 = arith.constant 0 : index
    %get3A_12 = arith.constant 0 : index
    %get3A_13 = vector.load %arg2[%get3A_11, %get3A_12] : memref<1x1024xf32, #tpu.memory_space<vmem>>, vector<1x1024xf32>
    %sub3A = vector.broadcast %get3A_13 : vector<1x1024xf32> to vector<1024x1024xf32>
    %sub3A_14 = arith.subf %add3A_10, %sub3A : vector<1024x1024xf32>
    %swap3A = arith.constant 0 : index
    %swap3A_15 = arith.constant 0 : index
    %swap3A_16 = vector.load %arg5[%swap3A, %swap3A_15] : memref<1024x1024xf32, #tpu.memory_space<vmem>>, vector<1024x1024xf32>
    tpu.vector_store %arg5[%swap3A, %swap3A_15], %sub3A_14 {strides = array<i32>} : memref<1024x1024xf32, #tpu.memory_space<vmem>>, vector<1024x1024xf32>,
    return
  }
  func.func @transform_0(%arg0: i32) -> (i32, i32) {
    %c0_i32 = arith.constant 0 : i32
    %c0_i32_0 = arith.constant 0 : i32
    %c0_i32_1 = arith.constant 0 : i32
    return %c0_i32, %c0_i32_0 : i32, i32
  }
  func.func @transform_1(%arg0: i32) -> (i32, i32) {
    %c0_i32 = arith.constant 0 : i32
    %c0_i32_0 = arith.constant 0 : i32
    %c0_i32_1 = arith.constant 0 : i32
    return %c0_i32, %c0_i32_0 : i32, i32
  }
  func.func @transform_2(%arg0: i32) -> (i32, i32) {
    %c0_i32 = arith.constant 0 : i32
    %c0_i32_0 = arith.constant 0 : i32
    return %arg0, %c0_i32 : i32, i32
  }
  func.func @transform_3(%arg0: i32) -> (i32, i32) {
    %c0_i32 = arith.constant 0 : i32
    %c0_i32_0 = arith.constant 0 : i32
    return %c0_i32, %arg0 : i32, i32
  }
  func.func @transform_4(%arg0: i32) -> (i32, i32) {
    %c0_i32 = arith.constant 0 : i32
    %c0_i32_0 = arith.constant 0 : i32
    return %arg0, %c0_i32 : i32, i32
  }
}

</mosaic_0001>

<sc_bundles>
// kernel: kernel.5.cloned.1.call-start
scs
__scs_entry_jumppad:
0x0: {  	(pc) =	sbr.rel $0x88, $3  }
0x1: {  	(tag) =	ssettag $0x0;
	lr =	simm.s32 $0x1  }
0x2: {  	[smem:$0x3F9B] =	sst lr;
	_ =	strace $0xD0000000  }
0x3: {  	_ = 	snop  }
0x4: {  	_ = 	snop  }
0x5: {  	_ = 	snop  }
0x6: {  	_ = 	snop  }
0x7: {  	_ = 	snop  }
__scs_overlays_trampoline_lowered:
0x8: {  	[smem:$0x3FAA] =	sst s0  }
0x9: {  	[smem:$0x3FAB] =	sst s1  }
0xa: {  	[smem:$0x3FAC] =	sst s2  }
0xb: {  	[smem:$0x3FAD] =	sst s3  }
0xc: {  	[smem:$0x3FAE] =	sst s4  }
0xd: {  	[smem:$0x3FAF] =	sst s5  }
0xe: {  	[smem:$0x3FB0] =	sst s6  }
0xf: {  	[smem:$0x3FB1] =	sst s7  }
0x10: {  	[smem:$0x3FB2] =	sst s8  }
0x11: {  	[smem:$0x3FB3] =	sst s9;
	s0 =	simm.s32 @!p0 $0x0  }
0x12: {  	s1 =	sld [smem:$0x3F99];
	s0 =	simm.s32 @p0 $0x1  }
0x13: {  	[smem:$0x3FB4] =	sst s0;
	s0 =	simm.s32 @!p1 $0x0  }
0x14: {  	s2 =	sld [smem:$0x3F98];
	s0 =	simm.s32 @p1 $0x1  }
0x15: {  	[smem:$0x3FB5] =	sst s0;
	s0 =	simm.s32 @!p2 $0x0  }
0x16: {  	s3 =	sld [smem:$0x3FDB];
	s0 =	simm.s32 @p2 $0x1  }
0x17: {  	s4 =	simm.s32 $0x1BF5;
	[smem:$0x3FB7] =	sst s0  }
0x18: {  	s0 =	sld [smem:$0x3F9A];
	_ =	swait.ge [sflag:s4], $0x0  }
0x19: {  	s7 =	sld [smem:$0x3F9B]  }
0x1a: {  	s8 =	sadd.s32 $0xFFFFE003, lr  }
0x1b: {  	s9 =	sadd.s32 $0xFFFFFEF7, lr;
	s5 =	simm.s32 $0xFFFFFFFF;
	p2 =	slt.u32 s8, $0xFFFFF086  }
0x1c: {  	p1 =	slt.u32 s9, $0xF7A;
	s5 =	simm.s32 @!p2 $0x0  }
0x1d: {  	s5 =	simm.s32 @p1 $0x1;
	p0 =	seq.s32 s7, s2  }
0x1e: {  	s7 =	smul.u32 @!p0 $0xF7A, s2;
	p2 =	seq.s32 @!p0 s5, $0x0  }
0x1f: {  	s9 =	smul.u32 $0xF7A, s1;
	s8 =	simm.s32 @!p0 $0x1BF5;
	p2 =	por !p2, p0  }
0x20: {  	[sflag:s8] =	ssyncset.s32 @!p0 $0xFFFFF086;
	s6 =	sadd.s32 @!p0 s3, s7;
	s7 =	simm.s32 @!p0 $0x108  }
0x21: {  	s3 =	sadd.s32 s3, s9;
	s6 =	sadd.s32 @!p0 $0x88, s6;
	s7 =	simm.s32 @p2 $0x1082  }
0x22: {  	[simem:s7], [sflag:s8] =	dma.local @!p0 [hbm:s6], $0xF7A  }
0x23: {  	s9 =	sor.u32 $0xD0000000, s2;
	s6 =	simm.s32 $0x108;
	_ =	swait.ge @!p0 [sflag:s8], $0x0  }
0x24: {  	s3 =	sadd.s32 $0x88, s3;
	s6 =	simm.s32 @!p1 $0x1082;
	[sflag:s4] =	ssyncset.s32 $0xFFFFF086  }
0x25: {  	[simem:s6], [sflag:s4] =	dma.local [hbm:s3], $0xF7A  }
0x26: {  	[smem:$0x3F9B] =	sst s1;
	(tag) =	ssettag s2;
	_ =	strace s9  }
0x27: {  	s1 =	sld [smem:$0x3FAB]  }
0x28: {  	s2 =	sld [smem:$0x3FAC]  }
0x29: {  	s4 =	sld [smem:$0x3FAE]  }
0x2a: {  	p0 =	seq.s32 s5, $0x0;
	s5 =	sld [smem:$0x3FAF]  }
0x2b: {  	s6 =	sld [smem:$0x3FB0]  }
0x2c: {  	s7 =	sld [smem:$0x3FB1]  }
0x2d: {  	s3 =	simm.s32 $0x108;
	s8 =	sld [smem:$0x3FB2]  }
0x2e: {  	s3 =	simm.s32 @!p0 $0x1082;
	s9 =	sld [smem:$0x3FB3]  }
0x2f: {  	lr =	sadd.s32 s0, s3;
	s0 =	sld [smem:$0x3FAA]  }
0x30: {  	s3 =	sld [smem:$0x3FAD]  }
0x31: {  	[smem:$0x3FB6] =	sst s10  }
0x32: {  	s10 =	sld [smem:$0x3FB4];
	_ =	sdelay $0x3  }
0x33: {  	p0 =	seq.s32 s10, $0x1;
	s10 =	sld [smem:$0x3FB6];
	_ =	sdelay $0x3  }
0x34: {  	[smem:$0x3FB6] =	sst s10  }
0x35: {  	s10 =	sld [smem:$0x3FB5];
	_ =	sdelay $0x3  }
0x36: {  	p1 =	seq.s32 s10, $0x1;
	s10 =	sld [smem:$0x3FB6];
	_ =	sdelay $0x3  }
0x37: {  	[smem:$0x3FB6] =	sst s10  }
0x38: {  	s10 =	sld [smem:$0x3FB7]  }
0x39: {  	_ = 	snop;
	(pc) =	sbr.ind lr, $3  }
0x3a: {  	_ = 	snop  }
0x3b: {  	_ = 	snop  }
0x3c: {  	p2 =	seq.s32 s10, $0x1;
	s10 =	sld [smem:$0x3FB6]  }
0x3d: {  	_ =	shalt  }
0x3e: {  	_ =	shalt  }
0x3f: {  	_ =	shalt  }
0x40: {  	_ =	shalt  }
0x41: {  	_ =	shalt  }
0x42: {  	_ =	shalt  }
0x43: {  	_ =	shalt  }
0x44: {  	_ =	shalt  }
0x45: {  	_ =	shalt  }
0x46: {  	_ =	shalt  }
0x47: {  	_ =	shalt  }
0x48: {  	_ =	shalt  }
0x49: {  	_ =	shalt  }
0x4a: {  	_ =	shalt  }
0x4b: {  	_ =	shalt  }
0x4c: {  	_ =	shalt  }
0x4d: {  	_ =	shalt  }
0x4e: {  	_ =	shalt  }
0x4f: {  	_ =	shalt  }
0x50: {  	_ =	shalt  }
0x51: {  	_ =	shalt  }
0x52: {  	_ =	shalt  }
0x53: {  	_ =	shalt  }
0x54: {  	_ =	shalt  }
0x55: {  	_ =	shalt  }
0x56: {  	_ =	shalt  }
0x57: {  	_ =	shalt  }
0x58: {  	_ =	shalt  }
0x59: {  	_ =	shalt  }
0x5a: {  	_ =	shalt  }
0x5b: {  	_ =	shalt  }
0x5c: {  	_ =	shalt  }
0x5d: {  	_ =	shalt  }
0x5e: {  	_ =	shalt  }
0x5f: {  	_ =	shalt  }
0x60: {  	_ =	shalt  }
0x61: {  	_ =	shalt  }
0x62: {  	_ =	shalt  }
0x63: {  	_ =	shalt  }
0x64: {  	_ =	shalt  }
0x65: {  	_ =	shalt  }
0x66: {  	_ =	shalt  }
0x67: {  	_ =	shalt  }
0x68: {  	_ =	shalt  }
0x69: {  	_ =	shalt  }
0x6a: {  	_ =	shalt  }
0x6b: {  	_ =	shalt  }
0x6c: {  	_ =	shalt  }
0x6d: {  	_ =	shalt  }
0x6e: {  	_ =	shalt  }
0x6f: {  	_ =	shalt  }
0x70: {  	_ =	shalt  }
0x71: {  	_ =	shalt  }
0x72: {  	_ =	shalt  }
0x73: {  	_ =	shalt  }
0x74: {  	_ =	shalt  }
0x75: {  	_ =	shalt  }
0x76: {  	_ =	shalt  }
0x77: {  	_ =	shalt  }
0x78: {  	_ =	shalt  }
0x79: {  	_ =	shalt  }
0x7a: {  	_ =	shalt  }
0x7b: {  	_ =	shalt  }
0x7c: {  	_ =	shalt  }
0x7d: {  	_ =	shalt  }
0x7e: {  	_ =	shalt  }
0x7f: {  	_ =	shalt  }
0x80: {  	_ =	shalt  }
0x81: {  	_ =	shalt  }
0x82: {  	_ =	shalt  }
0x83: {  	_ =	shalt  }
0x84: {  	_ =	shalt  }
0x85: {  	_ =	shalt  }
0x86: {  	_ =	shalt  }
0x87: {  	_ =	shalt  }
.Lfunc_end0:
.L_simem_size_0:
called_computation_lowered:
.L_overlay_start_0:
0x88: {  	s2 =	sld [smem:$0x3FD9]  }
0x89: {  	s3 =	sld [smem:$0x3FFE];
	_ =	sdelay $0x1  }
0x8a: {  	s1 =	srdreg.scid  }
0x8b: {  	s0 =	sand.u32 $0x1, s1  }
0x8c: {  	s17 =	sshll.u32 s0, $0xA;
	s2 =	sadd.s32 s3, s2  }
0x8d: {  	s2 =	sadd.s32 s2, s17  }
0x8e: {  	[smem:$0x3FC2] =	sst s2  }
0x8f: {  	_ = 	snop  }
0x90: {  	s2 =	sld [smem:$0x3FC9]  }
0x91: {  	s18 =	sld [smem:$0x3FD0];
	(tm) =	ssettm $0x1  }
0x92: {  	s4 =	sld [smem:$0x3FFB];
	_ =	sdelay $0x3  }
0x93: {  	_ =	strace s4  }
0x94: {  	s4 =	sld [smem:$0x3FFC];
	_ =	sdelay $0x3  }
0x95: {  	_ =	strace s4  }
0x96: {  	s4 =	sld [smem:$0x3FFD];
	_ =	sdelay $0x3  }
0x97: {  	_ =	strace s4  }
0x98: {  	_ =	strace $0x8FFFFFFF  }
0x99: {  	s19 =	sld [smem:$0x3FDB];
	_ =	sdelay $0x1  }
0x9a: {  	s5 =	simm.s32 $_scs_section_size  }
0x9b: {  	s6 =	simm.s32 $_size__tile_overlayer_lowered;
	s7 =	simm.s32 $_tile_overlayer_lowered  }
0x9c: {  	s22 =	simm.s32 $0x1BFF;
	s21 =	sshll.u32 s7, $0x1;
	s4 =	sadd.s32 s5, s19  }
0x9d: {  	s8 =	simm.s32 $0x0;
	s20 =	sshll.u32 s6, $0x1;
	s6 =	sadd.s32 s21, s4  }
0x9e: {  	[timem:s8], [sflag:s22] =	dma.local [hbm:s6], s20  }
0x9f: {  	_ =	swait.ge [sflag:s22], s20  }
0xa0: {  	s5 =	ssub.s32 $0x0, s20;
	[sflag:s22] =	ssyncset.done $0x0  }
0xa1: {  	[sflag:s22] =	ssyncadd.s32 s5;
	_ =	sdelay $0x1  }
0xa2: {  	s23 =	simm.s32 $0x1B8B  }
0xa3: {  	_ =	swait.ge [sflag:s23], $0x1  }
0xa4: {  	[sflag:s23] =	ssyncset.done $0x0  }
0xa5: {  	s25 =	simm.s32 $0x1B8E;
	s24 =	sld [smem:$0x3FFE];
	[sflag:s23] =	ssyncadd.s32 $0xFFFFFFFF  }
0xa6: {  	s26 =	simm.s32 $execute0_lowered;
	[smem:$0x3FD2] =	sst s25  }
0xa7: {  	s6 =	sshll.u32 s26, $0x1;
	_ =	strace $0x80000046;
	[dreg:$0x1] =	wrdreg $0xFFFFFFFF  }
0xa8: {  	s28 =	simm.s32 $_size_execute0_lowered;
	s4 =	sadd.s32 s4, s6;
	[dreg:$0x0] =	wrdreg $0x0  }
0xa9: {  	s6 =	sshll.u32 s28, $0x1;
	[dreg:$0x2] =	wrdreg s4  }
0xaa: {  	[dreg:$0x3] =	wrdreg s6  }
0xab: {  	[dreg:$0x4] =	wrdreg $0xC0  }
0xac: {  	_ =	task [dreg:s8], $0x5FFFF  }
0xad: {  	[dreg:$0x1] =	wrdreg $0xFFFFFFFF  }
0xae: {  	[dreg:$0x0] =	wrdreg $0x60  }
0xaf: {  	[dreg:$0x2] =	wrdreg s18  }
0xb0: {  	[dreg:$0x3] =	wrdreg s2  }
0xb1: {  	[dreg:$0x4] =	wrdreg s24  }
0xb2: {  	[dreg:$0x5] =	wrdreg $0x9  }
0xb3: {  	_ =	task.clear_ibuf [dreg:s8], $0x6FFFF;
	_ =	strace $0x90000046  }
0xb4: {  	s29 =	simm.s32 $0x9;
	_ =	strace $0x80000048  }
0xb5: {  	_ =	swait.ge [sflag:s29], $0x1  }
0xb6: {  	[sflag:s29] =	ssyncadd.s32 $0xFFFFFFFF  }
0xb7: {  	_ =	strace $0x90000048  }
0xb8: {  	_ =	sfence  }
0xb9: {  	s30 =	sld [smem:$0x0];
	_ =	sdelay $0x2  }
0xba: {  	s31 =	sshll.u32 s1, $0xD;
	s1 =	sshrl.u32 s1, $0x2  }
0xbb: {  	s3 =	sand.u32 $0x4000, s31;
	s1 =	sadd.s32 s1, s30  }
0xbc: {  	s0 =	sor.u32 s3, s0;
	s1 =	sshll.u32 s1, $0x11  }
0xbd: {  	s0 =	sor.u32 s1, s0  }
0xbe: {  	s0 =	sadd.s32 $0x8F2B, s0  }
0xbf: {  	[sflag:s0] =	ssyncadd.remote.s32 $0x1  }
0xc0: {  	_ =	sfence.sel $0xFFFF  }
0xc1: {  	[dreg:$0x0] =	wrdreg $0xFFFFFFFF;
	(pc) =	sbr.abs _section_cstart, $3  }
0xc2: {  	[dreg:$0x1] =	wrdreg $0xFFFFFFFF  }
0xc3: {  	_ =	task.clear_ibuf [dreg:s8], $0x2FFFF;
	_ =	strace $0x9FFFFFFF  }
0xc4: {  	(tm) =	ssettm $0x7FFFFFFF  }
0xc5: {  	_ =	shalt  }
tec
execute0_lowered:
.L_overlay_start_1:
0x0: {  	(tag) =	ssettag $0x1  }
0x1: {  	s1 =	rddreg [dreg:$0x0]  }
0x2: {  	s2 =	rddreg [dreg:$0x1];
	s3 =	srdreg.scid  }
0x3: {  	s0 =	stileid.u32;
	s4 =	rddreg [dreg:$0x2]  }
0x4: {  	s18 =	simm.s32 $0x400;
	s19 =	simm.s32 $0x480;
	s21 =	simm.s32 $0xC80  }
0x5: {  	s22 =	simm.s32 $0x500;
	s23 =	simm.s32 $0xD00;
	s24 =	simm.s32 $0x580  }
0x6: {  	s25 =	simm.s32 $0xD80;
	s26 =	simm.s32 $0x600;
	s7 =	simm.s32 $0xC00  }
0x7: {  	[dreg:$0x4] =	wrdreg s2;
	s16 =	sand.u32 $0x1, s3;
	s3 =	simm.s32 $0x0  }
0x8: {  	s11 =	simm.s32 $0x700;
	s12 =	simm.s32 $0xF00;
	[smem:$0x7FF] =	sst s3  }
0x9: {  	s13 =	simm.s32 $0x780;
	_ =	strace $0x80000047;
	[dreg:$0x6] =	wrdreg s18  }
0xa: {  	s14 =	simm.s32 $0xF80;
	s15 =	simm.s32 $0x800;
	[dreg:$0x7] =	wrdreg s19  }
0xb: {  	s28 =	simm.s32 $0xB00;
	s17 =	sshll.u32 s0, $0x1;
	[dreg:$0x8] =	wrdreg s21  }
0xc: {  	s29 =	simm.s32 $0x1300;
	s5 =	sor.u32 s16, s17;
	[dreg:$0x9] =	wrdreg s22  }
0xd: {  	s2 =	ssub.s32 $0x2, s16;
	s16 =	simm.s32 $0x1000;
	[dreg:$0xa] =	wrdreg s23  }
0xe: {  	s17 =	simm.s32 $0x880;
	s6 =	sshll.u32 s5, $0x8;
	[dreg:$0xb] =	wrdreg s24  }
0xf: {  	s20 =	sshrl.u32 s2, $0x1;
	s30 =	smul.u32 $0x30D40, s5;
	[dreg:$0xc] =	wrdreg s25  }
0x10: {  	s5 =	simm.s32 $0x2;
	[dreg:$0xd] =	wrdreg s26;
	s18 =	simm.s32 $0x1080  }
0x11: {  	s19 =	simm.s32 $0x900;
	s21 =	simm.s32 $0x980;
	s22 =	simm.s32 $0x1180  }
0x12: {  	s23 =	simm.s32 $0xA00;
	s24 =	simm.s32 $0x1200;
	s25 =	simm.s32 $0xA80  }
0x13: {  	s26 =	simm.s32 $0x1280;
	s4 =	sadd.s32 s6, s4;
	s2 =	ssub.s32 s2, s20  }
0x14: {  	s6 =	simm.s32 $0x80;
	s20 =	simm.s32 $0x1100;
	s4 =	sadd.s32 $0xC00, s4  }
0x15: {  	s31 =	sadd.s32 $0x186A0, s30;
	v0 =	vmov s30;
	s30 =	simm.s32 $0xB80;
	[dreg:$0x5] =	wrdreg s4  }
0x16: {  	s4 =	smax.u32 s2, $0x1;
	v1 =	vmov s31;
	s31 =	simm.s32 $0x1380;
	s2 =	simm.s32 $0x1  }
.LBB2_1:
0x17: {  	s0 =	rddreg [dreg:$0x4]  }
0x18: {  	[tilespmem:s3], [sflag:$0x2] =	stream.linear.gather [hbm4b:s0+s3], $0x400, $0x38;
	[tilespmem:$0x1400] =	vst v63  }
0x19: {  	_ =	swait.ge [sflag:s5], $0x400  }
0x1a: {  	[sflag:s5] =	ssyncset.done $0x0  }
0x1b: {  	[sflag:s5] =	ssyncadd.s32 $0xFFFFFC00  }
0x1c: {  	v2 =	vld [tilespmem:$0x0]  }
0x1d: {  	v3 =	vld [tilespmem:$0x10]  }
0x1e: {  	v4 =	vld [tilespmem:$0x20]  }
0x1f: {  	v5 =	vld [tilespmem:$0x30]  }
0x20: {  	v6 =	vld [tilespmem:$0x40]  }
0x21: {  	v7 =	vld [tilespmem:$0x50];
	v2 =	vadd.s32 v0, v2  }
0x22: {  	[tilespmem:$0x400] =	vst v2;
	v2 =	vadd.s32 v0, v3;
	v3 =	vld [tilespmem:$0x60]  }
0x23: {  	v22 =	vld [tilespmem:$0x70];
	[tilespmem:$0x410] =	vst v2;
	v2 =	vadd.s32 v0, v4  }
0x24: {  	v23 =	vld [tilespmem:$0x80];
	[tilespmem:$0x420] =	vst v2;
	v2 =	vadd.s32 v0, v5  }
0x25: {  	v24 =	vld [tilespmem:$0x90];
	[tilespmem:$0x430] =	vst v2;
	v2 =	vadd.s32 v0, v6  }
0x26: {  	v25 =	vld [tilespmem:$0xA0];
	[tilespmem:$0x440] =	vst v2;
	v2 =	vadd.s32 v0, v7  }
0x27: {  	[tilespmem:$0x450] =	vst v2;
	v2 =	vadd.s32 v0, v3;
	v3 =	vld [tilespmem:$0xB0]  }
0x28: {  	v26 =	vld [tilespmem:$0xC0];
	[tilespmem:$0x460] =	vst v2;
	v2 =	vadd.s32 v0, v22  }
0x29: {  	v27 =	vld [tilespmem:$0xD0];
	[tilespmem:$0x470] =	vst v2;
	v2 =	vadd.s32 v0, v23  }
0x2a: {  	v28 =	vld [tilespmem:$0xE0];
	[tilespmem:$0x480] =	vst v2;
	v2 =	vadd.s32 v0, v24  }
0x2b: {  	v29 =	vld [tilespmem:$0xF0];
	[tilespmem:$0x490] =	vst v2;
	v2 =	vadd.s32 v0, v25  }
0x2c: {  	[tilespmem:$0x4A0] =	vst v2;
	v2 =	vadd.s32 v0, v3;
	v3 =	vld [tilespmem:$0x100]  }
0x2d: {  	v30 =	vld [tilespmem:$0x110];
	[tilespmem:$0x4B0] =	vst v2;
	v2 =	vadd.s32 v0, v26  }
0x2e: {  	v31 =	vld [tilespmem:$0x120];
	[tilespmem:$0x4C0] =	vst v2;
	v2 =	vadd.s32 v0, v27  }
0x2f: {  	v32 =	vld [tilespmem:$0x130];
	[tilespmem:$0x4D0] =	vst v2;
	v2 =	vadd.s32 v0, v28  }
0x30: {  	v33 =	vld [tilespmem:$0x140];
	[tilespmem:$0x4E0] =	vst v2;
	v2 =	vadd.s32 v0, v29  }
0x31: {  	[tilespmem:$0x4F0] =	vst v2;
	v2 =	vadd.s32 v0, v3;
	v3 =	vld [tilespmem:$0x150]  }
0x32: {  	v34 =	vld [tilespmem:$0x160];
	[tilespmem:$0x500] =	vst v2;
	v2 =	vadd.s32 v0, v30  }
0x33: {  	v35 =	vld [tilespmem:$0x170];
	[tilespmem:$0x510] =	vst v2;
	v2 =	vadd.s32 v0, v31  }
0x34: {  	v36 =	vld [tilespmem:$0x180];
	[tilespmem:$0x520] =	vst v2;
	v2 =	vadd.s32 v0, v32  }
0x35: {  	v37 =	vld [tilespmem:$0x190];
	[tilespmem:$0x530] =	vst v2;
	v2 =	vadd.s32 v0, v33  }
0x36: {  	[tilespmem:$0x540] =	vst v2;
	v2 =	vadd.s32 v0, v3;
	v3 =	vld [tilespmem:$0x1A0]  }
0x37: {  	v38 =	vld [tilespmem:$0x1B0];
	[tilespmem:$0x550] =	vst v2;
	v2 =	vadd.s32 v0, v34  }
0x38: {  	v39 =	vld [tilespmem:$0x1C0];
	[tilespmem:$0x560] =	vst v2;
	v2 =	vadd.s32 v0, v35  }
0x39: {  	v40 =	vld [tilespmem:$0x1D0];
	[tilespmem:$0x570] =	vst v2;
	v2 =	vadd.s32 v0, v36  }
0x3a: {  	v41 =	vld [tilespmem:$0x1E0];
	[tilespmem:$0x580] =	vst v2;
	v2 =	vadd.s32 v0, v37  }
0x3b: {  	[tilespmem:$0x590] =	vst v2;
	v2 =	vadd.s32 v0, v3;
	v3 =	vld [tilespmem:$0x1F0]  }
0x3c: {  	v42 =	vld [tilespmem:$0x200];
	[tilespmem:$0x5A0] =	vst v2;
	v2 =	vadd.s32 v0, v38  }
0x3d: {  	v43 =	vld [tilespmem:$0x210];
	[tilespmem:$0x5B0] =	vst v2;
	v2 =	vadd.s32 v0, v39  }
0x3e: {  	v44 =	vld [tilespmem:$0x220];
	[tilespmem:$0x5C0] =	vst v2;
	v2 =	vadd.s32 v0, v40  }
0x3f: {  	v45 =	vld [tilespmem:$0x230];
	[tilespmem:$0x5D0] =	vst v2;
	v2 =	vadd.s32 v0, v41  }
0x40: {  	[tilespmem:$0x5E0] =	vst v2;
	v2 =	vadd.s32 v0, v3;
	v3 =	vld [tilespmem:$0x240]  }
0x41: {  	v46 =	vld [tilespmem:$0x250];
	[tilespmem:$0x5F0] =	vst v2;
	v2 =	vadd.s32 v0, v42  }
0x42: {  	v47 =	vld [tilespmem:$0x260];
	[tilespmem:$0x600] =	vst v2;
	v2 =	vadd.s32 v0, v43  }
0x43: {  	v48 =	vld [tilespmem:$0x270];
	[tilespmem:$0x610] =	vst v2;
	v2 =	vadd.s32 v0, v44  }
0x44: {  	v49 =	vld [tilespmem:$0x280];
	[tilespmem:$0x620] =	vst v2;
	v2 =	vadd.s32 v0, v45  }
0x45: {  	[tilespmem:$0x630] =	vst v2;
	v2 =	vadd.s32 v0, v3;
	v3 =	vld [tilespmem:$0x290]  }
0x46: {  	v50 =	vld [tilespmem:$0x2A0];
	[tilespmem:$0x640] =	vst v2;
	v2 =	vadd.s32 v0, v46  }
0x47: {  	v51 =	vld [tilespmem:$0x2B0];
	[tilespmem:$0x650] =	vst v2;
	v2 =	vadd.s32 v0, v47  }
0x48: {  	v52 =	vld [tilespmem:$0x2C0];
	[tilespmem:$0x660] =	vst v2;
	v2 =	vadd.s32 v0, v48  }
0x49: {  	v53 =	vld [tilespmem:$0x2D0];
	[tilespmem:$0x670] =	vst v2;
	v2 =	vadd.s32 v0, v49  }
0x4a: {  	[tilespmem:$0x680] =	vst v2;
	v2 =	vadd.s32 v0, v3;
	v3 =	vld [tilespmem:$0x2E0]  }
0x4b: {  	v54 =	vld [tilespmem:$0x2F0];
	[tilespmem:$0x690] =	vst v2;
	v2 =	vadd.s32 v0, v50  }
0x4c: {  	v55 =	vld [tilespmem:$0x300];
	[tilespmem:$0x6A0] =	vst v2;
	v2 =	vadd.s32 v0, v51  }
0x4d: {  	v56 =	vld [tilespmem:$0x310];
	[tilespmem:$0x6B0] =	vst v2;
	v2 =	vadd.s32 v0, v52  }
0x4e: {  	v57 =	vld [tilespmem:$0x320];
	[tilespmem:$0x6C0] =	vst v2;
	v2 =	vadd.s32 v0, v53  }
0x4f: {  	[tilespmem:$0x6D0] =	vst v2;
	v2 =	vadd.s32 v0, v3;
	v3 =	vld [tilespmem:$0x330]  }
0x50: {  	v58 =	vld [tilespmem:$0x340];
	[tilespmem:$0x6E0] =	vst v2;
	v2 =	vadd.s32 v0, v54  }
0x51: {  	v59 =	vld [tilespmem:$0x350];
	[tilespmem:$0x6F0] =	vst v2;
	v2 =	vadd.s32 v0, v55  }
0x52: {  	v60 =	vld [tilespmem:$0x360];
	[tilespmem:$0x700] =	vst v2;
	v2 =	vadd.s32 v0, v56  }
0x53: {  	v61 =	vld [tilespmem:$0x370];
	[tilespmem:$0x710] =	vst v2;
	v2 =	vadd.s32 v0, v57  }
0x54: {  	[tilespmem:$0x720] =	vst v2;
	v2 =	vadd.s32 v0, v3;
	v3 =	vld [tilespmem:$0x380]  }
0x55: {  	v62 =	vld [tilespmem:$0x390];
	[tilespmem:$0x730] =	vst v2;
	v2 =	vadd.s32 v0, v58  }
0x56: {  	v63 =	vld [tilespmem:$0x3A0];
	[tilespmem:$0x740] =	vst v2;
	v2 =	vadd.s32 v0, v59  }
0x57: {  	v9 =	vld [tilespmem:$0x3B0];
	[tilespmem:$0x750] =	vst v2;
	v2 =	vadd.s32 v0, v60  }
0x58: {  	v10 =	vld [tilespmem:$0x3C0];
	[tilespmem:$0x760] =	vst v2;
	v2 =	vadd.s32 v0, v61  }
0x59: {  	[tilespmem:$0x770] =	vst v2;
	v2 =	vadd.s32 v0, v3;
	v3 =	vld [tilespmem:$0x3D0]  }
0x5a: {  	v11 =	vld [tilespmem:$0x3E0];
	[tilespmem:$0x780] =	vst v2;
	v2 =	vadd.s32 v0, v62  }
0x5b: {  	v12 =	vld [tilespmem:$0x3F0];
	[tilespmem:$0x790] =	vst v2;
	v2 =	vadd.s32 v0, v63  }
0x5c: {  	v13 =	vld [tilespmem:$0x0];
	[tilespmem:$0x7A0] =	vst v2;
	v2 =	vadd.s32 v0, v9  }
0x5d: {  	v14 =	vld [tilespmem:$0x10];
	[tilespmem:$0x7B0] =	vst v2;
	v2 =	vadd.s32 v0, v10  }
0x5e: {  	[tilespmem:$0x7C0] =	vst v2;
	v2 =	vadd.s32 v0, v3;
	v3 =	vld [tilespmem:$0x20]  }
0x5f: {  	v15 =	vld [tilespmem:$0x30];
	[tilespmem:$0x7D0] =	vst v2;
	v2 =	vadd.s32 v0, v11  }
0x60: {  	v16 =	vld [tilespmem:$0x40];
	[tilespmem:$0x7E0] =	vst v2;
	v2 =	vadd.s32 v0, v12  }
0x61: {  	v17 =	vld [tilespmem:$0x50];
	[tilespmem:$0x7F0] =	vst v2;
	v2 =	vadd.s32 v1, v13  }
0x62: {  	v18 =	vld [tilespmem:$0x60];
	[tilespmem:$0x800] =	vst v2;
	v2 =	vadd.s32 v1, v14  }
0x63: {  	[tilespmem:$0x810] =	vst v2;
	v2 =	vadd.s32 v1, v3;
	v3 =	vld [tilespmem:$0x70]  }
0x64: {  	v19 =	vld [tilespmem:$0x80];
	[tilespmem:$0x820] =	vst v2;
	v2 =	vadd.s32 v1, v15  }
0x65: {  	v20 =	vld [tilespmem:$0x90];
	[tilespmem:$0x830] =	vst v2;
	v2 =	vadd.s32 v1, v16  }
0x66: {  	v21 =	vld [tilespmem:$0xA0];
	[tilespmem:$0x840] =	vst v2;
	v2 =	vadd.s32 v1, v17  }
0x67: {  	v22 =	vld [tilespmem:$0xB0];
	[tilespmem:$0x850] =	vst v2;
	v2 =	vadd.s32 v1, v18  }
0x68: {  	[tilespmem:$0x860] =	vst v2;
	v2 =	vadd.s32 v1, v3;
	v3 =	vld [tilespmem:$0xC0]  }
0x69: {  	v23 =	vld [tilespmem:$0xD0];
	[tilespmem:$0x870] =	vst v2;
	v2 =	vadd.s32 v1, v19  }
0x6a: {  	v24 =	vld [tilespmem:$0xE0];
	[tilespmem:$0x880] =	vst v2;
	v2 =	vadd.s32 v1, v20  }
0x6b: {  	v25 =	vld [tilespmem:$0xF0];
	[tilespmem:$0x890] =	vst v2;
	v2 =	vadd.s32 v1, v21  }
0x6c: {  	v26 =	vld [tilespmem:$0x100];
	[tilespmem:$0x8A0] =	vst v2;
	v2 =	vadd.s32 v1, v22  }
0x6d: {  	[tilespmem:$0x8B0] =	vst v2;
	v2 =	vadd.s32 v1, v3;
	v3 =	vld [tilespmem:$0x110]  }
0x6e: {  	v27 =	vld [tilespmem:$0x120];
	[tilespmem:$0x8C0] =	vst v2;
	v2 =	vadd.s32 v1, v23  }
0x6f: {  	v28 =	vld [tilespmem:$0x130];
	[tilespmem:$0x8D0] =	vst v2;
	v2 =	vadd.s32 v1, v24  }
0x70: {  	v29 =	vld [tilespmem:$0x140];
	[tilespmem:$0x8E0] =	vst v2;
	v2 =	vadd.s32 v1, v25  }
0x71: {  	v30 =	vld [tilespmem:$0x150];
	[tilespmem:$0x8F0] =	vst v2;
	v2 =	vadd.s32 v1, v26  }
0x72: {  	[tilespmem:$0x900] =	vst v2;
	v2 =	vadd.s32 v1, v3;
	v3 =	vld [tilespmem:$0x160]  }
0x73: {  	v31 =	vld [tilespmem:$0x170];
	[tilespmem:$0x910] =	vst v2;
	v2 =	vadd.s32 v1, v27  }
0x74: {  	v32 =	vld [tilespmem:$0x180];
	[tilespmem:$0x920] =	vst v2;
	v2 =	vadd.s32 v1, v28  }
0x75: {  	v33 =	vld [tilespmem:$0x190];
	[tilespmem:$0x930] =	vst v2;
	v2 =	vadd.s32 v1, v29  }
0x76: {  	v34 =	vld [tilespmem:$0x1A0];
	[tilespmem:$0x940] =	vst v2;
	v2 =	vadd.s32 v1, v30  }
0x77: {  	[tilespmem:$0x950] =	vst v2;
	v2 =	vadd.s32 v1, v3;
	v3 =	vld [tilespmem:$0x1B0]  }
0x78: {  	v35 =	vld [tilespmem:$0x1C0];
	[tilespmem:$0x960] =	vst v2;
	v2 =	vadd.s32 v1, v31  }
0x79: {  	v36 =	vld [tilespmem:$0x1D0];
	[tilespmem:$0x970] =	vst v2;
	v2 =	vadd.s32 v1, v32  }
0x7a: {  	v37 =	vld [tilespmem:$0x1E0];
	[tilespmem:$0x980] =	vst v2;
	v2 =	vadd.s32 v1, v33  }
0x7b: {  	v38 =	vld [tilespmem:$0x1F0];
	[tilespmem:$0x990] =	vst v2;
	v2 =	vadd.s32 v1, v34  }
0x7c: {  	[tilespmem:$0x9A0] =	vst v2;
	v2 =	vadd.s32 v1, v3;
	v3 =	vld [tilespmem:$0x200]  }
0x7d: {  	v39 =	vld [tilespmem:$0x210];
	[tilespmem:$0x9B0] =	vst v2;
	v2 =	vadd.s32 v1, v35  }
0x7e: {  	v40 =	vld [tilespmem:$0x220];
	[tilespmem:$0x9C0] =	vst v2;
	v2 =	vadd.s32 v1, v36  }
0x7f: {  	v41 =	vld [tilespmem:$0x230];
	[tilespmem:$0x9D0] =	vst v2;
	v2 =	vadd.s32 v1, v37  }
0x80: {  	v42 =	vld [tilespmem:$0x240];
	[tilespmem:$0x9E0] =	vst v2;
	v2 =	vadd.s32 v1, v38  }
0x81: {  	[tilespmem:$0x9F0] =	vst v2;
	v2 =	vadd.s32 v1, v3;
	v3 =	vld [tilespmem:$0x250]  }
0x82: {  	v43 =	vld [tilespmem:$0x260];
	[tilespmem:$0xA00] =	vst v2;
	v2 =	vadd.s32 v1, v39  }
0x83: {  	v44 =	vld [tilespmem:$0x270];
	[tilespmem:$0xA10] =	vst v2;
	v2 =	vadd.s32 v1, v40  }
0x84: {  	v45 =	vld [tilespmem:$0x280];
	[tilespmem:$0xA20] =	vst v2;
	v2 =	vadd.s32 v1, v41  }
0x85: {  	v46 =	vld [tilespmem:$0x290];
	[tilespmem:$0xA30] =	vst v2;
	v2 =	vadd.s32 v1, v42  }
0x86: {  	[tilespmem:$0xA40] =	vst v2;
	v2 =	vadd.s32 v1, v3;
	v3 =	vld [tilespmem:$0x2A0]  }
0x87: {  	v47 =	vld [tilespmem:$0x2B0];
	[tilespmem:$0xA50] =	vst v2;
	v2 =	vadd.s32 v1, v43  }
0x88: {  	v48 =	vld [tilespmem:$0x2C0];
	[tilespmem:$0xA60] =	vst v2;
	v2 =	vadd.s32 v1, v44  }
0x89: {  	v49 =	vld [tilespmem:$0x2D0];
	[tilespmem:$0xA70] =	vst v2;
	v2 =	vadd.s32 v1, v45  }
0x8a: {  	v50 =	vld [tilespmem:$0x2E0];
	[tilespmem:$0xA80] =	vst v2;
	v2 =	vadd.s32 v1, v46  }
0x8b: {  	[tilespmem:$0xA90] =	vst v2;
	v2 =	vadd.s32 v1, v3;
	v3 =	vld [tilespmem:$0x2F0]  }
0x8c: {  	v51 =	vld [tilespmem:$0x300];
	[tilespmem:$0xAA0] =	vst v2;
	v2 =	vadd.s32 v1, v47  }
0x8d: {  	v52 =	vld [tilespmem:$0x310];
	[tilespmem:$0xAB0] =	vst v2;
	v2 =	vadd.s32 v1, v48  }
0x8e: {  	v53 =	vld [tilespmem:$0x320];
	[tilespmem:$0xAC0] =	vst v2;
	v2 =	vadd.s32 v1, v49  }
0x8f: {  	v54 =	vld [tilespmem:$0x330];
	[tilespmem:$0xAD0] =	vst v2;
	v2 =	vadd.s32 v1, v50  }
0x90: {  	[tilespmem:$0xAE0] =	vst v2;
	v2 =	vadd.s32 v1, v3;
	v3 =	vld [tilespmem:$0x340]  }
0x91: {  	v55 =	vld [tilespmem:$0x350];
	[tilespmem:$0xAF0] =	vst v2;
	v2 =	vadd.s32 v1, v51  }
0x92: {  	v56 =	vld [tilespmem:$0x360];
	[tilespmem:$0xB00] =	vst v2;
	v2 =	vadd.s32 v1, v52  }
0x93: {  	v57 =	vld [tilespmem:$0x370];
	[tilespmem:$0xB10] =	vst v2;
	v2 =	vadd.s32 v1, v53  }
0x94: {  	v58 =	vld [tilespmem:$0x380];
	[tilespmem:$0xB20] =	vst v2;
	v2 =	vadd.s32 v1, v54  }
0x95: {  	[tilespmem:$0xB30] =	vst v2;
	v2 =	vadd.s32 v1, v3;
	v3 =	vld [tilespmem:$0x390]  }
0x96: {  	v59 =	vld [tilespmem:$0x3A0];
	[tilespmem:$0xB40] =	vst v2;
	v2 =	vadd.s32 v1, v55  }
0x97: {  	v60 =	vld [tilespmem:$0x3B0];
	[tilespmem:$0xB50] =	vst v2;
	v2 =	vadd.s32 v1, v56  }
0x98: {  	v61 =	vld [tilespmem:$0x3C0];
	[tilespmem:$0xB60] =	vst v2;
	v2 =	vadd.s32 v1, v57  }
0x99: {  	v62 =	vld [tilespmem:$0x3D0];
	[tilespmem:$0xB70] =	vst v2;
	v2 =	vadd.s32 v1, v58  }
0x9a: {  	[tilespmem:$0xB80] =	vst v2;
	v2 =	vadd.s32 v1, v3;
	v3 =	vld [tilespmem:$0x3E0]  }
0x9b: {  	v63 =	vld [tilespmem:$0x3F0];
	[tilespmem:$0xB90] =	vst v2;
	v2 =	vadd.s32 v1, v59  }
0x9c: {  	[tilespmem:$0xBA0] =	vst v2;
	v2 =	vadd.s32 v1, v60  }
0x9d: {  	[tilespmem:$0xBB0] =	vst v2;
	v2 =	vadd.s32 v1, v61  }
0x9e: {  	s10 =	rddreg [dreg:$0x6];
	[tilespmem:$0xBC0] =	vst v2;
	v2 =	vadd.s32 v1, v62  }
0x9f: {  	s8 =	rddreg [dreg:$0x7];
	[tilespmem:$0xBD0] =	vst v2;
	v2 =	vadd.s32 v1, v3  }
0xa0: {  	s9 =	rddreg [dreg:$0x8];
	[tilespmem:$0xBE0] =	vst v2;
	v2 =	vadd.s32 v1, v63  }
0xa1: {  	s0 =	rddreg [dreg:$0x9];
	[tilespmem:$0xBF0] =	vst v2  }
0xa2: {  	[tilespmem:s7], [sflag:$0x1] =	stream.indirect.gather [hbm4b:s1+s6], $0x1, s10, s6, $0xb8;
	[tilespmem:$0x1400] =	vst v63  }
0xa3: {  	s10 =	rddreg [dreg:$0xc]  }
0xa4: {  	[tilespmem:s9], [sflag:$0x1] =	stream.indirect.gather [hbm4b:s1+s6], $0x1, s8, s6, $0xb8;
	[tilespmem:$0x1400] =	vst v63  }
0xa5: {  	s8 =	rddreg [dreg:$0xa]  }
0xa6: {  	[tilespmem:s8], [sflag:$0x1] =	stream.indirect.gather [hbm4b:s1+s6], $0x1, s0, s6, $0xb8;
	[tilespmem:$0x1400] =	vst v63  }
0xa7: {  	s9 =	rddreg [dreg:$0xb]  }
0xa8: {  	[tilespmem:s10], [sflag:$0x1] =	stream.indirect.gather [hbm4b:s1+s6], $0x1, s9, s6, $0xb8;
	[tilespmem:$0x1400] =	vst v63  }
0xa9: {  	s8 =	rddreg [dreg:$0xd];
	s10 =	simm.s32 $0xE00  }
0xaa: {  	[tilespmem:s10], [sflag:$0x1] =	stream.indirect.gather [hbm4b:s1+s6], $0x1, s8, s6, $0xb8;
	[tilespmem:$0x1400] =	vst v63  }
0xab: {  	s9 =	simm.s32 $0xE80;
	s8 =	simm.s32 $0x680  }
0xac: {  	[tilespmem:s9], [sflag:$0x1] =	stream.indirect.gather [hbm4b:s1+s6], $0x1, s8, s6, $0xb8;
	[tilespmem:$0x1400] =	vst v63  }
0xad: {  	_ = 	snop  }
0xae: {  	[tilespmem:s12], [sflag:$0x1] =	stream.indirect.gather [hbm4b:s1+s6], $0x1, s11, s6, $0xb8;
	[tilespmem:$0x1400] =	vst v63  }
0xaf: {  	_ = 	snop  }
0xb0: {  	[tilespmem:s14], [sflag:$0x1] =	stream.indirect.gather [hbm4b:s1+s6], $0x1, s13, s6, $0xb8;
	[tilespmem:$0x1400] =	vst v63  }
0xb1: {  	_ = 	snop  }
0xb2: {  	[tilespmem:s16], [sflag:$0x1] =	stream.indirect.gather [hbm4b:s1+s6], $0x1, s15, s6, $0xb8;
	[tilespmem:$0x1400] =	vst v63  }
0xb3: {  	_ = 	snop  }
0xb4: {  	[tilespmem:s18], [sflag:$0x1] =	stream.indirect.gather [hbm4b:s1+s6], $0x1, s17, s6, $0xb8;
	[tilespmem:$0x1400] =	vst v63  }
0xb5: {  	_ = 	snop  }
0xb6: {  	[tilespmem:s20], [sflag:$0x1] =	stream.indirect.gather [hbm4b:s1+s6], $0x1, s19, s6, $0xb8;
	[tilespmem:$0x1400] =	vst v63  }
0xb7: {  	_ = 	snop  }
0xb8: {  	[tilespmem:s22], [sflag:$0x1] =	stream.indirect.gather [hbm4b:s1+s6], $0x1, s21, s6, $0xb8;
	[tilespmem:$0x1400] =	vst v63  }
0xb9: {  	_ = 	snop  }
0xba: {  	[tilespmem:s24], [sflag:$0x1] =	stream.indirect.gather [hbm4b:s1+s6], $0x1, s23, s6, $0xb8;
	[tilespmem:$0x1400] =	vst v63  }
0xbb: {  	_ = 	snop  }
0xbc: {  	[tilespmem:s26], [sflag:$0x1] =	stream.indirect.gather [hbm4b:s1+s6], $0x1, s25, s6, $0xb8;
	[tilespmem:$0x1400] =	vst v63  }
0xbd: {  	_ = 	snop  }
0xbe: {  	[tilespmem:s29], [sflag:$0x1] =	stream.indirect.gather [hbm4b:s1+s6], $0x1, s28, s6, $0xb8;
	[tilespmem:$0x1400] =	vst v63  }
0xbf: {  	_ = 	snop  }
0xc0: {  	[tilespmem:s31], [sflag:$0x1] =	stream.indirect.gather [hbm4b:s1+s6], $0x1, s30, s6, $0xb8;
	[tilespmem:$0x1400] =	vst v63  }
0xc1: {  	_ =	swait.ge [sflag:s2], $0x80  }
0xc2: {  	[sflag:s2] =	ssyncset.done $0x0  }
0xc3: {  	[sflag:s2] =	ssyncadd.s32 $0xFFFFFF80  }
0xc4: {  	_ =	swait.ge [sflag:s2], $0x80  }
0xc5: {  	[sflag:s2] =	ssyncset.done $0x0  }
0xc6: {  	[sflag:s2] =	ssyncadd.s32 $0xFFFFFF80  }
0xc7: {  	_ =	swait.ge [sflag:s2], $0x80  }
0xc8: {  	[sflag:s2] =	ssyncset.done $0x0  }
0xc9: {  	[sflag:s2] =	ssyncadd.s32 $0xFFFFFF80  }
0xca: {  	_ =	swait.ge [sflag:s2], $0x80  }
0xcb: {  	[sflag:s2] =	ssyncset.done $0x0  }
0xcc: {  	[sflag:s2] =	ssyncadd.s32 $0xFFFFFF80  }
0xcd: {  	_ =	swait.ge [sflag:s2], $0x80  }
0xce: {  	[sflag:s2] =	ssyncset.done $0x0  }
0xcf: {  	[sflag:s2] =	ssyncadd.s32 $0xFFFFFF80  }
0xd0: {  	_ =	swait.ge [sflag:s2], $0x80  }
0xd1: {  	[sflag:s2] =	ssyncset.done $0x0  }
0xd2: {  	[sflag:s2] =	ssyncadd.s32 $0xFFFFFF80  }
0xd3: {  	_ =	swait.ge [sflag:s2], $0x80  }
0xd4: {  	[sflag:s2] =	ssyncset.done $0x0  }
0xd5: {  	[sflag:s2] =	ssyncadd.s32 $0xFFFFFF80  }
0xd6: {  	_ =	swait.ge [sflag:s2], $0x80  }
0xd7: {  	[sflag:s2] =	ssyncset.done $0x0  }
0xd8: {  	[sflag:s2] =	ssyncadd.s32 $0xFFFFFF80  }
0xd9: {  	_ =	swait.ge [sflag:s2], $0x80  }
0xda: {  	[sflag:s2] =	ssyncset.done $0x0  }
0xdb: {  	[sflag:s2] =	ssyncadd.s32 $0xFFFFFF80  }
0xdc: {  	_ =	swait.ge [sflag:s2], $0x80  }
0xdd: {  	[sflag:s2] =	ssyncset.done $0x0  }
0xde: {  	[sflag:s2] =	ssyncadd.s32 $0xFFFFFF80  }
0xdf: {  	_ =	swait.ge [sflag:s2], $0x80  }
0xe0: {  	[sflag:s2] =	ssyncset.done $0x0  }
0xe1: {  	[sflag:s2] =	ssyncadd.s32 $0xFFFFFF80  }
0xe2: {  	_ =	swait.ge [sflag:s2], $0x80  }
0xe3: {  	[sflag:s2] =	ssyncset.done $0x0  }
0xe4: {  	[sflag:s2] =	ssyncadd.s32 $0xFFFFFF80  }
0xe5: {  	_ =	swait.ge [sflag:s2], $0x80  }
0xe6: {  	[sflag:s2] =	ssyncset.done $0x0  }
0xe7: {  	[sflag:s2] =	ssyncadd.s32 $0xFFFFFF80  }
0xe8: {  	_ =	swait.ge [sflag:s2], $0x80  }
0xe9: {  	[sflag:s2] =	ssyncset.done $0x0  }
0xea: {  	[sflag:s2] =	ssyncadd.s32 $0xFFFFFF80  }
0xeb: {  	_ =	swait.ge [sflag:s2], $0x80  }
0xec: {  	[sflag:s2] =	ssyncset.done $0x0  }
0xed: {  	[sflag:s2] =	ssyncadd.s32 $0xFFFFFF80  }
0xee: {  	_ =	swait.ge [sflag:s2], $0x80  }
0xef: {  	p0 =	sne.s32 s4, $0x1;
	[sflag:s2] =	ssyncset.done $0x0  }
.Ltmp0:
0xf0: {  	s10 =	rddreg [dreg:$0x5];
	[sflag:s2] =	ssyncadd.s32 $0xFFFFFF80;
	(pc) =	sbr.rel @p0 .LBB2_1-.Ltmp0, $4  }
0xf1: {  	[hbm4b:s10+s3] =	stream.linear.scatter [tilespmem:s7], [sflag:$0x2], $0x800, $0x38;
	[tilespmem:$0x1400] =	vst v63  }
0xf2: {  	_ =	swait.ge [sflag:s5], $0x800  }
0xf3: {  	[sflag:s5] =	ssyncset.done $0x0  }
0xf4: {  	s4 =	sadd.s32 $0xFFFFFFFF, s4;
	[sflag:s5] =	ssyncadd.s32 $0xFFFFF800  }
0xf5: {  	_ =	sfence.sel $0x180000  }
0xf6: {  	[bflag:$0x0] =	sbarrier.arrive $0xFFFF  }
0xf7: {  	_ =	strace $0x90000047  }
0xf8: {  	s0 =	stileid.u32;
	[bflag:$0x2] =	sbarrier.arrive $0xFFFF  }
0xf9: {  	p0 =	sne.s32 s0, $0x0;
	s0 =	rddreg [dreg:$0x3]  }
0xfa: {  	s0 =	sadd.s32 @!p0 $0x100000, s0  }
0xfb: {  	[sflag:s0] =	ssyncadd.tile.s32 @!p0 $0x1;
	_ =	shalt  }
.Lfunc_end2:
_tile_overlayer_lowered:
.L_overlay_start_2:
0xfc: {  	(tag) =	ssettag $0x2  }
0xfd: {  	s0 =	rddreg [dreg:$0x0];
	s2 =	stileid.u32  }
0xfe: {  	s1 =	rddreg [dreg:$0x1];
	p0 =	sne.s32 s2, $0x0  }
0xff: {  	s3 =	rddreg [dreg:$0x2];
	[bflag:$0x3] =	sbarrier.arrive $0xFFFF;
	s2 =	simm.s32 @!p0 $0x1C02  }
0x100: {  	[timem:s3], [sflag:s2] =	dma.local @!p0 [hbm:s0], s1  }
0x101: {  	s0 =	simm.s32 @!p0 $0x2  }
0x102: {  	_ =	swait.ge @!p0 [sflag:s0], s1  }
0x103: {  	s1 =	ssub.s32 @!p0 $0x0, s1;
	[sflag:s0] =	ssyncset.done @!p0 $0x0  }
0x104: {  	[sflag:s0] =	ssyncadd.s32 @!p0 s1  }
0x105: {  	[bflag:$0x3] =	sbarrier.arrive $0xFFFF  }
0x106: {  	_ =	shalt  }

</sc_bundles>
